<compile_context>
chip_gen: v7x
topology: tpu7x:2x2x1
jax: 0.10.2.dev20260603
libtpu: 0.0.44.dev20260713+nightly
codegen_flags: <defaults>
</compile_context>

<pallas_src>
import functools

import jax
import jax.numpy as jnp
from jax import lax
from jax.experimental import pallas as pl
from jax.experimental.pallas import tpu as pltpu
from jax.experimental.pallas import tpu_sc as plsc

N_ROWS = 100000
D = 128
NSEG = 64
G = 128
NC = 2
NS = 16
NW = NC * NS
ROWS_PER_W = N_ROWS // NW
N_BIG = (ROWS_PER_W - 8) // G
NBUF = 6
AHEAD = NBUF - 2
BC_COLS = 12544
BC_GRID = BC_COLS // 128


def _tc_finish(sums_ref, cnts_ref, out_ref):
    s = sums_ref[0] + sums_ref[1]
    c = cnts_ref[0] + cnts_ref[1]
    out_ref[...] = s / jnp.maximum(c, 1.0)


def kernel(x, batch_index):
    bi = batch_index.astype(jnp.int32)
    mesh = plsc.VectorSubcoreMesh(core_axis_name="c", subcore_axis_name="s")

    @functools.partial(
        pl.kernel,
        mesh=mesh,
        out_type=[
            jax.ShapeDtypeStruct((NC, NSEG, D), jnp.float32),
            jax.ShapeDtypeStruct((NC, NSEG, D), jnp.float32),
        ],
        scratch_types=(
            [pltpu.VMEM((G, D), jnp.float32) for _ in range(NBUF)]
            + [pltpu.VMEM((G,), jnp.int32) for _ in range(NBUF)]
            + [
                pltpu.VMEM((G, D), jnp.float32),
                pltpu.VMEM((8, D), jnp.float32),
                pltpu.VMEM((8,), jnp.int32),
                pltpu.VMEM((4, D), jnp.float32),
                pltpu.VMEM_SHARED((NSEG, D), jnp.float32),
                pltpu.VMEM_SHARED((NSEG, D), jnp.float32),
            ]
            + [pltpu.SemaphoreType.DMA for _ in range(4 * NBUF)]
        ),
    )
    def sc_seg(x_hbm, bi_hbm, sums_out, cnts_out, *refs):
        rows_b = refs[0:NBUF]
        idx_b = refs[NBUF:2 * NBUF]
        ones_v, rows8_v, idx8_v, z_v, sums_sh, cnts_sh = (
            refs[2 * NBUF:2 * NBUF + 6])
        sem_gr = refs[2 * NBUF + 6:2 * NBUF + 6 + NBUF]
        sem_gi = refs[2 * NBUF + 6 + NBUF:2 * NBUF + 6 + 2 * NBUF]
        sem_s = refs[2 * NBUF + 6 + 2 * NBUF:2 * NBUF + 6 + 3 * NBUF]
        sem_c = refs[2 * NBUF + 6 + 3 * NBUF:]

        c = lax.axis_index("c")
        s = lax.axis_index("s")
        wid = c * NS + s

        zero16 = jnp.zeros((16,), jnp.float32)
        one16 = jnp.ones((16,), jnp.float32)
        for r in range(4):
            for j in range(D // 16):
                z_v[r, pl.ds(j * 16, 16)] = zero16

        def ones_body(r, carry):
            for j in range(D // 16):
                ones_v[r, pl.ds(j * 16, 16)] = one16
            return carry

        lax.fori_loop(0, G, ones_body, None)

        pltpu.sync_copy(z_v, sums_sh.at[pl.ds(s * 4, 4)])
        pltpu.sync_copy(z_v, cnts_sh.at[pl.ds(s * 4, 4)])
        plsc.subcore_barrier()

        start = (wid * ROWS_PER_W) & -8
        end = jnp.where(wid == NW - 1, N_ROWS, ((wid + 1) * ROWS_PER_W) & -8)
        tail0 = start + N_BIG * G
        n_tail = (end - tail0) // 8

        gathers = {}
        scatters = {}

        def issue_gather(g):
            b = g % NBUF
            off = pl.multiple_of(start + g * G, 8)
            gathers[g] = (
                pltpu.async_copy(x_hbm.at[pl.ds(off, G)], rows_b[b], sem_gr[b]),
                pltpu.async_copy(bi_hbm.at[pl.ds(off, G)], idx_b[b], sem_gi[b]),
            )

        for g in range(AHEAD):
            issue_gather(g)
        for g in range(N_BIG):
            b = g % NBUF
            for d in gathers.pop(g):
                d.wait()
            scatters[g] = (
                pltpu.async_copy(
                    rows_b[b], sums_sh.at[idx_b[b]], sem_s[b], add=True),
                pltpu.async_copy(
                    ones_v, cnts_sh.at[idx_b[b]], sem_c[b], add=True),
            )
            if g + AHEAD < N_BIG:
                prev = g + AHEAD - NBUF
                if prev >= 0:
                    for d in scatters.pop(prev):
                        d.wait()
                issue_gather(g + AHEAD)
        for g in sorted(scatters):
            for d in scatters.pop(g):
                d.wait()

        def tail_body(t, carry):
            off = pl.multiple_of(tail0 + t * 8, 8)
            pltpu.sync_copy(x_hbm.at[pl.ds(off, 8)], rows8_v)
            pltpu.sync_copy(bi_hbm.at[pl.ds(off, 8)], idx8_v)
            pltpu.sync_copy(rows8_v, sums_sh.at[idx8_v], add=True)
            pltpu.sync_copy(
                ones_v.at[pl.ds(0, 8)], cnts_sh.at[idx8_v], add=True)
            return carry

        lax.fori_loop(0, n_tail, tail_body, None)

        plsc.subcore_barrier()

        @pl.when(s == 0)
        def _():
            pltpu.sync_copy(sums_sh, sums_out.at[c])
            pltpu.sync_copy(cnts_sh, cnts_out.at[c])

    sums, cnts = sc_seg(x, bi)

    out = pl.pallas_call(
        _tc_finish,
        out_shape=jax.ShapeDtypeStruct((NSEG, D), jnp.float32),
    )(sums, cnts)
    return out

# --- scband reference (transcript-rebuilt; emitter-appended) ---
"""Pipeline reference for scband-dagpooling-55825984914167 (READ-ONLY COPY).

The authoritative reference and input builder live on the scoring server;
editing this copy changes nothing except your own understanding.
"""

import jax, jax.numpy as jnp
import numpy as np

NUM_SEGMENTS = 64

def setup_inputs(seed: int = 0) -> dict:
    key = jax.random.key(seed)
    k1, k2 = jax.random.split(key)
    x = jax.random.normal(k1, (100000, 128), dtype=jnp.float32)
    batch_index = jnp.sort(jax.random.randint(k2, (100000,), 0, NUM_SEGMENTS, dtype=jnp.int64))
    return {"x": x, "batch_index": batch_index}

def reference(x, batch_index):
    # global_mean_pool: per-segment mean of node features
    sums = jax.ops.segment_sum(x, batch_index, num_segments=NUM_SEGMENTS)
    counts = jnp.bincount(batch_index, length=NUM_SEGMENTS).astype(x.dtype)
    out = sums / jnp.maximum(counts, 1.0)[:, None]
    return out

if __name__ == "__main__":
    import jax
    _d = setup_inputs()
    print(jax.jit(kernel)(*tuple(_d.values())))

</pallas_src>

<mosaic_0001>
#map = affine_map<(d0, d1) -> (0, 0)>
#map1 = affine_map<(d0, d1) -> (0)>
#map2 = affine_map<(d0, d1) -> (0, 0, 0)>
module attributes {stable_mosaic.version = 14 : i64} {
  func.func @sc_seg(%arg0: i32, %arg1: i32, %arg2: memref<100000x128xf32, #tpu.memory_space<hbm>>, %arg3: memref<100000xi32, #tpu.memory_space<hbm>>, %arg4: memref<2x64x128xf32, #tpu.memory_space<hbm>>, %arg5: memref<2x64x128xf32, #tpu.memory_space<hbm>>, %arg6: memref<128x128xf32, #tpu.memory_space<vmem>>, %arg7: memref<128x128xf32, #tpu.memory_space<vmem>>, %arg8: memref<128x128xf32, #tpu.memory_space<vmem>>, %arg9: memref<128x128xf32, #tpu.memory_space<vmem>>, %arg10: memref<128x128xf32, #tpu.memory_space<vmem>>, %arg11: memref<128x128xf32, #tpu.memory_space<vmem>>, %arg12: memref<128xi32, #tpu.memory_space<vmem>>, %arg13: memref<128xi32, #tpu.memory_space<vmem>>, %arg14: memref<128xi32, #tpu.memory_space<vmem>>, %arg15: memref<128xi32, #tpu.memory_space<vmem>>, %arg16: memref<128xi32, #tpu.memory_space<vmem>>, %arg17: memref<128xi32, #tpu.memory_space<vmem>>, %arg18: memref<128x128xf32, #tpu.memory_space<vmem>>, %arg19: memref<8x128xf32, #tpu.memory_space<vmem>>, %arg20: memref<8xi32, #tpu.memory_space<vmem>>, %arg21: memref<4x128xf32, #tpu.memory_space<vmem>>, %arg22: memref<64x128xf32, #tpu.memory_space<vmem_shared>>, %arg23: memref<64x128xf32, #tpu.memory_space<vmem_shared>>, %arg24: memref<!tpu.dma_semaphore, #tpu.memory_space<semaphore_mem>>, %arg25: memref<!tpu.dma_semaphore, #tpu.memory_space<semaphore_mem>>, %arg26: memref<!tpu.dma_semaphore, #tpu.memory_space<semaphore_mem>>, %arg27: memref<!tpu.dma_semaphore, #tpu.memory_space<semaphore_mem>>, %arg28: memref<!tpu.dma_semaphore, #tpu.memory_space<semaphore_mem>>, %arg29: memref<!tpu.dma_semaphore, #tpu.memory_space<semaphore_mem>>, %arg30: memref<!tpu.dma_semaphore, #tpu.memory_space<semaphore_mem>>, %arg31: memref<!tpu.dma_semaphore, #tpu.memory_space<semaphore_mem>>, %arg32: memref<!tpu.dma_semaphore, #tpu.memory_space<semaphore_mem>>, %arg33: memref<!tpu.dma_semaphore, #tpu.memory_space<semaphore_mem>>, %arg34: memref<!tpu.dma_semaphore, #tpu.memory_space<semaphore_mem>>, %arg35: memref<!tpu.dma_semaphore, #tpu.memory_space<semaphore_mem>>, %arg36: memref<!tpu.dma_semaphore, #tpu.memory_space<semaphore_mem>>, %arg37: memref<!tpu.dma_semaphore, #tpu.memory_space<semaphore_mem>>, %arg38: memref<!tpu.dma_semaphore, #tpu.memory_space<semaphore_mem>>, %arg39: memref<!tpu.dma_semaphore, #tpu.memory_space<semaphore_mem>>, %arg40: memref<!tpu.dma_semaphore, #tpu.memory_space<semaphore_mem>>, %arg41: memref<!tpu.dma_semaphore, #tpu.memory_space<semaphore_mem>>, %arg42: memref<!tpu.dma_semaphore, #tpu.memory_space<semaphore_mem>>, %arg43: memref<!tpu.dma_semaphore, #tpu.memory_space<semaphore_mem>>, %arg44: memref<!tpu.dma_semaphore, #tpu.memory_space<semaphore_mem>>, %arg45: memref<!tpu.dma_semaphore, #tpu.memory_space<semaphore_mem>>, %arg46: memref<!tpu.dma_semaphore, #tpu.memory_space<semaphore_mem>>, %arg47: memref<!tpu.dma_semaphore, #tpu.memory_space<semaphore_mem>>) attributes {dimension_semantics = [#tpu.dimension_semantics<core_parallel>, #tpu.dimension_semantics<subcore_parallel>], iteration_bounds = array<i64: 2, 16>, scalar_prefetch = 0 : i64, scratch_operands = 42 : i64, tpu.core_type = #tpu.core_type<sc_vector_subcore>, window_params = [{transform_indices = #map}, {transform_indices = #map1}, {transform_indices = #map2}, {transform_indices = #map2}]} {
    %mul3A = arith.constant 16 : i32
    %mul3A_0 = arith.muli %arg0, %mul3A : i32
    %add3A = arith.addi %mul3A_0, %arg1 : i32
    %broadcast_in_dim3A = arith.constant 0.000000e+00 : f32
    %broadcast_in_dim3A_1 = vector.broadcast %broadcast_in_dim3A : f32 to vector<16xf32>
    %broadcast_in_dim3A_2 = arith.constant 1.000000e+00 : f32
    %broadcast_in_dim3A_3 = vector.broadcast %broadcast_in_dim3A_2 : f32 to vector<16xf32>
    %swap3A = arith.constant 0 : i32
    %swap3A_4 = arith.index_cast %swap3A : i32 to index
    %swap3A_5 = arith.constant 0 : index
    %swap3A_6 = tpu.vector_load %arg21[%swap3A_4, %swap3A_5] {strides = array<i32>} : memref<4x128xf32, #tpu.memory_space<vmem>>, vector<1x16xf32>,
    %swap3A_7 = vector.shape_cast %swap3A_6 : vector<1x16xf32> to vector<16xf32>
    %swap3A_8 = vector.shape_cast %broadcast_in_dim3A_1 : vector<16xf32> to vector<1x16xf32>
    tpu.vector_store %arg21[%swap3A_4, %swap3A_5], %swap3A_8 {strides = array<i32>} : memref<4x128xf32, #tpu.memory_space<vmem>>, vector<1x16xf32>,
    %swap3A_9 = arith.constant 0 : i32
    %swap3A_10 = arith.index_cast %swap3A_9 : i32 to index
    %swap3A_11 = arith.constant 16 : index
    %swap3A_12 = tpu.vector_load %arg21[%swap3A_10, %swap3A_11] {strides = array<i32>} : memref<4x128xf32, #tpu.memory_space<vmem>>, vector<1x16xf32>,
    %swap3A_13 = vector.shape_cast %swap3A_12 : vector<1x16xf32> to vector<16xf32>
    %swap3A_14 = vector.shape_cast %broadcast_in_dim3A_1 : vector<16xf32> to vector<1x16xf32>
    tpu.vector_store %arg21[%swap3A_10, %swap3A_11], %swap3A_14 {strides = array<i32>} : memref<4x128xf32, #tpu.memory_space<vmem>>, vector<1x16xf32>,
    %swap3A_15 = arith.constant 0 : i32
    %swap3A_16 = arith.index_cast %swap3A_15 : i32 to index
    %swap3A_17 = arith.constant 32 : index
    %swap3A_18 = tpu.vector_load %arg21[%swap3A_16, %swap3A_17] {strides = array<i32>} : memref<4x128xf32, #tpu.memory_space<vmem>>, vector<1x16xf32>,
    %swap3A_19 = vector.shape_cast %swap3A_18 : vector<1x16xf32> to vector<16xf32>
    %swap3A_20 = vector.shape_cast %broadcast_in_dim3A_1 : vector<16xf32> to vector<1x16xf32>
    tpu.vector_store %arg21[%swap3A_16, %swap3A_17], %swap3A_20 {strides = array<i32>} : memref<4x128xf32, #tpu.memory_space<vmem>>, vector<1x16xf32>,
    %swap3A_21 = arith.constant 0 : i32
    %swap3A_22 = arith.index_cast %swap3A_21 : i32 to index
    %swap3A_23 = arith.constant 48 : index
    %swap3A_24 = tpu.vector_load %arg21[%swap3A_22, %swap3A_23] {strides = array<i32>} : memref<4x128xf32, #tpu.memory_space<vmem>>, vector<1x16xf32>,
    %swap3A_25 = vector.shape_cast %swap3A_24 : vector<1x16xf32> to vector<16xf32>
    %swap3A_26 = vector.shape_cast %broadcast_in_dim3A_1 : vector<16xf32> to vector<1x16xf32>
    tpu.vector_store %arg21[%swap3A_22, %swap3A_23], %swap3A_26 {strides = array<i32>} : memref<4x128xf32, #tpu.memory_space<vmem>>, vector<1x16xf32>,
    %swap3A_27 = arith.constant 0 : i32
    %swap3A_28 = arith.index_cast %swap3A_27 : i32 to index
    %swap3A_29 = arith.constant 64 : index
    %swap3A_30 = tpu.vector_load %arg21[%swap3A_28, %swap3A_29] {strides = array<i32>} : memref<4x128xf32, #tpu.memory_space<vmem>>, vector<1x16xf32>,
    %swap3A_31 = vector.shape_cast %swap3A_30 : vector<1x16xf32> to vector<16xf32>
    %swap3A_32 = vector.shape_cast %broadcast_in_dim3A_1 : vector<16xf32> to vector<1x16xf32>
    tpu.vector_store %arg21[%swap3A_28, %swap3A_29], %swap3A_32 {strides = array<i32>} : memref<4x128xf32, #tpu.memory_space<vmem>>, vector<1x16xf32>,
    %swap3A_33 = arith.constant 0 : i32
    %swap3A_34 = arith.index_cast %swap3A_33 : i32 to index
    %swap3A_35 = arith.constant 80 : index
    %swap3A_36 = tpu.vector_load %arg21[%swap3A_34, %swap3A_35] {strides = array<i32>} : memref<4x128xf32, #tpu.memory_space<vmem>>, vector<1x16xf32>,
    %swap3A_37 = vector.shape_cast %swap3A_36 : vector<1x16xf32> to vector<16xf32>
    %swap3A_38 = vector.shape_cast %broadcast_in_dim3A_1 : vector<16xf32> to vector<1x16xf32>
    tpu.vector_store %arg21[%swap3A_34, %swap3A_35], %swap3A_38 {strides = array<i32>} : memref<4x128xf32, #tpu.memory_space<vmem>>, vector<1x16xf32>,
    %swap3A_39 = arith.constant 0 : i32
    %swap3A_40 = arith.index_cast %swap3A_39 : i32 to index
    %swap3A_41 = arith.constant 96 : index
    %swap3A_42 = tpu.vector_load %arg21[%swap3A_40, %swap3A_41] {strides = array<i32>} : memref<4x128xf32, #tpu.memory_space<vmem>>, vector<1x16xf32>,
    %swap3A_43 = vector.shape_cast %swap3A_42 : vector<1x16xf32> to vector<16xf32>
    %swap3A_44 = vector.shape_cast %broadcast_in_dim3A_1 : vector<16xf32> to vector<1x16xf32>
    tpu.vector_store %arg21[%swap3A_40, %swap3A_41], %swap3A_44 {strides = array<i32>} : memref<4x128xf32, #tpu.memory_space<vmem>>, vector<1x16xf32>,
    %swap3A_45 = arith.constant 0 : i32
    %swap3A_46 = arith.index_cast %swap3A_45 : i32 to index
    %swap3A_47 = arith.constant 112 : index
    %swap3A_48 = tpu.vector_load %arg21[%swap3A_46, %swap3A_47] {strides = array<i32>} : memref<4x128xf32, #tpu.memory_space<vmem>>, vector<1x16xf32>,
    %swap3A_49 = vector.shape_cast %swap3A_48 : vector<1x16xf32> to vector<16xf32>
    %swap3A_50 = vector.shape_cast %broadcast_in_dim3A_1 : vector<16xf32> to vector<1x16xf32>
    tpu.vector_store %arg21[%swap3A_46, %swap3A_47], %swap3A_50 {strides = array<i32>} : memref<4x128xf32, #tpu.memory_space<vmem>>, vector<1x16xf32>,
    %swap3A_51 = arith.constant 1 : i32
    %swap3A_52 = arith.index_cast %swap3A_51 : i32 to index
    %swap3A_53 = arith.constant 0 : index
    %swap3A_54 = tpu.vector_load %arg21[%swap3A_52, %swap3A_53] {strides = array<i32>} : memref<4x128xf32, #tpu.memory_space<vmem>>, vector<1x16xf32>,
    %swap3A_55 = vector.shape_cast %swap3A_54 : vector<1x16xf32> to vector<16xf32>
    %swap3A_56 = vector.shape_cast %broadcast_in_dim3A_1 : vector<16xf32> to vector<1x16xf32>
    tpu.vector_store %arg21[%swap3A_52, %swap3A_53], %swap3A_56 {strides = array<i32>} : memref<4x128xf32, #tpu.memory_space<vmem>>, vector<1x16xf32>,
    %swap3A_57 = arith.constant 1 : i32
    %swap3A_58 = arith.index_cast %swap3A_57 : i32 to index
    %swap3A_59 = arith.constant 16 : index
    %swap3A_60 = tpu.vector_load %arg21[%swap3A_58, %swap3A_59] {strides = array<i32>} : memref<4x128xf32, #tpu.memory_space<vmem>>, vector<1x16xf32>,
    %swap3A_61 = vector.shape_cast %swap3A_60 : vector<1x16xf32> to vector<16xf32>
    %swap3A_62 = vector.shape_cast %broadcast_in_dim3A_1 : vector<16xf32> to vector<1x16xf32>
    tpu.vector_store %arg21[%swap3A_58, %swap3A_59], %swap3A_62 {strides = array<i32>} : memref<4x128xf32, #tpu.memory_space<vmem>>, vector<1x16xf32>,
    %swap3A_63 = arith.constant 1 : i32
    %swap3A_64 = arith.index_cast %swap3A_63 : i32 to index
    %swap3A_65 = arith.constant 32 : index
    %swap3A_66 = tpu.vector_load %arg21[%swap3A_64, %swap3A_65] {strides = array<i32>} : memref<4x128xf32, #tpu.memory_space<vmem>>, vector<1x16xf32>,
    %swap3A_67 = vector.shape_cast %swap3A_66 : vector<1x16xf32> to vector<16xf32>
    %swap3A_68 = vector.shape_cast %broadcast_in_dim3A_1 : vector<16xf32> to vector<1x16xf32>
    tpu.vector_store %arg21[%swap3A_64, %swap3A_65], %swap3A_68 {strides = array<i32>} : memref<4x128xf32, #tpu.memory_space<vmem>>, vector<1x16xf32>,
    %swap3A_69 = arith.constant 1 : i32
    %swap3A_70 = arith.index_cast %swap3A_69 : i32 to index
    %swap3A_71 = arith.constant 48 : index
    %swap3A_72 = tpu.vector_load %arg21[%swap3A_70, %swap3A_71] {strides = array<i32>} : memref<4x128xf32, #tpu.memory_space<vmem>>, vector<1x16xf32>,
    %swap3A_73 = vector.shape_cast %swap3A_72 : vector<1x16xf32> to vector<16xf32>
    %swap3A_74 = vector.shape_cast %broadcast_in_dim3A_1 : vector<16xf32> to vector<1x16xf32>
    tpu.vector_store %arg21[%swap3A_70, %swap3A_71], %swap3A_74 {strides = array<i32>} : memref<4x128xf32, #tpu.memory_space<vmem>>, vector<1x16xf32>,
    %swap3A_75 = arith.constant 1 : i32
    %swap3A_76 = arith.index_cast %swap3A_75 : i32 to index
    %swap3A_77 = arith.constant 64 : index
    %swap3A_78 = tpu.vector_load %arg21[%swap3A_76, %swap3A_77] {strides = array<i32>} : memref<4x128xf32, #tpu.memory_space<vmem>>, vector<1x16xf32>,
    %swap3A_79 = vector.shape_cast %swap3A_78 : vector<1x16xf32> to vector<16xf32>
    %swap3A_80 = vector.shape_cast %broadcast_in_dim3A_1 : vector<16xf32> to vector<1x16xf32>
    tpu.vector_store %arg21[%swap3A_76, %swap3A_77], %swap3A_80 {strides = array<i32>} : memref<4x128xf32, #tpu.memory_space<vmem>>, vector<1x16xf32>,
    %swap3A_81 = arith.constant 1 : i32
    %swap3A_82 = arith.index_cast %swap3A_81 : i32 to index
    %swap3A_83 = arith.constant 80 : index
    %swap3A_84 = tpu.vector_load %arg21[%swap3A_82, %swap3A_83] {strides = array<i32>} : memref<4x128xf32, #tpu.memory_space<vmem>>, vector<1x16xf32>,
    %swap3A_85 = vector.shape_cast %swap3A_84 : vector<1x16xf32> to vector<16xf32>
    %swap3A_86 = vector.shape_cast %broadcast_in_dim3A_1 : vector<16xf32> to vector<1x16xf32>
    tpu.vector_store %arg21[%swap3A_82, %swap3A_83], %swap3A_86 {strides = array<i32>} : memref<4x128xf32, #tpu.memory_space<vmem>>, vector<1x16xf32>,
    %swap3A_87 = arith.constant 1 : i32
    %swap3A_88 = arith.index_cast %swap3A_87 : i32 to index
    %swap3A_89 = arith.constant 96 : index
    %swap3A_90 = tpu.vector_load %arg21[%swap3A_88, %swap3A_89] {strides = array<i32>} : memref<4x128xf32, #tpu.memory_space<vmem>>, vector<1x16xf32>,
    %swap3A_91 = vector.shape_cast %swap3A_90 : vector<1x16xf32> to vector<16xf32>
    %swap3A_92 = vector.shape_cast %broadcast_in_dim3A_1 : vector<16xf32> to vector<1x16xf32>
    tpu.vector_store %arg21[%swap3A_88, %swap3A_89], %swap3A_92 {strides = array<i32>} : memref<4x128xf32, #tpu.memory_space<vmem>>, vector<1x16xf32>,
    %swap3A_93 = arith.constant 1 : i32
    %swap3A_94 = arith.index_cast %swap3A_93 : i32 to index
    %swap3A_95 = arith.constant 112 : index
    %swap3A_96 = tpu.vector_load %arg21[%swap3A_94, %swap3A_95] {strides = array<i32>} : memref<4x128xf32, #tpu.memory_space<vmem>>, vector<1x16xf32>,
    %swap3A_97 = vector.shape_cast %swap3A_96 : vector<1x16xf32> to vector<16xf32>
    %swap3A_98 = vector.shape_cast %broadcast_in_dim3A_1 : vector<16xf32> to vector<1x16xf32>
    tpu.vector_store %arg21[%swap3A_94, %swap3A_95], %swap3A_98 {strides = array<i32>} : memref<4x128xf32, #tpu.memory_space<vmem>>, vector<1x16xf32>,
    %swap3A_99 = arith.constant 2 : i32
    %swap3A_100 = arith.index_cast %swap3A_99 : i32 to index
    %swap3A_101 = arith.constant 0 : index
    %swap3A_102 = tpu.vector_load %arg21[%swap3A_100, %swap3A_101] {strides = array<i32>} : memref<4x128xf32, #tpu.memory_space<vmem>>, vector<1x16xf32>,
    %swap3A_103 = vector.shape_cast %swap3A_102 : vector<1x16xf32> to vector<16xf32>
    %swap3A_104 = vector.shape_cast %broadcast_in_dim3A_1 : vector<16xf32> to vector<1x16xf32>
    tpu.vector_store %arg21[%swap3A_100, %swap3A_101], %swap3A_104 {strides = array<i32>} : memref<4x128xf32, #tpu.memory_space<vmem>>, vector<1x16xf32>,
    %swap3A_105 = arith.constant 2 : i32
    %swap3A_106 = arith.index_cast %swap3A_105 : i32 to index
    %swap3A_107 = arith.constant 16 : index
    %swap3A_108 = tpu.vector_load %arg21[%swap3A_106, %swap3A_107] {strides = array<i32>} : memref<4x128xf32, #tpu.memory_space<vmem>>, vector<1x16xf32>,
    %swap3A_109 = vector.shape_cast %swap3A_108 : vector<1x16xf32> to vector<16xf32>
    %swap3A_110 = vector.shape_cast %broadcast_in_dim3A_1 : vector<16xf32> to vector<1x16xf32>
    tpu.vector_store %arg21[%swap3A_106, %swap3A_107], %swap3A_110 {strides = array<i32>} : memref<4x128xf32, #tpu.memory_space<vmem>>, vector<1x16xf32>,
    %swap3A_111 = arith.constant 2 : i32
    %swap3A_112 = arith.index_cast %swap3A_111 : i32 to index
    %swap3A_113 = arith.constant 32 : index
    %swap3A_114 = tpu.vector_load %arg21[%swap3A_112, %swap3A_113] {strides = array<i32>} : memref<4x128xf32, #tpu.memory_space<vmem>>, vector<1x16xf32>,
    %swap3A_115 = vector.shape_cast %swap3A_114 : vector<1x16xf32> to vector<16xf32>
    %swap3A_116 = vector.shape_cast %broadcast_in_dim3A_1 : vector<16xf32> to vector<1x16xf32>
    tpu.vector_store %arg21[%swap3A_112, %swap3A_113], %swap3A_116 {strides = array<i32>} : memref<4x128xf32, #tpu.memory_space<vmem>>, vector<1x16xf32>,
    %swap3A_117 = arith.constant 2 : i32
    %swap3A_118 = arith.index_cast %swap3A_117 : i32 to index
    %swap3A_119 = arith.constant 48 : index
    %swap3A_120 = tpu.vector_load %arg21[%swap3A_118, %swap3A_119] {strides = array<i32>} : memref<4x128xf32, #tpu.memory_space<vmem>>, vector<1x16xf32>,
    %swap3A_121 = vector.shape_cast %swap3A_120 : vector<1x16xf32> to vector<16xf32>
    %swap3A_122 = vector.shape_cast %broadcast_in_dim3A_1 : vector<16xf32> to vector<1x16xf32>
    tpu.vector_store %arg21[%swap3A_118, %swap3A_119], %swap3A_122 {strides = array<i32>} : memref<4x128xf32, #tpu.memory_space<vmem>>, vector<1x16xf32>,
    %swap3A_123 = arith.constant 2 : i32
    %swap3A_124 = arith.index_cast %swap3A_123 : i32 to index
    %swap3A_125 = arith.constant 64 : index
    %swap3A_126 = tpu.vector_load %arg21[%swap3A_124, %swap3A_125] {strides = array<i32>} : memref<4x128xf32, #tpu.memory_space<vmem>>, vector<1x16xf32>,
    %swap3A_127 = vector.shape_cast %swap3A_126 : vector<1x16xf32> to vector<16xf32>
    %swap3A_128 = vector.shape_cast %broadcast_in_dim3A_1 : vector<16xf32> to vector<1x16xf32>
    tpu.vector_store %arg21[%swap3A_124, %swap3A_125], %swap3A_128 {strides = array<i32>} : memref<4x128xf32, #tpu.memory_space<vmem>>, vector<1x16xf32>,
    %swap3A_129 = arith.constant 2 : i32
    %swap3A_130 = arith.index_cast %swap3A_129 : i32 to index
    %swap3A_131 = arith.constant 80 : index
    %swap3A_132 = tpu.vector_load %arg21[%swap3A_130, %swap3A_131] {strides = array<i32>} : memref<4x128xf32, #tpu.memory_space<vmem>>, vector<1x16xf32>,
    %swap3A_133 = vector.shape_cast %swap3A_132 : vector<1x16xf32> to vector<16xf32>
    %swap3A_134 = vector.shape_cast %broadcast_in_dim3A_1 : vector<16xf32> to vector<1x16xf32>
    tpu.vector_store %arg21[%swap3A_130, %swap3A_131], %swap3A_134 {strides = array<i32>} : memref<4x128xf32, #tpu.memory_space<vmem>>, vector<1x16xf32>,
    %swap3A_135 = arith.constant 2 : i32
    %swap3A_136 = arith.index_cast %swap3A_135 : i32 to index
    %swap3A_137 = arith.constant 96 : index
    %swap3A_138 = tpu.vector_load %arg21[%swap3A_136, %swap3A_137] {strides = array<i32>} : memref<4x128xf32, #tpu.memory_space<vmem>>, vector<1x16xf32>,
    %swap3A_139 = vector.shape_cast %swap3A_138 : vector<1x16xf32> to vector<16xf32>
    %swap3A_140 = vector.shape_cast %broadcast_in_dim3A_1 : vector<16xf32> to vector<1x16xf32>
    tpu.vector_store %arg21[%swap3A_136, %swap3A_137], %swap3A_140 {strides = array<i32>} : memref<4x128xf32, #tpu.memory_space<vmem>>, vector<1x16xf32>,
    %swap3A_141 = arith.constant 2 : i32
    %swap3A_142 = arith.index_cast %swap3A_141 : i32 to index
    %swap3A_143 = arith.constant 112 : index
    %swap3A_144 = tpu.vector_load %arg21[%swap3A_142, %swap3A_143] {strides = array<i32>} : memref<4x128xf32, #tpu.memory_space<vmem>>, vector<1x16xf32>,
    %swap3A_145 = vector.shape_cast %swap3A_144 : vector<1x16xf32> to vector<16xf32>
    %swap3A_146 = vector.shape_cast %broadcast_in_dim3A_1 : vector<16xf32> to vector<1x16xf32>
    tpu.vector_store %arg21[%swap3A_142, %swap3A_143], %swap3A_146 {strides = array<i32>} : memref<4x128xf32, #tpu.memory_space<vmem>>, vector<1x16xf32>,
    %swap3A_147 = arith.constant 3 : i32
    %swap3A_148 = arith.index_cast %swap3A_147 : i32 to index
    %swap3A_149 = arith.constant 0 : index
    %swap3A_150 = tpu.vector_load %arg21[%swap3A_148, %swap3A_149] {strides = array<i32>} : memref<4x128xf32, #tpu.memory_space<vmem>>, vector<1x16xf32>,
    %swap3A_151 = vector.shape_cast %swap3A_150 : vector<1x16xf32> to vector<16xf32>
    %swap3A_152 = vector.shape_cast %broadcast_in_dim3A_1 : vector<16xf32> to vector<1x16xf32>
    tpu.vector_store %arg21[%swap3A_148, %swap3A_149], %swap3A_152 {strides = array<i32>} : memref<4x128xf32, #tpu.memory_space<vmem>>, vector<1x16xf32>,
    %swap3A_153 = arith.constant 3 : i32
    %swap3A_154 = arith.index_cast %swap3A_153 : i32 to index
    %swap3A_155 = arith.constant 16 : index
    %swap3A_156 = tpu.vector_load %arg21[%swap3A_154, %swap3A_155] {strides = array<i32>} : memref<4x128xf32, #tpu.memory_space<vmem>>, vector<1x16xf32>,
    %swap3A_157 = vector.shape_cast %swap3A_156 : vector<1x16xf32> to vector<16xf32>
    %swap3A_158 = vector.shape_cast %broadcast_in_dim3A_1 : vector<16xf32> to vector<1x16xf32>
    tpu.vector_store %arg21[%swap3A_154, %swap3A_155], %swap3A_158 {strides = array<i32>} : memref<4x128xf32, #tpu.memory_space<vmem>>, vector<1x16xf32>,
    %swap3A_159 = arith.constant 3 : i32
    %swap3A_160 = arith.index_cast %swap3A_159 : i32 to index
    %swap3A_161 = arith.constant 32 : index
    %swap3A_162 = tpu.vector_load %arg21[%swap3A_160, %swap3A_161] {strides = array<i32>} : memref<4x128xf32, #tpu.memory_space<vmem>>, vector<1x16xf32>,
    %swap3A_163 = vector.shape_cast %swap3A_162 : vector<1x16xf32> to vector<16xf32>
    %swap3A_164 = vector.shape_cast %broadcast_in_dim3A_1 : vector<16xf32> to vector<1x16xf32>
    tpu.vector_store %arg21[%swap3A_160, %swap3A_161], %swap3A_164 {strides = array<i32>} : memref<4x128xf32, #tpu.memory_space<vmem>>, vector<1x16xf32>,
    %swap3A_165 = arith.constant 3 : i32
    %swap3A_166 = arith.index_cast %swap3A_165 : i32 to index
    %swap3A_167 = arith.constant 48 : index
    %swap3A_168 = tpu.vector_load %arg21[%swap3A_166, %swap3A_167] {strides = array<i32>} : memref<4x128xf32, #tpu.memory_space<vmem>>, vector<1x16xf32>,
    %swap3A_169 = vector.shape_cast %swap3A_168 : vector<1x16xf32> to vector<16xf32>
    %swap3A_170 = vector.shape_cast %broadcast_in_dim3A_1 : vector<16xf32> to vector<1x16xf32>
    tpu.vector_store %arg21[%swap3A_166, %swap3A_167], %swap3A_170 {strides = array<i32>} : memref<4x128xf32, #tpu.memory_space<vmem>>, vector<1x16xf32>,
    %swap3A_171 = arith.constant 3 : i32
    %swap3A_172 = arith.index_cast %swap3A_171 : i32 to index
    %swap3A_173 = arith.constant 64 : index
    %swap3A_174 = tpu.vector_load %arg21[%swap3A_172, %swap3A_173] {strides = array<i32>} : memref<4x128xf32, #tpu.memory_space<vmem>>, vector<1x16xf32>,
    %swap3A_175 = vector.shape_cast %swap3A_174 : vector<1x16xf32> to vector<16xf32>
    %swap3A_176 = vector.shape_cast %broadcast_in_dim3A_1 : vector<16xf32> to vector<1x16xf32>
    tpu.vector_store %arg21[%swap3A_172, %swap3A_173], %swap3A_176 {strides = array<i32>} : memref<4x128xf32, #tpu.memory_space<vmem>>, vector<1x16xf32>,
    %swap3A_177 = arith.constant 3 : i32
    %swap3A_178 = arith.index_cast %swap3A_177 : i32 to index
    %swap3A_179 = arith.constant 80 : index
    %swap3A_180 = tpu.vector_load %arg21[%swap3A_178, %swap3A_179] {strides = array<i32>} : memref<4x128xf32, #tpu.memory_space<vmem>>, vector<1x16xf32>,
    %swap3A_181 = vector.shape_cast %swap3A_180 : vector<1x16xf32> to vector<16xf32>
    %swap3A_182 = vector.shape_cast %broadcast_in_dim3A_1 : vector<16xf32> to vector<1x16xf32>
    tpu.vector_store %arg21[%swap3A_178, %swap3A_179], %swap3A_182 {strides = array<i32>} : memref<4x128xf32, #tpu.memory_space<vmem>>, vector<1x16xf32>,
    %swap3A_183 = arith.constant 3 : i32
    %swap3A_184 = arith.index_cast %swap3A_183 : i32 to index
    %swap3A_185 = arith.constant 96 : index
    %swap3A_186 = tpu.vector_load %arg21[%swap3A_184, %swap3A_185] {strides = array<i32>} : memref<4x128xf32, #tpu.memory_space<vmem>>, vector<1x16xf32>,
    %swap3A_187 = vector.shape_cast %swap3A_186 : vector<1x16xf32> to vector<16xf32>
    %swap3A_188 = vector.shape_cast %broadcast_in_dim3A_1 : vector<16xf32> to vector<1x16xf32>
    tpu.vector_store %arg21[%swap3A_184, %swap3A_185], %swap3A_188 {strides = array<i32>} : memref<4x128xf32, #tpu.memory_space<vmem>>, vector<1x16xf32>,
    %swap3A_189 = arith.constant 3 : i32
    %swap3A_190 = arith.index_cast %swap3A_189 : i32 to index
    %swap3A_191 = arith.constant 112 : index
    %swap3A_192 = tpu.vector_load %arg21[%swap3A_190, %swap3A_191] {strides = array<i32>} : memref<4x128xf32, #tpu.memory_space<vmem>>, vector<1x16xf32>,
    %swap3A_193 = vector.shape_cast %swap3A_192 : vector<1x16xf32> to vector<16xf32>
    %swap3A_194 = vector.shape_cast %broadcast_in_dim3A_1 : vector<16xf32> to vector<1x16xf32>
    tpu.vector_store %arg21[%swap3A_190, %swap3A_191], %swap3A_194 {strides = array<i32>} : memref<4x128xf32, #tpu.memory_space<vmem>>, vector<1x16xf32>,
    %scan3A = arith.constant 0 : i32
    %scan3A_195 = arith.constant 128 : i32
    %scan3A_196 = arith.addi %scan3A, %scan3A_195 : i32
    %scan3A_197 = arith.constant 1 : i32
    scf.for %scan3A_892 = %scan3A to %scan3A_196 step %scan3A_197  : i32 {
      %swap3A_893 = arith.index_cast %scan3A_892 : i32 to index
      %swap3A_894 = arith.constant 0 : index
      %swap3A_895 = tpu.vector_load %arg18[%swap3A_893, %swap3A_894] {strides = array<i32>} : memref<128x128xf32, #tpu.memory_space<vmem>>, vector<1x16xf32>,
      %swap3A_896 = vector.shape_cast %swap3A_895 : vector<1x16xf32> to vector<16xf32>
      %swap3A_897 = vector.shape_cast %broadcast_in_dim3A_3 : vector<16xf32> to vector<1x16xf32>
      tpu.vector_store %arg18[%swap3A_893, %swap3A_894], %swap3A_897 {strides = array<i32>} : memref<128x128xf32, #tpu.memory_space<vmem>>, vector<1x16xf32>,
      %swap3A_898 = arith.index_cast %scan3A_892 : i32 to index
      %swap3A_899 = arith.constant 16 : index
      %swap3A_900 = tpu.vector_load %arg18[%swap3A_898, %swap3A_899] {strides = array<i32>} : memref<128x128xf32, #tpu.memory_space<vmem>>, vector<1x16xf32>,
      %swap3A_901 = vector.shape_cast %swap3A_900 : vector<1x16xf32> to vector<16xf32>
      %swap3A_902 = vector.shape_cast %broadcast_in_dim3A_3 : vector<16xf32> to vector<1x16xf32>
      tpu.vector_store %arg18[%swap3A_898, %swap3A_899], %swap3A_902 {strides = array<i32>} : memref<128x128xf32, #tpu.memory_space<vmem>>, vector<1x16xf32>,
      %swap3A_903 = arith.index_cast %scan3A_892 : i32 to index
      %swap3A_904 = arith.constant 32 : index
      %swap3A_905 = tpu.vector_load %arg18[%swap3A_903, %swap3A_904] {strides = array<i32>} : memref<128x128xf32, #tpu.memory_space<vmem>>, vector<1x16xf32>,
      %swap3A_906 = vector.shape_cast %swap3A_905 : vector<1x16xf32> to vector<16xf32>
      %swap3A_907 = vector.shape_cast %broadcast_in_dim3A_3 : vector<16xf32> to vector<1x16xf32>
      tpu.vector_store %arg18[%swap3A_903, %swap3A_904], %swap3A_907 {strides = array<i32>} : memref<128x128xf32, #tpu.memory_space<vmem>>, vector<1x16xf32>,
      %swap3A_908 = arith.index_cast %scan3A_892 : i32 to index
      %swap3A_909 = arith.constant 48 : index
      %swap3A_910 = tpu.vector_load %arg18[%swap3A_908, %swap3A_909] {strides = array<i32>} : memref<128x128xf32, #tpu.memory_space<vmem>>, vector<1x16xf32>,
      %swap3A_911 = vector.shape_cast %swap3A_910 : vector<1x16xf32> to vector<16xf32>
      %swap3A_912 = vector.shape_cast %broadcast_in_dim3A_3 : vector<16xf32> to vector<1x16xf32>
      tpu.vector_store %arg18[%swap3A_908, %swap3A_909], %swap3A_912 {strides = array<i32>} : memref<128x128xf32, #tpu.memory_space<vmem>>, vector<1x16xf32>,
      %swap3A_913 = arith.index_cast %scan3A_892 : i32 to index
      %swap3A_914 = arith.constant 64 : index
      %swap3A_915 = tpu.vector_load %arg18[%swap3A_913, %swap3A_914] {strides = array<i32>} : memref<128x128xf32, #tpu.memory_space<vmem>>, vector<1x16xf32>,
      %swap3A_916 = vector.shape_cast %swap3A_915 : vector<1x16xf32> to vector<16xf32>
      %swap3A_917 = vector.shape_cast %broadcast_in_dim3A_3 : vector<16xf32> to vector<1x16xf32>
      tpu.vector_store %arg18[%swap3A_913, %swap3A_914], %swap3A_917 {strides = array<i32>} : memref<128x128xf32, #tpu.memory_space<vmem>>, vector<1x16xf32>,
      %swap3A_918 = arith.index_cast %scan3A_892 : i32 to index
      %swap3A_919 = arith.constant 80 : index
      %swap3A_920 = tpu.vector_load %arg18[%swap3A_918, %swap3A_919] {strides = array<i32>} : memref<128x128xf32, #tpu.memory_space<vmem>>, vector<1x16xf32>,
      %swap3A_921 = vector.shape_cast %swap3A_920 : vector<1x16xf32> to vector<16xf32>
      %swap3A_922 = vector.shape_cast %broadcast_in_dim3A_3 : vector<16xf32> to vector<1x16xf32>
      tpu.vector_store %arg18[%swap3A_918, %swap3A_919], %swap3A_922 {strides = array<i32>} : memref<128x128xf32, #tpu.memory_space<vmem>>, vector<1x16xf32>,
      %swap3A_923 = arith.index_cast %scan3A_892 : i32 to index
      %swap3A_924 = arith.constant 96 : index
      %swap3A_925 = tpu.vector_load %arg18[%swap3A_923, %swap3A_924] {strides = array<i32>} : memref<128x128xf32, #tpu.memory_space<vmem>>, vector<1x16xf32>,
      %swap3A_926 = vector.shape_cast %swap3A_925 : vector<1x16xf32> to vector<16xf32>
      %swap3A_927 = vector.shape_cast %broadcast_in_dim3A_3 : vector<16xf32> to vector<1x16xf32>
      tpu.vector_store %arg18[%swap3A_923, %swap3A_924], %swap3A_927 {strides = array<i32>} : memref<128x128xf32, #tpu.memory_space<vmem>>, vector<1x16xf32>,
      %swap3A_928 = arith.index_cast %scan3A_892 : i32 to index
      %swap3A_929 = arith.constant 112 : index
      %swap3A_930 = tpu.vector_load %arg18[%swap3A_928, %swap3A_929] {strides = array<i32>} : memref<128x128xf32, #tpu.memory_space<vmem>>, vector<1x16xf32>,
      %swap3A_931 = vector.shape_cast %swap3A_930 : vector<1x16xf32> to vector<16xf32>
      %swap3A_932 = vector.shape_cast %broadcast_in_dim3A_3 : vector<16xf32> to vector<1x16xf32>
      tpu.vector_store %arg18[%swap3A_928, %swap3A_929], %swap3A_932 {strides = array<i32>} : memref<128x128xf32, #tpu.memory_space<vmem>>, vector<1x16xf32>,
    }
    %scan3A_198 = arith.constant 128 : i32
    %mul3A_199 = arith.constant 4 : i32
    %mul3A_200 = arith.muli %arg1, %mul3A_199 : i32
    "tpu.region"() ({
      %run_scoped3A = tpu.sem_alloc : memref<!tpu.dma_semaphore, #tpu.memory_space<semaphore_mem>>
      %dma_start3A_892 = arith.constant 0 : i32
      %dma_start3A_893 = tpu.memref_slice %arg22[%mul3A_200, %dma_start3A_892] : memref<64x128xf32, #tpu.memory_space<vmem_shared>> -> memref<4x128xf32, #tpu.memory_space<vmem_shared>>
      %dma_start3A_894 = arith.constant 0 : i32
      %dma_start3A_895 = tpu.memref_slice %arg22[%mul3A_200, %dma_start3A_894] : memref<64x128xf32, #tpu.memory_space<vmem_shared>> -> memref<4x128xf32, #tpu.memory_space<vmem_shared>>
      tpu.enqueue_dma source(%arg21 : memref<4x128xf32, #tpu.memory_space<vmem>>) target(%dma_start3A_895 : memref<4x128xf32, #tpu.memory_space<vmem_shared>>) target_semaphore(%run_scoped3A : memref<!tpu.dma_semaphore, #tpu.memory_space<semaphore_mem>>)
      %dma_wait3A_896 = arith.constant 0 : i32
      %dma_wait3A_897 = tpu.memref_slice %arg22[%mul3A_200, %dma_wait3A_896] : memref<64x128xf32, #tpu.memory_space<vmem_shared>> -> memref<4x128xf32, #tpu.memory_space<vmem_shared>>
      %dma_wait3A_898 = arith.constant 0 : i32
      %dma_wait3A_899 = tpu.memref_slice %arg22[%mul3A_200, %dma_wait3A_898] : memref<64x128xf32, #tpu.memory_space<vmem_shared>> -> memref<4x128xf32, #tpu.memory_space<vmem_shared>>
      tpu.wait_dma2 semaphore(%run_scoped3A : memref<!tpu.dma_semaphore, #tpu.memory_space<semaphore_mem>>) src(%arg21 : memref<4x128xf32, #tpu.memory_space<vmem>>) dst(%dma_wait3A_899 : memref<4x128xf32, #tpu.memory_space<vmem_shared>>)
      tpu.yield
    }) : () -> ()
    %mul3A_201 = arith.constant 4 : i32
    %mul3A_202 = arith.muli %arg1, %mul3A_201 : i32
    "tpu.region"() ({
      %run_scoped3A = tpu.sem_alloc : memref<!tpu.dma_semaphore, #tpu.memory_space<semaphore_mem>>
      %dma_start3A_892 = arith.constant 0 : i32
      %dma_start3A_893 = tpu.memref_slice %arg23[%mul3A_202, %dma_start3A_892] : memref<64x128xf32, #tpu.memory_space<vmem_shared>> -> memref<4x128xf32, #tpu.memory_space<vmem_shared>>
      %dma_start3A_894 = arith.constant 0 : i32
      %dma_start3A_895 = tpu.memref_slice %arg23[%mul3A_202, %dma_start3A_894] : memref<64x128xf32, #tpu.memory_space<vmem_shared>> -> memref<4x128xf32, #tpu.memory_space<vmem_shared>>
      tpu.enqueue_dma source(%arg21 : memref<4x128xf32, #tpu.memory_space<vmem>>) target(%dma_start3A_895 : memref<4x128xf32, #tpu.memory_space<vmem_shared>>) target_semaphore(%run_scoped3A : memref<!tpu.dma_semaphore, #tpu.memory_space<semaphore_mem>>)
      %dma_wait3A_896 = arith.constant 0 : i32
      %dma_wait3A_897 = tpu.memref_slice %arg23[%mul3A_202, %dma_wait3A_896] : memref<64x128xf32, #tpu.memory_space<vmem_shared>> -> memref<4x128xf32, #tpu.memory_space<vmem_shared>>
      %dma_wait3A_898 = arith.constant 0 : i32
      %dma_wait3A_899 = tpu.memref_slice %arg23[%mul3A_202, %dma_wait3A_898] : memref<64x128xf32, #tpu.memory_space<vmem_shared>> -> memref<4x128xf32, #tpu.memory_space<vmem_shared>>
      tpu.wait_dma2 semaphore(%run_scoped3A : memref<!tpu.dma_semaphore, #tpu.memory_space<semaphore_mem>>) src(%arg21 : memref<4x128xf32, #tpu.memory_space<vmem>>) dst(%dma_wait3A_899 : memref<4x128xf32, #tpu.memory_space<vmem_shared>>)
      tpu.yield
    }) : () -> ()
    %barrier3A = arith.constant 0 : index
    tpu.barrier barrier_id(%barrier3A)
    %mul3A_203 = arith.constant 3125 : i32
    %mul3A_204 = arith.muli %add3A, %mul3A_203 : i32
    %and3A = arith.constant -8 : i32
    %and3A_205 = arith.andi %mul3A_204, %and3A : i32
    %eq3A = arith.constant 31 : i32
    %eq3A_206 = arith.cmpi eq, %add3A, %eq3A : i32
    %add3A_207 = arith.constant 1 : i32
    %add3A_208 = arith.addi %add3A, %add3A_207 : i32
    %mul3A_209 = arith.constant 3125 : i32
    %mul3A_210 = arith.muli %add3A_208, %mul3A_209 : i32
    %and3A_211 = arith.constant -8 : i32
    %and3A_212 = arith.andi %mul3A_210, %and3A_211 : i32
    %jit3A = arith.constant 100000 : i32
    %select_n3A = arith.select %eq3A_206, %jit3A, %and3A_212 : i32
    %add3A_213 = arith.constant 3072 : i32
    %add3A_214 = arith.addi %and3A_205, %add3A_213 : i32
    %sub3A = arith.subi %select_n3A, %add3A_214 : i32
    %jit3A_215 = arith.constant 8 : i32
    %div3A = arith.divsi %sub3A, %jit3A_215 : i32
    %sign3A = arith.constant 0 : i32
    %sign3A_216 = arith.cmpi sgt, %sub3A, %sign3A : i32
    %sign3A_217 = arith.extui %sign3A_216 : i1 to i32
    %sign3A_218 = arith.constant 0 : i32
    %sign3A_219 = arith.cmpi slt, %sub3A, %sign3A_218 : i32
    %sign3A_220 = arith.extui %sign3A_219 : i1 to i32
    %sign3A_221 = arith.subi %sign3A_217, %sign3A_220 : i32
    %sign3A_222 = arith.constant 0 : i32
    %sign3A_223 = arith.cmpi sgt, %jit3A_215, %sign3A_222 : i32
    %sign3A_224 = arith.extui %sign3A_223 : i1 to i32
    %sign3A_225 = arith.constant 0 : i32
    %sign3A_226 = arith.cmpi slt, %jit3A_215, %sign3A_225 : i32
    %sign3A_227 = arith.extui %sign3A_226 : i1 to i32
    %sign3A_228 = arith.subi %sign3A_224, %sign3A_227 : i32
    %ne3A = arith.cmpi ne, %sign3A_221, %sign3A_228 : i32
    %rem3A = arith.remsi %sub3A, %jit3A_215 : i32
    %ne3A_229 = arith.constant 0 : i32
    %ne3A_230 = arith.cmpi ne, %rem3A, %ne3A_229 : i32
    %and3A_231 = arith.andi %ne3A, %ne3A_230 : i1
    %sub3A_232 = arith.constant 1 : i32
    %sub3A_233 = arith.subi %div3A, %sub3A_232 : i32
    %select_n3A_234 = arith.select %and3A_231, %sub3A_233, %div3A : i32
    %add3A_235 = arith.constant 0 : i32
    %add3A_236 = arith.addi %and3A_205, %add3A_235 : i32
    %multiple_of3A = tpu.assume_multiple %add3A_236, 8 : i32
    %dma_start3A = arith.constant 0 : i32
    %dma_start3A_237 = tpu.memref_slice %arg2[%multiple_of3A, %dma_start3A] : memref<100000x128xf32, #tpu.memory_space<hbm>> -> memref<128x128xf32, #tpu.memory_space<hbm>>
    %dma_start3A_238 = arith.constant 0 : i32
    %dma_start3A_239 = tpu.memref_slice %arg2[%multiple_of3A, %dma_start3A_238] : memref<100000x128xf32, #tpu.memory_space<hbm>> -> memref<128x128xf32, #tpu.memory_space<hbm>>
    tpu.enqueue_dma source(%dma_start3A_239 : memref<128x128xf32, #tpu.memory_space<hbm>>) target(%arg6 : memref<128x128xf32, #tpu.memory_space<vmem>>) target_semaphore(%arg24 : memref<!tpu.dma_semaphore, #tpu.memory_space<semaphore_mem>>)
    %dma_start3A_240 = tpu.memref_slice %arg3[%multiple_of3A] : memref<100000xi32, #tpu.memory_space<hbm>> -> memref<128xi32, #tpu.memory_space<hbm>>
    %dma_start3A_241 = tpu.memref_slice %arg3[%multiple_of3A] : memref<100000xi32, #tpu.memory_space<hbm>> -> memref<128xi32, #tpu.memory_space<hbm>>
    tpu.enqueue_dma source(%dma_start3A_241 : memref<128xi32, #tpu.memory_space<hbm>>) target(%arg12 : memref<128xi32, #tpu.memory_space<vmem>>) target_semaphore(%arg30 : memref<!tpu.dma_semaphore, #tpu.memory_space<semaphore_mem>>)
    %add3A_242 = arith.constant 128 : i32
    %add3A_243 = arith.addi %and3A_205, %add3A_242 : i32
    %multiple_of3A_244 = tpu.assume_multiple %add3A_243, 8 : i32
    %dma_start3A_245 = arith.constant 0 : i32
    %dma_start3A_246 = tpu.memref_slice %arg2[%multiple_of3A_244, %dma_start3A_245] : memref<100000x128xf32, #tpu.memory_space<hbm>> -> memref<128x128xf32, #tpu.memory_space<hbm>>
    %dma_start3A_247 = arith.constant 0 : i32
    %dma_start3A_248 = tpu.memref_slice %arg2[%multiple_of3A_244, %dma_start3A_247] : memref<100000x128xf32, #tpu.memory_space<hbm>> -> memref<128x128xf32, #tpu.memory_space<hbm>>
    tpu.enqueue_dma source(%dma_start3A_248 : memref<128x128xf32, #tpu.memory_space<hbm>>) target(%arg7 : memref<128x128xf32, #tpu.memory_space<vmem>>) target_semaphore(%arg25 : memref<!tpu.dma_semaphore, #tpu.memory_space<semaphore_mem>>)
    %dma_start3A_249 = tpu.memref_slice %arg3[%multiple_of3A_244] : memref<100000xi32, #tpu.memory_space<hbm>> -> memref<128xi32, #tpu.memory_space<hbm>>
    %dma_start3A_250 = tpu.memref_slice %arg3[%multiple_of3A_244] : memref<100000xi32, #tpu.memory_space<hbm>> -> memref<128xi32, #tpu.memory_space<hbm>>
    tpu.enqueue_dma source(%dma_start3A_250 : memref<128xi32, #tpu.memory_space<hbm>>) target(%arg13 : memref<128xi32, #tpu.memory_space<vmem>>) target_semaphore(%arg31 : memref<!tpu.dma_semaphore, #tpu.memory_space<semaphore_mem>>)
    %add3A_251 = arith.constant 256 : i32
    %add3A_252 = arith.addi %and3A_205, %add3A_251 : i32
    %multiple_of3A_253 = tpu.assume_multiple %add3A_252, 8 : i32
    %dma_start3A_254 = arith.constant 0 : i32
    %dma_start3A_255 = tpu.memref_slice %arg2[%multiple_of3A_253, %dma_start3A_254] : memref<100000x128xf32, #tpu.memory_space<hbm>> -> memref<128x128xf32, #tpu.memory_space<hbm>>
    %dma_start3A_256 = arith.constant 0 : i32
    %dma_start3A_257 = tpu.memref_slice %arg2[%multiple_of3A_253, %dma_start3A_256] : memref<100000x128xf32, #tpu.memory_space<hbm>> -> memref<128x128xf32, #tpu.memory_space<hbm>>
    tpu.enqueue_dma source(%dma_start3A_257 : memref<128x128xf32, #tpu.memory_space<hbm>>) target(%arg8 : memref<128x128xf32, #tpu.memory_space<vmem>>) target_semaphore(%arg26 : memref<!tpu.dma_semaphore, #tpu.memory_space<semaphore_mem>>)
    %dma_start3A_258 = tpu.memref_slice %arg3[%multiple_of3A_253] : memref<100000xi32, #tpu.memory_space<hbm>> -> memref<128xi32, #tpu.memory_space<hbm>>
    %dma_start3A_259 = tpu.memref_slice %arg3[%multiple_of3A_253] : memref<100000xi32, #tpu.memory_space<hbm>> -> memref<128xi32, #tpu.memory_space<hbm>>
    tpu.enqueue_dma source(%dma_start3A_259 : memref<128xi32, #tpu.memory_space<hbm>>) target(%arg14 : memref<128xi32, #tpu.memory_space<vmem>>) target_semaphore(%arg32 : memref<!tpu.dma_semaphore, #tpu.memory_space<semaphore_mem>>)
    %add3A_260 = arith.constant 384 : i32
    %add3A_261 = arith.addi %and3A_205, %add3A_260 : i32
    %multiple_of3A_262 = tpu.assume_multiple %add3A_261, 8 : i32
    %dma_start3A_263 = arith.constant 0 : i32
    %dma_start3A_264 = tpu.memref_slice %arg2[%multiple_of3A_262, %dma_start3A_263] : memref<100000x128xf32, #tpu.memory_space<hbm>> -> memref<128x128xf32, #tpu.memory_space<hbm>>
    %dma_start3A_265 = arith.constant 0 : i32
    %dma_start3A_266 = tpu.memref_slice %arg2[%multiple_of3A_262, %dma_start3A_265] : memref<100000x128xf32, #tpu.memory_space<hbm>> -> memref<128x128xf32, #tpu.memory_space<hbm>>
    tpu.enqueue_dma source(%dma_start3A_266 : memref<128x128xf32, #tpu.memory_space<hbm>>) target(%arg9 : memref<128x128xf32, #tpu.memory_space<vmem>>) target_semaphore(%arg27 : memref<!tpu.dma_semaphore, #tpu.memory_space<semaphore_mem>>)
    %dma_start3A_267 = tpu.memref_slice %arg3[%multiple_of3A_262] : memref<100000xi32, #tpu.memory_space<hbm>> -> memref<128xi32, #tpu.memory_space<hbm>>
    %dma_start3A_268 = tpu.memref_slice %arg3[%multiple_of3A_262] : memref<100000xi32, #tpu.memory_space<hbm>> -> memref<128xi32, #tpu.memory_space<hbm>>
    tpu.enqueue_dma source(%dma_start3A_268 : memref<128xi32, #tpu.memory_space<hbm>>) target(%arg15 : memref<128xi32, #tpu.memory_space<vmem>>) target_semaphore(%arg33 : memref<!tpu.dma_semaphore, #tpu.memory_space<semaphore_mem>>)
    %dma_wait3A = arith.constant 0 : i32
    %dma_wait3A_269 = tpu.memref_slice %arg2[%multiple_of3A, %dma_wait3A] : memref<100000x128xf32, #tpu.memory_space<hbm>> -> memref<128x128xf32, #tpu.memory_space<hbm>>
    %dma_wait3A_270 = arith.constant 0 : i32
    %dma_wait3A_271 = tpu.memref_slice %arg2[%multiple_of3A, %dma_wait3A_270] : memref<100000x128xf32, #tpu.memory_space<hbm>> -> memref<128x128xf32, #tpu.memory_space<hbm>>
    tpu.wait_dma2 semaphore(%arg24 : memref<!tpu.dma_semaphore, #tpu.memory_space<semaphore_mem>>) src(%dma_wait3A_271 : memref<128x128xf32, #tpu.memory_space<hbm>>) dst(%arg6 : memref<128x128xf32, #tpu.memory_space<vmem>>)
    %dma_wait3A_272 = tpu.memref_slice %arg3[%multiple_of3A] : memref<100000xi32, #tpu.memory_space<hbm>> -> memref<128xi32, #tpu.memory_space<hbm>>
    %dma_wait3A_273 = tpu.memref_slice %arg3[%multiple_of3A] : memref<100000xi32, #tpu.memory_space<hbm>> -> memref<128xi32, #tpu.memory_space<hbm>>
    tpu.wait_dma2 semaphore(%arg30 : memref<!tpu.dma_semaphore, #tpu.memory_space<semaphore_mem>>) src(%dma_wait3A_273 : memref<128xi32, #tpu.memory_space<hbm>>) dst(%arg12 : memref<128xi32, #tpu.memory_space<vmem>>)
    %dma_start3A_274 = arith.constant 0 : i32
    %dma_start3A_275 = arith.constant 0 : i32
    %dma_start3A_276 = tpu.memref_slice %arg22[%dma_start3A_274, %dma_start3A_275] : memref<64x128xf32, #tpu.memory_space<vmem_shared>> -> memref<64x128xf32, #tpu.memory_space<vmem_shared>>
    tpu.enqueue_indirect_dma source(%arg6 : memref<128x128xf32, #tpu.memory_space<vmem>>) target(%dma_start3A_276 : memref<64x128xf32, #tpu.memory_space<vmem_shared>>) offsets(%arg12 : memref<128xi32, #tpu.memory_space<vmem>>) semaphore(%arg36 : memref<!tpu.dma_semaphore, #tpu.memory_space<semaphore_mem>>) {add = true}
    %dma_start3A_277 = arith.constant 0 : i32
    %dma_start3A_278 = arith.constant 0 : i32
    %dma_start3A_279 = tpu.memref_slice %arg23[%dma_start3A_277, %dma_start3A_278] : memref<64x128xf32, #tpu.memory_space<vmem_shared>> -> memref<64x128xf32, #tpu.memory_space<vmem_shared>>
    tpu.enqueue_indirect_dma source(%arg18 : memref<128x128xf32, #tpu.memory_space<vmem>>) target(%dma_start3A_279 : memref<64x128xf32, #tpu.memory_space<vmem_shared>>) offsets(%arg12 : memref<128xi32, #tpu.memory_space<vmem>>) semaphore(%arg42 : memref<!tpu.dma_semaphore, #tpu.memory_space<semaphore_mem>>) {add = true}
    %add3A_280 = arith.constant 512 : i32
    %add3A_281 = arith.addi %and3A_205, %add3A_280 : i32
    %multiple_of3A_282 = tpu.assume_multiple %add3A_281, 8 : i32
    %dma_start3A_283 = arith.constant 0 : i32
    %dma_start3A_284 = tpu.memref_slice %arg2[%multiple_of3A_282, %dma_start3A_283] : memref<100000x128xf32, #tpu.memory_space<hbm>> -> memref<128x128xf32, #tpu.memory_space<hbm>>
    %dma_start3A_285 = arith.constant 0 : i32
    %dma_start3A_286 = tpu.memref_slice %arg2[%multiple_of3A_282, %dma_start3A_285] : memref<100000x128xf32, #tpu.memory_space<hbm>> -> memref<128x128xf32, #tpu.memory_space<hbm>>
    tpu.enqueue_dma source(%dma_start3A_286 : memref<128x128xf32, #tpu.memory_space<hbm>>) target(%arg10 : memref<128x128xf32, #tpu.memory_space<vmem>>) target_semaphore(%arg28 : memref<!tpu.dma_semaphore, #tpu.memory_space<semaphore_mem>>)
    %dma_start3A_287 = tpu.memref_slice %arg3[%multiple_of3A_282] : memref<100000xi32, #tpu.memory_space<hbm>> -> memref<128xi32, #tpu.memory_space<hbm>>
    %dma_start3A_288 = tpu.memref_slice %arg3[%multiple_of3A_282] : memref<100000xi32, #tpu.memory_space<hbm>> -> memref<128xi32, #tpu.memory_space<hbm>>
    tpu.enqueue_dma source(%dma_start3A_288 : memref<128xi32, #tpu.memory_space<hbm>>) target(%arg16 : memref<128xi32, #tpu.memory_space<vmem>>) target_semaphore(%arg34 : memref<!tpu.dma_semaphore, #tpu.memory_space<semaphore_mem>>)
    %dma_wait3A_289 = arith.constant 0 : i32
    %dma_wait3A_290 = tpu.memref_slice %arg2[%multiple_of3A_244, %dma_wait3A_289] : memref<100000x128xf32, #tpu.memory_space<hbm>> -> memref<128x128xf32, #tpu.memory_space<hbm>>
    %dma_wait3A_291 = arith.constant 0 : i32
    %dma_wait3A_292 = tpu.memref_slice %arg2[%multiple_of3A_244, %dma_wait3A_291] : memref<100000x128xf32, #tpu.memory_space<hbm>> -> memref<128x128xf32, #tpu.memory_space<hbm>>
    tpu.wait_dma2 semaphore(%arg25 : memref<!tpu.dma_semaphore, #tpu.memory_space<semaphore_mem>>) src(%dma_wait3A_292 : memref<128x128xf32, #tpu.memory_space<hbm>>) dst(%arg7 : memref<128x128xf32, #tpu.memory_space<vmem>>)
    %dma_wait3A_293 = tpu.memref_slice %arg3[%multiple_of3A_244] : memref<100000xi32, #tpu.memory_space<hbm>> -> memref<128xi32, #tpu.memory_space<hbm>>
    %dma_wait3A_294 = tpu.memref_slice %arg3[%multiple_of3A_244] : memref<100000xi32, #tpu.memory_space<hbm>> -> memref<128xi32, #tpu.memory_space<hbm>>
    tpu.wait_dma2 semaphore(%arg31 : memref<!tpu.dma_semaphore, #tpu.memory_space<semaphore_mem>>) src(%dma_wait3A_294 : memref<128xi32, #tpu.memory_space<hbm>>) dst(%arg13 : memref<128xi32, #tpu.memory_space<vmem>>)
    %dma_start3A_295 = arith.constant 0 : i32
    %dma_start3A_296 = arith.constant 0 : i32
    %dma_start3A_297 = tpu.memref_slice %arg22[%dma_start3A_295, %dma_start3A_296] : memref<64x128xf32, #tpu.memory_space<vmem_shared>> -> memref<64x128xf32, #tpu.memory_space<vmem_shared>>
    tpu.enqueue_indirect_dma source(%arg7 : memref<128x128xf32, #tpu.memory_space<vmem>>) target(%dma_start3A_297 : memref<64x128xf32, #tpu.memory_space<vmem_shared>>) offsets(%arg13 : memref<128xi32, #tpu.memory_space<vmem>>) semaphore(%arg37 : memref<!tpu.dma_semaphore, #tpu.memory_space<semaphore_mem>>) {add = true}
    %dma_start3A_298 = arith.constant 0 : i32
    %dma_start3A_299 = arith.constant 0 : i32
    %dma_start3A_300 = tpu.memref_slice %arg23[%dma_start3A_298, %dma_start3A_299] : memref<64x128xf32, #tpu.memory_space<vmem_shared>> -> memref<64x128xf32, #tpu.memory_space<vmem_shared>>
    tpu.enqueue_indirect_dma source(%arg18 : memref<128x128xf32, #tpu.memory_space<vmem>>) target(%dma_start3A_300 : memref<64x128xf32, #tpu.memory_space<vmem_shared>>) offsets(%arg13 : memref<128xi32, #tpu.memory_space<vmem>>) semaphore(%arg43 : memref<!tpu.dma_semaphore, #tpu.memory_space<semaphore_mem>>) {add = true}
    %add3A_301 = arith.constant 640 : i32
    %add3A_302 = arith.addi %and3A_205, %add3A_301 : i32
    %multiple_of3A_303 = tpu.assume_multiple %add3A_302, 8 : i32
    %dma_start3A_304 = arith.constant 0 : i32
    %dma_start3A_305 = tpu.memref_slice %arg2[%multiple_of3A_303, %dma_start3A_304] : memref<100000x128xf32, #tpu.memory_space<hbm>> -> memref<128x128xf32, #tpu.memory_space<hbm>>
    %dma_start3A_306 = arith.constant 0 : i32
    %dma_start3A_307 = tpu.memref_slice %arg2[%multiple_of3A_303, %dma_start3A_306] : memref<100000x128xf32, #tpu.memory_space<hbm>> -> memref<128x128xf32, #tpu.memory_space<hbm>>
    tpu.enqueue_dma source(%dma_start3A_307 : memref<128x128xf32, #tpu.memory_space<hbm>>) target(%arg11 : memref<128x128xf32, #tpu.memory_space<vmem>>) target_semaphore(%arg29 : memref<!tpu.dma_semaphore, #tpu.memory_space<semaphore_mem>>)
    %dma_start3A_308 = tpu.memref_slice %arg3[%multiple_of3A_303] : memref<100000xi32, #tpu.memory_space<hbm>> -> memref<128xi32, #tpu.memory_space<hbm>>
    %dma_start3A_309 = tpu.memref_slice %arg3[%multiple_of3A_303] : memref<100000xi32, #tpu.memory_space<hbm>> -> memref<128xi32, #tpu.memory_space<hbm>>
    tpu.enqueue_dma source(%dma_start3A_309 : memref<128xi32, #tpu.memory_space<hbm>>) target(%arg17 : memref<128xi32, #tpu.memory_space<vmem>>) target_semaphore(%arg35 : memref<!tpu.dma_semaphore, #tpu.memory_space<semaphore_mem>>)
    %dma_wait3A_310 = arith.constant 0 : i32
    %dma_wait3A_311 = tpu.memref_slice %arg2[%multiple_of3A_253, %dma_wait3A_310] : memref<100000x128xf32, #tpu.memory_space<hbm>> -> memref<128x128xf32, #tpu.memory_space<hbm>>
    %dma_wait3A_312 = arith.constant 0 : i32
    %dma_wait3A_313 = tpu.memref_slice %arg2[%multiple_of3A_253, %dma_wait3A_312] : memref<100000x128xf32, #tpu.memory_space<hbm>> -> memref<128x128xf32, #tpu.memory_space<hbm>>
    tpu.wait_dma2 semaphore(%arg26 : memref<!tpu.dma_semaphore, #tpu.memory_space<semaphore_mem>>) src(%dma_wait3A_313 : memref<128x128xf32, #tpu.memory_space<hbm>>) dst(%arg8 : memref<128x128xf32, #tpu.memory_space<vmem>>)
    %dma_wait3A_314 = tpu.memref_slice %arg3[%multiple_of3A_253] : memref<100000xi32, #tpu.memory_space<hbm>> -> memref<128xi32, #tpu.memory_space<hbm>>
    %dma_wait3A_315 = tpu.memref_slice %arg3[%multiple_of3A_253] : memref<100000xi32, #tpu.memory_space<hbm>> -> memref<128xi32, #tpu.memory_space<hbm>>
    tpu.wait_dma2 semaphore(%arg32 : memref<!tpu.dma_semaphore, #tpu.memory_space<semaphore_mem>>) src(%dma_wait3A_315 : memref<128xi32, #tpu.memory_space<hbm>>) dst(%arg14 : memref<128xi32, #tpu.memory_space<vmem>>)
    %dma_start3A_316 = arith.constant 0 : i32
    %dma_start3A_317 = arith.constant 0 : i32
    %dma_start3A_318 = tpu.memref_slice %arg22[%dma_start3A_316, %dma_start3A_317] : memref<64x128xf32, #tpu.memory_space<vmem_shared>> -> memref<64x128xf32, #tpu.memory_space<vmem_shared>>
    tpu.enqueue_indirect_dma source(%arg8 : memref<128x128xf32, #tpu.memory_space<vmem>>) target(%dma_start3A_318 : memref<64x128xf32, #tpu.memory_space<vmem_shared>>) offsets(%arg14 : memref<128xi32, #tpu.memory_space<vmem>>) semaphore(%arg38 : memref<!tpu.dma_semaphore, #tpu.memory_space<semaphore_mem>>) {add = true}
    %dma_start3A_319 = arith.constant 0 : i32
    %dma_start3A_320 = arith.constant 0 : i32
    %dma_start3A_321 = tpu.memref_slice %arg23[%dma_start3A_319, %dma_start3A_320] : memref<64x128xf32, #tpu.memory_space<vmem_shared>> -> memref<64x128xf32, #tpu.memory_space<vmem_shared>>
    tpu.enqueue_indirect_dma source(%arg18 : memref<128x128xf32, #tpu.memory_space<vmem>>) target(%dma_start3A_321 : memref<64x128xf32, #tpu.memory_space<vmem_shared>>) offsets(%arg14 : memref<128xi32, #tpu.memory_space<vmem>>) semaphore(%arg44 : memref<!tpu.dma_semaphore, #tpu.memory_space<semaphore_mem>>) {add = true}
    %dma_wait3A_322 = arith.constant 0 : i32
    %dma_wait3A_323 = arith.constant 0 : i32
    %dma_wait3A_324 = tpu.memref_slice %arg22[%dma_wait3A_322, %dma_wait3A_323] : memref<64x128xf32, #tpu.memory_space<vmem_shared>> -> memref<64x128xf32, #tpu.memory_space<vmem_shared>>
    tpu.wait_indirect_dma semaphore(%arg36 : memref<!tpu.dma_semaphore, #tpu.memory_space<semaphore_mem>>) src(%arg6 : memref<128x128xf32, #tpu.memory_space<vmem>>) dst(%dma_wait3A_324 : memref<64x128xf32, #tpu.memory_space<vmem_shared>>)
    %dma_wait3A_325 = arith.constant 0 : i32
    %dma_wait3A_326 = arith.constant 0 : i32
    %dma_wait3A_327 = tpu.memref_slice %arg23[%dma_wait3A_325, %dma_wait3A_326] : memref<64x128xf32, #tpu.memory_space<vmem_shared>> -> memref<64x128xf32, #tpu.memory_space<vmem_shared>>
    tpu.wait_indirect_dma semaphore(%arg42 : memref<!tpu.dma_semaphore, #tpu.memory_space<semaphore_mem>>) src(%arg18 : memref<128x128xf32, #tpu.memory_space<vmem>>) dst(%dma_wait3A_327 : memref<64x128xf32, #tpu.memory_space<vmem_shared>>)
    %add3A_328 = arith.constant 768 : i32
    %add3A_329 = arith.addi %and3A_205, %add3A_328 : i32
    %multiple_of3A_330 = tpu.assume_multiple %add3A_329, 8 : i32
    %dma_start3A_331 = arith.constant 0 : i32
    %dma_start3A_332 = tpu.memref_slice %arg2[%multiple_of3A_330, %dma_start3A_331] : memref<100000x128xf32, #tpu.memory_space<hbm>> -> memref<128x128xf32, #tpu.memory_space<hbm>>
    %dma_start3A_333 = arith.constant 0 : i32
    %dma_start3A_334 = tpu.memref_slice %arg2[%multiple_of3A_330, %dma_start3A_333] : memref<100000x128xf32, #tpu.memory_space<hbm>> -> memref<128x128xf32, #tpu.memory_space<hbm>>
    tpu.enqueue_dma source(%dma_start3A_334 : memref<128x128xf32, #tpu.memory_space<hbm>>) target(%arg6 : memref<128x128xf32, #tpu.memory_space<vmem>>) target_semaphore(%arg24 : memref<!tpu.dma_semaphore, #tpu.memory_space<semaphore_mem>>)
    %dma_start3A_335 = tpu.memref_slice %arg3[%multiple_of3A_330] : memref<100000xi32, #tpu.memory_space<hbm>> -> memref<128xi32, #tpu.memory_space<hbm>>
    %dma_start3A_336 = tpu.memref_slice %arg3[%multiple_of3A_330] : memref<100000xi32, #tpu.memory_space<hbm>> -> memref<128xi32, #tpu.memory_space<hbm>>
    tpu.enqueue_dma source(%dma_start3A_336 : memref<128xi32, #tpu.memory_space<hbm>>) target(%arg12 : memref<128xi32, #tpu.memory_space<vmem>>) target_semaphore(%arg30 : memref<!tpu.dma_semaphore, #tpu.memory_space<semaphore_mem>>)
    %dma_wait3A_337 = arith.constant 0 : i32
    %dma_wait3A_338 = tpu.memref_slice %arg2[%multiple_of3A_262, %dma_wait3A_337] : memref<100000x128xf32, #tpu.memory_space<hbm>> -> memref<128x128xf32, #tpu.memory_space<hbm>>
    %dma_wait3A_339 = arith.constant 0 : i32
    %dma_wait3A_340 = tpu.memref_slice %arg2[%multiple_of3A_262, %dma_wait3A_339] : memref<100000x128xf32, #tpu.memory_space<hbm>> -> memref<128x128xf32, #tpu.memory_space<hbm>>
    tpu.wait_dma2 semaphore(%arg27 : memref<!tpu.dma_semaphore, #tpu.memory_space<semaphore_mem>>) src(%dma_wait3A_340 : memref<128x128xf32, #tpu.memory_space<hbm>>) dst(%arg9 : memref<128x128xf32, #tpu.memory_space<vmem>>)
    %dma_wait3A_341 = tpu.memref_slice %arg3[%multiple_of3A_262] : memref<100000xi32, #tpu.memory_space<hbm>> -> memref<128xi32, #tpu.memory_space<hbm>>
    %dma_wait3A_342 = tpu.memref_slice %arg3[%multiple_of3A_262] : memref<100000xi32, #tpu.memory_space<hbm>> -> memref<128xi32, #tpu.memory_space<hbm>>
    tpu.wait_dma2 semaphore(%arg33 : memref<!tpu.dma_semaphore, #tpu.memory_space<semaphore_mem>>) src(%dma_wait3A_342 : memref<128xi32, #tpu.memory_space<hbm>>) dst(%arg15 : memref<128xi32, #tpu.memory_space<vmem>>)
    %dma_start3A_343 = arith.constant 0 : i32
    %dma_start3A_344 = arith.constant 0 : i32
    %dma_start3A_345 = tpu.memref_slice %arg22[%dma_start3A_343, %dma_start3A_344] : memref<64x128xf32, #tpu.memory_space<vmem_shared>> -> memref<64x128xf32, #tpu.memory_space<vmem_shared>>
    tpu.enqueue_indirect_dma source(%arg9 : memref<128x128xf32, #tpu.memory_space<vmem>>) target(%dma_start3A_345 : memref<64x128xf32, #tpu.memory_space<vmem_shared>>) offsets(%arg15 : memref<128xi32, #tpu.memory_space<vmem>>) semaphore(%arg39 : memref<!tpu.dma_semaphore, #tpu.memory_space<semaphore_mem>>) {add = true}
    %dma_start3A_346 = arith.constant 0 : i32
    %dma_start3A_347 = arith.constant 0 : i32
    %dma_start3A_348 = tpu.memref_slice %arg23[%dma_start3A_346, %dma_start3A_347] : memref<64x128xf32, #tpu.memory_space<vmem_shared>> -> memref<64x128xf32, #tpu.memory_space<vmem_shared>>
    tpu.enqueue_indirect_dma source(%arg18 : memref<128x128xf32, #tpu.memory_space<vmem>>) target(%dma_start3A_348 : memref<64x128xf32, #tpu.memory_space<vmem_shared>>) offsets(%arg15 : memref<128xi32, #tpu.memory_space<vmem>>) semaphore(%arg45 : memref<!tpu.dma_semaphore, #tpu.memory_space<semaphore_mem>>) {add = true}
    %dma_wait3A_349 = arith.constant 0 : i32
    %dma_wait3A_350 = arith.constant 0 : i32
    %dma_wait3A_351 = tpu.memref_slice %arg22[%dma_wait3A_349, %dma_wait3A_350] : memref<64x128xf32, #tpu.memory_space<vmem_shared>> -> memref<64x128xf32, #tpu.memory_space<vmem_shared>>
    tpu.wait_indirect_dma semaphore(%arg37 : memref<!tpu.dma_semaphore, #tpu.memory_space<semaphore_mem>>) src(%arg7 : memref<128x128xf32, #tpu.memory_space<vmem>>) dst(%dma_wait3A_351 : memref<64x128xf32, #tpu.memory_space<vmem_shared>>)
    %dma_wait3A_352 = arith.constant 0 : i32
    %dma_wait3A_353 = arith.constant 0 : i32
    %dma_wait3A_354 = tpu.memref_slice %arg23[%dma_wait3A_352, %dma_wait3A_353] : memref<64x128xf32, #tpu.memory_space<vmem_shared>> -> memref<64x128xf32, #tpu.memory_space<vmem_shared>>
    tpu.wait_indirect_dma semaphore(%arg43 : memref<!tpu.dma_semaphore, #tpu.memory_space<semaphore_mem>>) src(%arg18 : memref<128x128xf32, #tpu.memory_space<vmem>>) dst(%dma_wait3A_354 : memref<64x128xf32, #tpu.memory_space<vmem_shared>>)
    %add3A_355 = arith.constant 896 : i32
    %add3A_356 = arith.addi %and3A_205, %add3A_355 : i32
    %multiple_of3A_357 = tpu.assume_multiple %add3A_356, 8 : i32
    %dma_start3A_358 = arith.constant 0 : i32
    %dma_start3A_359 = tpu.memref_slice %arg2[%multiple_of3A_357, %dma_start3A_358] : memref<100000x128xf32, #tpu.memory_space<hbm>> -> memref<128x128xf32, #tpu.memory_space<hbm>>
    %dma_start3A_360 = arith.constant 0 : i32
    %dma_start3A_361 = tpu.memref_slice %arg2[%multiple_of3A_357, %dma_start3A_360] : memref<100000x128xf32, #tpu.memory_space<hbm>> -> memref<128x128xf32, #tpu.memory_space<hbm>>
    tpu.enqueue_dma source(%dma_start3A_361 : memref<128x128xf32, #tpu.memory_space<hbm>>) target(%arg7 : memref<128x128xf32, #tpu.memory_space<vmem>>) target_semaphore(%arg25 : memref<!tpu.dma_semaphore, #tpu.memory_space<semaphore_mem>>)
    %dma_start3A_362 = tpu.memref_slice %arg3[%multiple_of3A_357] : memref<100000xi32, #tpu.memory_space<hbm>> -> memref<128xi32, #tpu.memory_space<hbm>>
    %dma_start3A_363 = tpu.memref_slice %arg3[%multiple_of3A_357] : memref<100000xi32, #tpu.memory_space<hbm>> -> memref<128xi32, #tpu.memory_space<hbm>>
    tpu.enqueue_dma source(%dma_start3A_363 : memref<128xi32, #tpu.memory_space<hbm>>) target(%arg13 : memref<128xi32, #tpu.memory_space<vmem>>) target_semaphore(%arg31 : memref<!tpu.dma_semaphore, #tpu.memory_space<semaphore_mem>>)
    %dma_wait3A_364 = arith.constant 0 : i32
    %dma_wait3A_365 = tpu.memref_slice %arg2[%multiple_of3A_282, %dma_wait3A_364] : memref<100000x128xf32, #tpu.memory_space<hbm>> -> memref<128x128xf32, #tpu.memory_space<hbm>>
    %dma_wait3A_366 = arith.constant 0 : i32
    %dma_wait3A_367 = tpu.memref_slice %arg2[%multiple_of3A_282, %dma_wait3A_366] : memref<100000x128xf32, #tpu.memory_space<hbm>> -> memref<128x128xf32, #tpu.memory_space<hbm>>
    tpu.wait_dma2 semaphore(%arg28 : memref<!tpu.dma_semaphore, #tpu.memory_space<semaphore_mem>>) src(%dma_wait3A_367 : memref<128x128xf32, #tpu.memory_space<hbm>>) dst(%arg10 : memref<128x128xf32, #tpu.memory_space<vmem>>)
    %dma_wait3A_368 = tpu.memref_slice %arg3[%multiple_of3A_282] : memref<100000xi32, #tpu.memory_space<hbm>> -> memref<128xi32, #tpu.memory_space<hbm>>
    %dma_wait3A_369 = tpu.memref_slice %arg3[%multiple_of3A_282] : memref<100000xi32, #tpu.memory_space<hbm>> -> memref<128xi32, #tpu.memory_space<hbm>>
    tpu.wait_dma2 semaphore(%arg34 : memref<!tpu.dma_semaphore, #tpu.memory_space<semaphore_mem>>) src(%dma_wait3A_369 : memref<128xi32, #tpu.memory_space<hbm>>) dst(%arg16 : memref<128xi32, #tpu.memory_space<vmem>>)
    %dma_start3A_370 = arith.constant 0 : i32
    %dma_start3A_371 = arith.constant 0 : i32
    %dma_start3A_372 = tpu.memref_slice %arg22[%dma_start3A_370, %dma_start3A_371] : memref<64x128xf32, #tpu.memory_space<vmem_shared>> -> memref<64x128xf32, #tpu.memory_space<vmem_shared>>
    tpu.enqueue_indirect_dma source(%arg10 : memref<128x128xf32, #tpu.memory_space<vmem>>) target(%dma_start3A_372 : memref<64x128xf32, #tpu.memory_space<vmem_shared>>) offsets(%arg16 : memref<128xi32, #tpu.memory_space<vmem>>) semaphore(%arg40 : memref<!tpu.dma_semaphore, #tpu.memory_space<semaphore_mem>>) {add = true}
    %dma_start3A_373 = arith.constant 0 : i32
    %dma_start3A_374 = arith.constant 0 : i32
    %dma_start3A_375 = tpu.memref_slice %arg23[%dma_start3A_373, %dma_start3A_374] : memref<64x128xf32, #tpu.memory_space<vmem_shared>> -> memref<64x128xf32, #tpu.memory_space<vmem_shared>>
    tpu.enqueue_indirect_dma source(%arg18 : memref<128x128xf32, #tpu.memory_space<vmem>>) target(%dma_start3A_375 : memref<64x128xf32, #tpu.memory_space<vmem_shared>>) offsets(%arg16 : memref<128xi32, #tpu.memory_space<vmem>>) semaphore(%arg46 : memref<!tpu.dma_semaphore, #tpu.memory_space<semaphore_mem>>) {add = true}
    %dma_wait3A_376 = arith.constant 0 : i32
    %dma_wait3A_377 = arith.constant 0 : i32
    %dma_wait3A_378 = tpu.memref_slice %arg22[%dma_wait3A_376, %dma_wait3A_377] : memref<64x128xf32, #tpu.memory_space<vmem_shared>> -> memref<64x128xf32, #tpu.memory_space<vmem_shared>>
    tpu.wait_indirect_dma semaphore(%arg38 : memref<!tpu.dma_semaphore, #tpu.memory_space<semaphore_mem>>) src(%arg8 : memref<128x128xf32, #tpu.memory_space<vmem>>) dst(%dma_wait3A_378 : memref<64x128xf32, #tpu.memory_space<vmem_shared>>)
    %dma_wait3A_379 = arith.constant 0 : i32
    %dma_wait3A_380 = arith.constant 0 : i32
    %dma_wait3A_381 = tpu.memref_slice %arg23[%dma_wait3A_379, %dma_wait3A_380] : memref<64x128xf32, #tpu.memory_space<vmem_shared>> -> memref<64x128xf32, #tpu.memory_space<vmem_shared>>
    tpu.wait_indirect_dma semaphore(%arg44 : memref<!tpu.dma_semaphore, #tpu.memory_space<semaphore_mem>>) src(%arg18 : memref<128x128xf32, #tpu.memory_space<vmem>>) dst(%dma_wait3A_381 : memref<64x128xf32, #tpu.memory_space<vmem_shared>>)
    %add3A_382 = arith.constant 1024 : i32
    %add3A_383 = arith.addi %and3A_205, %add3A_382 : i32
    %multiple_of3A_384 = tpu.assume_multiple %add3A_383, 8 : i32
    %dma_start3A_385 = arith.constant 0 : i32
    %dma_start3A_386 = tpu.memref_slice %arg2[%multiple_of3A_384, %dma_start3A_385] : memref<100000x128xf32, #tpu.memory_space<hbm>> -> memref<128x128xf32, #tpu.memory_space<hbm>>
    %dma_start3A_387 = arith.constant 0 : i32
    %dma_start3A_388 = tpu.memref_slice %arg2[%multiple_of3A_384, %dma_start3A_387] : memref<100000x128xf32, #tpu.memory_space<hbm>> -> memref<128x128xf32, #tpu.memory_space<hbm>>
    tpu.enqueue_dma source(%dma_start3A_388 : memref<128x128xf32, #tpu.memory_space<hbm>>) target(%arg8 : memref<128x128xf32, #tpu.memory_space<vmem>>) target_semaphore(%arg26 : memref<!tpu.dma_semaphore, #tpu.memory_space<semaphore_mem>>)
    %dma_start3A_389 = tpu.memref_slice %arg3[%multiple_of3A_384] : memref<100000xi32, #tpu.memory_space<hbm>> -> memref<128xi32, #tpu.memory_space<hbm>>
    %dma_start3A_390 = tpu.memref_slice %arg3[%multiple_of3A_384] : memref<100000xi32, #tpu.memory_space<hbm>> -> memref<128xi32, #tpu.memory_space<hbm>>
    tpu.enqueue_dma source(%dma_start3A_390 : memref<128xi32, #tpu.memory_space<hbm>>) target(%arg14 : memref<128xi32, #tpu.memory_space<vmem>>) target_semaphore(%arg32 : memref<!tpu.dma_semaphore, #tpu.memory_space<semaphore_mem>>)
    %dma_wait3A_391 = arith.constant 0 : i32
    %dma_wait3A_392 = tpu.memref_slice %arg2[%multiple_of3A_303, %dma_wait3A_391] : memref<100000x128xf32, #tpu.memory_space<hbm>> -> memref<128x128xf32, #tpu.memory_space<hbm>>
    %dma_wait3A_393 = arith.constant 0 : i32
    %dma_wait3A_394 = tpu.memref_slice %arg2[%multiple_of3A_303, %dma_wait3A_393] : memref<100000x128xf32, #tpu.memory_space<hbm>> -> memref<128x128xf32, #tpu.memory_space<hbm>>
    tpu.wait_dma2 semaphore(%arg29 : memref<!tpu.dma_semaphore, #tpu.memory_space<semaphore_mem>>) src(%dma_wait3A_394 : memref<128x128xf32, #tpu.memory_space<hbm>>) dst(%arg11 : memref<128x128xf32, #tpu.memory_space<vmem>>)
    %dma_wait3A_395 = tpu.memref_slice %arg3[%multiple_of3A_303] : memref<100000xi32, #tpu.memory_space<hbm>> -> memref<128xi32, #tpu.memory_space<hbm>>
    %dma_wait3A_396 = tpu.memref_slice %arg3[%multiple_of3A_303] : memref<100000xi32, #tpu.memory_space<hbm>> -> memref<128xi32, #tpu.memory_space<hbm>>
    tpu.wait_dma2 semaphore(%arg35 : memref<!tpu.dma_semaphore, #tpu.memory_space<semaphore_mem>>) src(%dma_wait3A_396 : memref<128xi32, #tpu.memory_space<hbm>>) dst(%arg17 : memref<128xi32, #tpu.memory_space<vmem>>)
    %dma_start3A_397 = arith.constant 0 : i32
    %dma_start3A_398 = arith.constant 0 : i32
    %dma_start3A_399 = tpu.memref_slice %arg22[%dma_start3A_397, %dma_start3A_398] : memref<64x128xf32, #tpu.memory_space<vmem_shared>> -> memref<64x128xf32, #tpu.memory_space<vmem_shared>>
    tpu.enqueue_indirect_dma source(%arg11 : memref<128x128xf32, #tpu.memory_space<vmem>>) target(%dma_start3A_399 : memref<64x128xf32, #tpu.memory_space<vmem_shared>>) offsets(%arg17 : memref<128xi32, #tpu.memory_space<vmem>>) semaphore(%arg41 : memref<!tpu.dma_semaphore, #tpu.memory_space<semaphore_mem>>) {add = true}
    %dma_start3A_400 = arith.constant 0 : i32
    %dma_start3A_401 = arith.constant 0 : i32
    %dma_start3A_402 = tpu.memref_slice %arg23[%dma_start3A_400, %dma_start3A_401] : memref<64x128xf32, #tpu.memory_space<vmem_shared>> -> memref<64x128xf32, #tpu.memory_space<vmem_shared>>
    tpu.enqueue_indirect_dma source(%arg18 : memref<128x128xf32, #tpu.memory_space<vmem>>) target(%dma_start3A_402 : memref<64x128xf32, #tpu.memory_space<vmem_shared>>) offsets(%arg17 : memref<128xi32, #tpu.memory_space<vmem>>) semaphore(%arg47 : memref<!tpu.dma_semaphore, #tpu.memory_space<semaphore_mem>>) {add = true}
    %dma_wait3A_403 = arith.constant 0 : i32
    %dma_wait3A_404 = arith.constant 0 : i32
    %dma_wait3A_405 = tpu.memref_slice %arg22[%dma_wait3A_403, %dma_wait3A_404] : memref<64x128xf32, #tpu.memory_space<vmem_shared>> -> memref<64x128xf32, #tpu.memory_space<vmem_shared>>
    tpu.wait_indirect_dma semaphore(%arg39 : memref<!tpu.dma_semaphore, #tpu.memory_space<semaphore_mem>>) src(%arg9 : memref<128x128xf32, #tpu.memory_space<vmem>>) dst(%dma_wait3A_405 : memref<64x128xf32, #tpu.memory_space<vmem_shared>>)
    %dma_wait3A_406 = arith.constant 0 : i32
    %dma_wait3A_407 = arith.constant 0 : i32
    %dma_wait3A_408 = tpu.memref_slice %arg23[%dma_wait3A_406, %dma_wait3A_407] : memref<64x128xf32, #tpu.memory_space<vmem_shared>> -> memref<64x128xf32, #tpu.memory_space<vmem_shared>>
    tpu.wait_indirect_dma semaphore(%arg45 : memref<!tpu.dma_semaphore, #tpu.memory_space<semaphore_mem>>) src(%arg18 : memref<128x128xf32, #tpu.memory_space<vmem>>) dst(%dma_wait3A_408 : memref<64x128xf32, #tpu.memory_space<vmem_shared>>)
    %add3A_409 = arith.constant 1152 : i32
    %add3A_410 = arith.addi %and3A_205, %add3A_409 : i32
    %multiple_of3A_411 = tpu.assume_multiple %add3A_410, 8 : i32
    %dma_start3A_412 = arith.constant 0 : i32
    %dma_start3A_413 = tpu.memref_slice %arg2[%multiple_of3A_411, %dma_start3A_412] : memref<100000x128xf32, #tpu.memory_space<hbm>> -> memref<128x128xf32, #tpu.memory_space<hbm>>
    %dma_start3A_414 = arith.constant 0 : i32
    %dma_start3A_415 = tpu.memref_slice %arg2[%multiple_of3A_411, %dma_start3A_414] : memref<100000x128xf32, #tpu.memory_space<hbm>> -> memref<128x128xf32, #tpu.memory_space<hbm>>
    tpu.enqueue_dma source(%dma_start3A_415 : memref<128x128xf32, #tpu.memory_space<hbm>>) target(%arg9 : memref<128x128xf32, #tpu.memory_space<vmem>>) target_semaphore(%arg27 : memref<!tpu.dma_semaphore, #tpu.memory_space<semaphore_mem>>)
    %dma_start3A_416 = tpu.memref_slice %arg3[%multiple_of3A_411] : memref<100000xi32, #tpu.memory_space<hbm>> -> memref<128xi32, #tpu.memory_space<hbm>>
    %dma_start3A_417 = tpu.memref_slice %arg3[%multiple_of3A_411] : memref<100000xi32, #tpu.memory_space<hbm>> -> memref<128xi32, #tpu.memory_space<hbm>>
    tpu.enqueue_dma source(%dma_start3A_417 : memref<128xi32, #tpu.memory_space<hbm>>) target(%arg15 : memref<128xi32, #tpu.memory_space<vmem>>) target_semaphore(%arg33 : memref<!tpu.dma_semaphore, #tpu.memory_space<semaphore_mem>>)
    %dma_wait3A_418 = arith.constant 0 : i32
    %dma_wait3A_419 = tpu.memref_slice %arg2[%multiple_of3A_330, %dma_wait3A_418] : memref<100000x128xf32, #tpu.memory_space<hbm>> -> memref<128x128xf32, #tpu.memory_space<hbm>>
    %dma_wait3A_420 = arith.constant 0 : i32
    %dma_wait3A_421 = tpu.memref_slice %arg2[%multiple_of3A_330, %dma_wait3A_420] : memref<100000x128xf32, #tpu.memory_space<hbm>> -> memref<128x128xf32, #tpu.memory_space<hbm>>
    tpu.wait_dma2 semaphore(%arg24 : memref<!tpu.dma_semaphore, #tpu.memory_space<semaphore_mem>>) src(%dma_wait3A_421 : memref<128x128xf32, #tpu.memory_space<hbm>>) dst(%arg6 : memref<128x128xf32, #tpu.memory_space<vmem>>)
    %dma_wait3A_422 = tpu.memref_slice %arg3[%multiple_of3A_330] : memref<100000xi32, #tpu.memory_space<hbm>> -> memref<128xi32, #tpu.memory_space<hbm>>
    %dma_wait3A_423 = tpu.memref_slice %arg3[%multiple_of3A_330] : memref<100000xi32, #tpu.memory_space<hbm>> -> memref<128xi32, #tpu.memory_space<hbm>>
    tpu.wait_dma2 semaphore(%arg30 : memref<!tpu.dma_semaphore, #tpu.memory_space<semaphore_mem>>) src(%dma_wait3A_423 : memref<128xi32, #tpu.memory_space<hbm>>) dst(%arg12 : memref<128xi32, #tpu.memory_space<vmem>>)
    %dma_start3A_424 = arith.constant 0 : i32
    %dma_start3A_425 = arith.constant 0 : i32
    %dma_start3A_426 = tpu.memref_slice %arg22[%dma_start3A_424, %dma_start3A_425] : memref<64x128xf32, #tpu.memory_space<vmem_shared>> -> memref<64x128xf32, #tpu.memory_space<vmem_shared>>
    tpu.enqueue_indirect_dma source(%arg6 : memref<128x128xf32, #tpu.memory_space<vmem>>) target(%dma_start3A_426 : memref<64x128xf32, #tpu.memory_space<vmem_shared>>) offsets(%arg12 : memref<128xi32, #tpu.memory_space<vmem>>) semaphore(%arg36 : memref<!tpu.dma_semaphore, #tpu.memory_space<semaphore_mem>>) {add = true}
    %dma_start3A_427 = arith.constant 0 : i32
    %dma_start3A_428 = arith.constant 0 : i32
    %dma_start3A_429 = tpu.memref_slice %arg23[%dma_start3A_427, %dma_start3A_428] : memref<64x128xf32, #tpu.memory_space<vmem_shared>> -> memref<64x128xf32, #tpu.memory_space<vmem_shared>>
    tpu.enqueue_indirect_dma source(%arg18 : memref<128x128xf32, #tpu.memory_space<vmem>>) target(%dma_start3A_429 : memref<64x128xf32, #tpu.memory_space<vmem_shared>>) offsets(%arg12 : memref<128xi32, #tpu.memory_space<vmem>>) semaphore(%arg42 : memref<!tpu.dma_semaphore, #tpu.memory_space<semaphore_mem>>) {add = true}
    %dma_wait3A_430 = arith.constant 0 : i32
    %dma_wait3A_431 = arith.constant 0 : i32
    %dma_wait3A_432 = tpu.memref_slice %arg22[%dma_wait3A_430, %dma_wait3A_431] : memref<64x128xf32, #tpu.memory_space<vmem_shared>> -> memref<64x128xf32, #tpu.memory_space<vmem_shared>>
    tpu.wait_indirect_dma semaphore(%arg40 : memref<!tpu.dma_semaphore, #tpu.memory_space<semaphore_mem>>) src(%arg10 : memref<128x128xf32, #tpu.memory_space<vmem>>) dst(%dma_wait3A_432 : memref<64x128xf32, #tpu.memory_space<vmem_shared>>)
    %dma_wait3A_433 = arith.constant 0 : i32
    %dma_wait3A_434 = arith.constant 0 : i32
    %dma_wait3A_435 = tpu.memref_slice %arg23[%dma_wait3A_433, %dma_wait3A_434] : memref<64x128xf32, #tpu.memory_space<vmem_shared>> -> memref<64x128xf32, #tpu.memory_space<vmem_shared>>
    tpu.wait_indirect_dma semaphore(%arg46 : memref<!tpu.dma_semaphore, #tpu.memory_space<semaphore_mem>>) src(%arg18 : memref<128x128xf32, #tpu.memory_space<vmem>>) dst(%dma_wait3A_435 : memref<64x128xf32, #tpu.memory_space<vmem_shared>>)
    %add3A_436 = arith.constant 1280 : i32
    %add3A_437 = arith.addi %and3A_205, %add3A_436 : i32
    %multiple_of3A_438 = tpu.assume_multiple %add3A_437, 8 : i32
    %dma_start3A_439 = arith.constant 0 : i32
    %dma_start3A_440 = tpu.memref_slice %arg2[%multiple_of3A_438, %dma_start3A_439] : memref<100000x128xf32, #tpu.memory_space<hbm>> -> memref<128x128xf32, #tpu.memory_space<hbm>>
    %dma_start3A_441 = arith.constant 0 : i32
    %dma_start3A_442 = tpu.memref_slice %arg2[%multiple_of3A_438, %dma_start3A_441] : memref<100000x128xf32, #tpu.memory_space<hbm>> -> memref<128x128xf32, #tpu.memory_space<hbm>>
    tpu.enqueue_dma source(%dma_start3A_442 : memref<128x128xf32, #tpu.memory_space<hbm>>) target(%arg10 : memref<128x128xf32, #tpu.memory_space<vmem>>) target_semaphore(%arg28 : memref<!tpu.dma_semaphore, #tpu.memory_space<semaphore_mem>>)
    %dma_start3A_443 = tpu.memref_slice %arg3[%multiple_of3A_438] : memref<100000xi32, #tpu.memory_space<hbm>> -> memref<128xi32, #tpu.memory_space<hbm>>
    %dma_start3A_444 = tpu.memref_slice %arg3[%multiple_of3A_438] : memref<100000xi32, #tpu.memory_space<hbm>> -> memref<128xi32, #tpu.memory_space<hbm>>
    tpu.enqueue_dma source(%dma_start3A_444 : memref<128xi32, #tpu.memory_space<hbm>>) target(%arg16 : memref<128xi32, #tpu.memory_space<vmem>>) target_semaphore(%arg34 : memref<!tpu.dma_semaphore, #tpu.memory_space<semaphore_mem>>)
    %dma_wait3A_445 = arith.constant 0 : i32
    %dma_wait3A_446 = tpu.memref_slice %arg2[%multiple_of3A_357, %dma_wait3A_445] : memref<100000x128xf32, #tpu.memory_space<hbm>> -> memref<128x128xf32, #tpu.memory_space<hbm>>
    %dma_wait3A_447 = arith.constant 0 : i32
    %dma_wait3A_448 = tpu.memref_slice %arg2[%multiple_of3A_357, %dma_wait3A_447] : memref<100000x128xf32, #tpu.memory_space<hbm>> -> memref<128x128xf32, #tpu.memory_space<hbm>>
    tpu.wait_dma2 semaphore(%arg25 : memref<!tpu.dma_semaphore, #tpu.memory_space<semaphore_mem>>) src(%dma_wait3A_448 : memref<128x128xf32, #tpu.memory_space<hbm>>) dst(%arg7 : memref<128x128xf32, #tpu.memory_space<vmem>>)
    %dma_wait3A_449 = tpu.memref_slice %arg3[%multiple_of3A_357] : memref<100000xi32, #tpu.memory_space<hbm>> -> memref<128xi32, #tpu.memory_space<hbm>>
    %dma_wait3A_450 = tpu.memref_slice %arg3[%multiple_of3A_357] : memref<100000xi32, #tpu.memory_space<hbm>> -> memref<128xi32, #tpu.memory_space<hbm>>
    tpu.wait_dma2 semaphore(%arg31 : memref<!tpu.dma_semaphore, #tpu.memory_space<semaphore_mem>>) src(%dma_wait3A_450 : memref<128xi32, #tpu.memory_space<hbm>>) dst(%arg13 : memref<128xi32, #tpu.memory_space<vmem>>)
    %dma_start3A_451 = arith.constant 0 : i32
    %dma_start3A_452 = arith.constant 0 : i32
    %dma_start3A_453 = tpu.memref_slice %arg22[%dma_start3A_451, %dma_start3A_452] : memref<64x128xf32, #tpu.memory_space<vmem_shared>> -> memref<64x128xf32, #tpu.memory_space<vmem_shared>>
    tpu.enqueue_indirect_dma source(%arg7 : memref<128x128xf32, #tpu.memory_space<vmem>>) target(%dma_start3A_453 : memref<64x128xf32, #tpu.memory_space<vmem_shared>>) offsets(%arg13 : memref<128xi32, #tpu.memory_space<vmem>>) semaphore(%arg37 : memref<!tpu.dma_semaphore, #tpu.memory_space<semaphore_mem>>) {add = true}
    %dma_start3A_454 = arith.constant 0 : i32
    %dma_start3A_455 = arith.constant 0 : i32
    %dma_start3A_456 = tpu.memref_slice %arg23[%dma_start3A_454, %dma_start3A_455] : memref<64x128xf32, #tpu.memory_space<vmem_shared>> -> memref<64x128xf32, #tpu.memory_space<vmem_shared>>
    tpu.enqueue_indirect_dma source(%arg18 : memref<128x128xf32, #tpu.memory_space<vmem>>) target(%dma_start3A_456 : memref<64x128xf32, #tpu.memory_space<vmem_shared>>) offsets(%arg13 : memref<128xi32, #tpu.memory_space<vmem>>) semaphore(%arg43 : memref<!tpu.dma_semaphore, #tpu.memory_space<semaphore_mem>>) {add = true}
    %dma_wait3A_457 = arith.constant 0 : i32
    %dma_wait3A_458 = arith.constant 0 : i32
    %dma_wait3A_459 = tpu.memref_slice %arg22[%dma_wait3A_457, %dma_wait3A_458] : memref<64x128xf32, #tpu.memory_space<vmem_shared>> -> memref<64x128xf32, #tpu.memory_space<vmem_shared>>
    tpu.wait_indirect_dma semaphore(%arg41 : memref<!tpu.dma_semaphore, #tpu.memory_space<semaphore_mem>>) src(%arg11 : memref<128x128xf32, #tpu.memory_space<vmem>>) dst(%dma_wait3A_459 : memref<64x128xf32, #tpu.memory_space<vmem_shared>>)
    %dma_wait3A_460 = arith.constant 0 : i32
    %dma_wait3A_461 = arith.constant 0 : i32
    %dma_wait3A_462 = tpu.memref_slice %arg23[%dma_wait3A_460, %dma_wait3A_461] : memref<64x128xf32, #tpu.memory_space<vmem_shared>> -> memref<64x128xf32, #tpu.memory_space<vmem_shared>>
    tpu.wait_indirect_dma semaphore(%arg47 : memref<!tpu.dma_semaphore, #tpu.memory_space<semaphore_mem>>) src(%arg18 : memref<128x128xf32, #tpu.memory_space<vmem>>) dst(%dma_wait3A_462 : memref<64x128xf32, #tpu.memory_space<vmem_shared>>)
    %add3A_463 = arith.constant 1408 : i32
    %add3A_464 = arith.addi %and3A_205, %add3A_463 : i32
    %multiple_of3A_465 = tpu.assume_multiple %add3A_464, 8 : i32
    %dma_start3A_466 = arith.constant 0 : i32
    %dma_start3A_467 = tpu.memref_slice %arg2[%multiple_of3A_465, %dma_start3A_466] : memref<100000x128xf32, #tpu.memory_space<hbm>> -> memref<128x128xf32, #tpu.memory_space<hbm>>
    %dma_start3A_468 = arith.constant 0 : i32
    %dma_start3A_469 = tpu.memref_slice %arg2[%multiple_of3A_465, %dma_start3A_468] : memref<100000x128xf32, #tpu.memory_space<hbm>> -> memref<128x128xf32, #tpu.memory_space<hbm>>
    tpu.enqueue_dma source(%dma_start3A_469 : memref<128x128xf32, #tpu.memory_space<hbm>>) target(%arg11 : memref<128x128xf32, #tpu.memory_space<vmem>>) target_semaphore(%arg29 : memref<!tpu.dma_semaphore, #tpu.memory_space<semaphore_mem>>)
    %dma_start3A_470 = tpu.memref_slice %arg3[%multiple_of3A_465] : memref<100000xi32, #tpu.memory_space<hbm>> -> memref<128xi32, #tpu.memory_space<hbm>>
    %dma_start3A_471 = tpu.memref_slice %arg3[%multiple_of3A_465] : memref<100000xi32, #tpu.memory_space<hbm>> -> memref<128xi32, #tpu.memory_space<hbm>>
    tpu.enqueue_dma source(%dma_start3A_471 : memref<128xi32, #tpu.memory_space<hbm>>) target(%arg17 : memref<128xi32, #tpu.memory_space<vmem>>) target_semaphore(%arg35 : memref<!tpu.dma_semaphore, #tpu.memory_space<semaphore_mem>>)
    %dma_wait3A_472 = arith.constant 0 : i32
    %dma_wait3A_473 = tpu.memref_slice %arg2[%multiple_of3A_384, %dma_wait3A_472] : memref<100000x128xf32, #tpu.memory_space<hbm>> -> memref<128x128xf32, #tpu.memory_space<hbm>>
    %dma_wait3A_474 = arith.constant 0 : i32
    %dma_wait3A_475 = tpu.memref_slice %arg2[%multiple_of3A_384, %dma_wait3A_474] : memref<100000x128xf32, #tpu.memory_space<hbm>> -> memref<128x128xf32, #tpu.memory_space<hbm>>
    tpu.wait_dma2 semaphore(%arg26 : memref<!tpu.dma_semaphore, #tpu.memory_space<semaphore_mem>>) src(%dma_wait3A_475 : memref<128x128xf32, #tpu.memory_space<hbm>>) dst(%arg8 : memref<128x128xf32, #tpu.memory_space<vmem>>)
    %dma_wait3A_476 = tpu.memref_slice %arg3[%multiple_of3A_384] : memref<100000xi32, #tpu.memory_space<hbm>> -> memref<128xi32, #tpu.memory_space<hbm>>
    %dma_wait3A_477 = tpu.memref_slice %arg3[%multiple_of3A_384] : memref<100000xi32, #tpu.memory_space<hbm>> -> memref<128xi32, #tpu.memory_space<hbm>>
    tpu.wait_dma2 semaphore(%arg32 : memref<!tpu.dma_semaphore, #tpu.memory_space<semaphore_mem>>) src(%dma_wait3A_477 : memref<128xi32, #tpu.memory_space<hbm>>) dst(%arg14 : memref<128xi32, #tpu.memory_space<vmem>>)
    %dma_start3A_478 = arith.constant 0 : i32
    %dma_start3A_479 = arith.constant 0 : i32
    %dma_start3A_480 = tpu.memref_slice %arg22[%dma_start3A_478, %dma_start3A_479] : memref<64x128xf32, #tpu.memory_space<vmem_shared>> -> memref<64x128xf32, #tpu.memory_space<vmem_shared>>
    tpu.enqueue_indirect_dma source(%arg8 : memref<128x128xf32, #tpu.memory_space<vmem>>) target(%dma_start3A_480 : memref<64x128xf32, #tpu.memory_space<vmem_shared>>) offsets(%arg14 : memref<128xi32, #tpu.memory_space<vmem>>) semaphore(%arg38 : memref<!tpu.dma_semaphore, #tpu.memory_space<semaphore_mem>>) {add = true}
    %dma_start3A_481 = arith.constant 0 : i32
    %dma_start3A_482 = arith.constant 0 : i32
    %dma_start3A_483 = tpu.memref_slice %arg23[%dma_start3A_481, %dma_start3A_482] : memref<64x128xf32, #tpu.memory_space<vmem_shared>> -> memref<64x128xf32, #tpu.memory_space<vmem_shared>>
    tpu.enqueue_indirect_dma source(%arg18 : memref<128x128xf32, #tpu.memory_space<vmem>>) target(%dma_start3A_483 : memref<64x128xf32, #tpu.memory_space<vmem_shared>>) offsets(%arg14 : memref<128xi32, #tpu.memory_space<vmem>>) semaphore(%arg44 : memref<!tpu.dma_semaphore, #tpu.memory_space<semaphore_mem>>) {add = true}
    %dma_wait3A_484 = arith.constant 0 : i32
    %dma_wait3A_485 = arith.constant 0 : i32
    %dma_wait3A_486 = tpu.memref_slice %arg22[%dma_wait3A_484, %dma_wait3A_485] : memref<64x128xf32, #tpu.memory_space<vmem_shared>> -> memref<64x128xf32, #tpu.memory_space<vmem_shared>>
    tpu.wait_indirect_dma semaphore(%arg36 : memref<!tpu.dma_semaphore, #tpu.memory_space<semaphore_mem>>) src(%arg6 : memref<128x128xf32, #tpu.memory_space<vmem>>) dst(%dma_wait3A_486 : memref<64x128xf32, #tpu.memory_space<vmem_shared>>)
    %dma_wait3A_487 = arith.constant 0 : i32
    %dma_wait3A_488 = arith.constant 0 : i32
    %dma_wait3A_489 = tpu.memref_slice %arg23[%dma_wait3A_487, %dma_wait3A_488] : memref<64x128xf32, #tpu.memory_space<vmem_shared>> -> memref<64x128xf32, #tpu.memory_space<vmem_shared>>
    tpu.wait_indirect_dma semaphore(%arg42 : memref<!tpu.dma_semaphore, #tpu.memory_space<semaphore_mem>>) src(%arg18 : memref<128x128xf32, #tpu.memory_space<vmem>>) dst(%dma_wait3A_489 : memref<64x128xf32, #tpu.memory_space<vmem_shared>>)
    %add3A_490 = arith.constant 1536 : i32
    %add3A_491 = arith.addi %and3A_205, %add3A_490 : i32
    %multiple_of3A_492 = tpu.assume_multiple %add3A_491, 8 : i32
    %dma_start3A_493 = arith.constant 0 : i32
    %dma_start3A_494 = tpu.memref_slice %arg2[%multiple_of3A_492, %dma_start3A_493] : memref<100000x128xf32, #tpu.memory_space<hbm>> -> memref<128x128xf32, #tpu.memory_space<hbm>>
    %dma_start3A_495 = arith.constant 0 : i32
    %dma_start3A_496 = tpu.memref_slice %arg2[%multiple_of3A_492, %dma_start3A_495] : memref<100000x128xf32, #tpu.memory_space<hbm>> -> memref<128x128xf32, #tpu.memory_space<hbm>>
    tpu.enqueue_dma source(%dma_start3A_496 : memref<128x128xf32, #tpu.memory_space<hbm>>) target(%arg6 : memref<128x128xf32, #tpu.memory_space<vmem>>) target_semaphore(%arg24 : memref<!tpu.dma_semaphore, #tpu.memory_space<semaphore_mem>>)
    %dma_start3A_497 = tpu.memref_slice %arg3[%multiple_of3A_492] : memref<100000xi32, #tpu.memory_space<hbm>> -> memref<128xi32, #tpu.memory_space<hbm>>
    %dma_start3A_498 = tpu.memref_slice %arg3[%multiple_of3A_492] : memref<100000xi32, #tpu.memory_space<hbm>> -> memref<128xi32, #tpu.memory_space<hbm>>
    tpu.enqueue_dma source(%dma_start3A_498 : memref<128xi32, #tpu.memory_space<hbm>>) target(%arg12 : memref<128xi32, #tpu.memory_space<vmem>>) target_semaphore(%arg30 : memref<!tpu.dma_semaphore, #tpu.memory_space<semaphore_mem>>)
    %dma_wait3A_499 = arith.constant 0 : i32
    %dma_wait3A_500 = tpu.memref_slice %arg2[%multiple_of3A_411, %dma_wait3A_499] : memref<100000x128xf32, #tpu.memory_space<hbm>> -> memref<128x128xf32, #tpu.memory_space<hbm>>
    %dma_wait3A_501 = arith.constant 0 : i32
    %dma_wait3A_502 = tpu.memref_slice %arg2[%multiple_of3A_411, %dma_wait3A_501] : memref<100000x128xf32, #tpu.memory_space<hbm>> -> memref<128x128xf32, #tpu.memory_space<hbm>>
    tpu.wait_dma2 semaphore(%arg27 : memref<!tpu.dma_semaphore, #tpu.memory_space<semaphore_mem>>) src(%dma_wait3A_502 : memref<128x128xf32, #tpu.memory_space<hbm>>) dst(%arg9 : memref<128x128xf32, #tpu.memory_space<vmem>>)
    %dma_wait3A_503 = tpu.memref_slice %arg3[%multiple_of3A_411] : memref<100000xi32, #tpu.memory_space<hbm>> -> memref<128xi32, #tpu.memory_space<hbm>>
    %dma_wait3A_504 = tpu.memref_slice %arg3[%multiple_of3A_411] : memref<100000xi32, #tpu.memory_space<hbm>> -> memref<128xi32, #tpu.memory_space<hbm>>
    tpu.wait_dma2 semaphore(%arg33 : memref<!tpu.dma_semaphore, #tpu.memory_space<semaphore_mem>>) src(%dma_wait3A_504 : memref<128xi32, #tpu.memory_space<hbm>>) dst(%arg15 : memref<128xi32, #tpu.memory_space<vmem>>)
    %dma_start3A_505 = arith.constant 0 : i32
    %dma_start3A_506 = arith.constant 0 : i32
    %dma_start3A_507 = tpu.memref_slice %arg22[%dma_start3A_505, %dma_start3A_506] : memref<64x128xf32, #tpu.memory_space<vmem_shared>> -> memref<64x128xf32, #tpu.memory_space<vmem_shared>>
    tpu.enqueue_indirect_dma source(%arg9 : memref<128x128xf32, #tpu.memory_space<vmem>>) target(%dma_start3A_507 : memref<64x128xf32, #tpu.memory_space<vmem_shared>>) offsets(%arg15 : memref<128xi32, #tpu.memory_space<vmem>>) semaphore(%arg39 : memref<!tpu.dma_semaphore, #tpu.memory_space<semaphore_mem>>) {add = true}
    %dma_start3A_508 = arith.constant 0 : i32
    %dma_start3A_509 = arith.constant 0 : i32
    %dma_start3A_510 = tpu.memref_slice %arg23[%dma_start3A_508, %dma_start3A_509] : memref<64x128xf32, #tpu.memory_space<vmem_shared>> -> memref<64x128xf32, #tpu.memory_space<vmem_shared>>
    tpu.enqueue_indirect_dma source(%arg18 : memref<128x128xf32, #tpu.memory_space<vmem>>) target(%dma_start3A_510 : memref<64x128xf32, #tpu.memory_space<vmem_shared>>) offsets(%arg15 : memref<128xi32, #tpu.memory_space<vmem>>) semaphore(%arg45 : memref<!tpu.dma_semaphore, #tpu.memory_space<semaphore_mem>>) {add = true}
    %dma_wait3A_511 = arith.constant 0 : i32
    %dma_wait3A_512 = arith.constant 0 : i32
    %dma_wait3A_513 = tpu.memref_slice %arg22[%dma_wait3A_511, %dma_wait3A_512] : memref<64x128xf32, #tpu.memory_space<vmem_shared>> -> memref<64x128xf32, #tpu.memory_space<vmem_shared>>
    tpu.wait_indirect_dma semaphore(%arg37 : memref<!tpu.dma_semaphore, #tpu.memory_space<semaphore_mem>>) src(%arg7 : memref<128x128xf32, #tpu.memory_space<vmem>>) dst(%dma_wait3A_513 : memref<64x128xf32, #tpu.memory_space<vmem_shared>>)
    %dma_wait3A_514 = arith.constant 0 : i32
    %dma_wait3A_515 = arith.constant 0 : i32
    %dma_wait3A_516 = tpu.memref_slice %arg23[%dma_wait3A_514, %dma_wait3A_515] : memref<64x128xf32, #tpu.memory_space<vmem_shared>> -> memref<64x128xf32, #tpu.memory_space<vmem_shared>>
    tpu.wait_indirect_dma semaphore(%arg43 : memref<!tpu.dma_semaphore, #tpu.memory_space<semaphore_mem>>) src(%arg18 : memref<128x128xf32, #tpu.memory_space<vmem>>) dst(%dma_wait3A_516 : memref<64x128xf32, #tpu.memory_space<vmem_shared>>)
    %add3A_517 = arith.constant 1664 : i32
    %add3A_518 = arith.addi %and3A_205, %add3A_517 : i32
    %multiple_of3A_519 = tpu.assume_multiple %add3A_518, 8 : i32
    %dma_start3A_520 = arith.constant 0 : i32
    %dma_start3A_521 = tpu.memref_slice %arg2[%multiple_of3A_519, %dma_start3A_520] : memref<100000x128xf32, #tpu.memory_space<hbm>> -> memref<128x128xf32, #tpu.memory_space<hbm>>
    %dma_start3A_522 = arith.constant 0 : i32
    %dma_start3A_523 = tpu.memref_slice %arg2[%multiple_of3A_519, %dma_start3A_522] : memref<100000x128xf32, #tpu.memory_space<hbm>> -> memref<128x128xf32, #tpu.memory_space<hbm>>
    tpu.enqueue_dma source(%dma_start3A_523 : memref<128x128xf32, #tpu.memory_space<hbm>>) target(%arg7 : memref<128x128xf32, #tpu.memory_space<vmem>>) target_semaphore(%arg25 : memref<!tpu.dma_semaphore, #tpu.memory_space<semaphore_mem>>)
    %dma_start3A_524 = tpu.memref_slice %arg3[%multiple_of3A_519] : memref<100000xi32, #tpu.memory_space<hbm>> -> memref<128xi32, #tpu.memory_space<hbm>>
    %dma_start3A_525 = tpu.memref_slice %arg3[%multiple_of3A_519] : memref<100000xi32, #tpu.memory_space<hbm>> -> memref<128xi32, #tpu.memory_space<hbm>>
    tpu.enqueue_dma source(%dma_start3A_525 : memref<128xi32, #tpu.memory_space<hbm>>) target(%arg13 : memref<128xi32, #tpu.memory_space<vmem>>) target_semaphore(%arg31 : memref<!tpu.dma_semaphore, #tpu.memory_space<semaphore_mem>>)
    %dma_wait3A_526 = arith.constant 0 : i32
    %dma_wait3A_527 = tpu.memref_slice %arg2[%multiple_of3A_438, %dma_wait3A_526] : memref<100000x128xf32, #tpu.memory_space<hbm>> -> memref<128x128xf32, #tpu.memory_space<hbm>>
    %dma_wait3A_528 = arith.constant 0 : i32
    %dma_wait3A_529 = tpu.memref_slice %arg2[%multiple_of3A_438, %dma_wait3A_528] : memref<100000x128xf32, #tpu.memory_space<hbm>> -> memref<128x128xf32, #tpu.memory_space<hbm>>
    tpu.wait_dma2 semaphore(%arg28 : memref<!tpu.dma_semaphore, #tpu.memory_space<semaphore_mem>>) src(%dma_wait3A_529 : memref<128x128xf32, #tpu.memory_space<hbm>>) dst(%arg10 : memref<128x128xf32, #tpu.memory_space<vmem>>)
    %dma_wait3A_530 = tpu.memref_slice %arg3[%multiple_of3A_438] : memref<100000xi32, #tpu.memory_space<hbm>> -> memref<128xi32, #tpu.memory_space<hbm>>
    %dma_wait3A_531 = tpu.memref_slice %arg3[%multiple_of3A_438] : memref<100000xi32, #tpu.memory_space<hbm>> -> memref<128xi32, #tpu.memory_space<hbm>>
    tpu.wait_dma2 semaphore(%arg34 : memref<!tpu.dma_semaphore, #tpu.memory_space<semaphore_mem>>) src(%dma_wait3A_531 : memref<128xi32, #tpu.memory_space<hbm>>) dst(%arg16 : memref<128xi32, #tpu.memory_space<vmem>>)
    %dma_start3A_532 = arith.constant 0 : i32
    %dma_start3A_533 = arith.constant 0 : i32
    %dma_start3A_534 = tpu.memref_slice %arg22[%dma_start3A_532, %dma_start3A_533] : memref<64x128xf32, #tpu.memory_space<vmem_shared>> -> memref<64x128xf32, #tpu.memory_space<vmem_shared>>
    tpu.enqueue_indirect_dma source(%arg10 : memref<128x128xf32, #tpu.memory_space<vmem>>) target(%dma_start3A_534 : memref<64x128xf32, #tpu.memory_space<vmem_shared>>) offsets(%arg16 : memref<128xi32, #tpu.memory_space<vmem>>) semaphore(%arg40 : memref<!tpu.dma_semaphore, #tpu.memory_space<semaphore_mem>>) {add = true}
    %dma_start3A_535 = arith.constant 0 : i32
    %dma_start3A_536 = arith.constant 0 : i32
    %dma_start3A_537 = tpu.memref_slice %arg23[%dma_start3A_535, %dma_start3A_536] : memref<64x128xf32, #tpu.memory_space<vmem_shared>> -> memref<64x128xf32, #tpu.memory_space<vmem_shared>>
    tpu.enqueue_indirect_dma source(%arg18 : memref<128x128xf32, #tpu.memory_space<vmem>>) target(%dma_start3A_537 : memref<64x128xf32, #tpu.memory_space<vmem_shared>>) offsets(%arg16 : memref<128xi32, #tpu.memory_space<vmem>>) semaphore(%arg46 : memref<!tpu.dma_semaphore, #tpu.memory_space<semaphore_mem>>) {add = true}
    %dma_wait3A_538 = arith.constant 0 : i32
    %dma_wait3A_539 = arith.constant 0 : i32
    %dma_wait3A_540 = tpu.memref_slice %arg22[%dma_wait3A_538, %dma_wait3A_539] : memref<64x128xf32, #tpu.memory_space<vmem_shared>> -> memref<64x128xf32, #tpu.memory_space<vmem_shared>>
    tpu.wait_indirect_dma semaphore(%arg38 : memref<!tpu.dma_semaphore, #tpu.memory_space<semaphore_mem>>) src(%arg8 : memref<128x128xf32, #tpu.memory_space<vmem>>) dst(%dma_wait3A_540 : memref<64x128xf32, #tpu.memory_space<vmem_shared>>)
    %dma_wait3A_541 = arith.constant 0 : i32
    %dma_wait3A_542 = arith.constant 0 : i32
    %dma_wait3A_543 = tpu.memref_slice %arg23[%dma_wait3A_541, %dma_wait3A_542] : memref<64x128xf32, #tpu.memory_space<vmem_shared>> -> memref<64x128xf32, #tpu.memory_space<vmem_shared>>
    tpu.wait_indirect_dma semaphore(%arg44 : memref<!tpu.dma_semaphore, #tpu.memory_space<semaphore_mem>>) src(%arg18 : memref<128x128xf32, #tpu.memory_space<vmem>>) dst(%dma_wait3A_543 : memref<64x128xf32, #tpu.memory_space<vmem_shared>>)
    %add3A_544 = arith.constant 1792 : i32
    %add3A_545 = arith.addi %and3A_205, %add3A_544 : i32
    %multiple_of3A_546 = tpu.assume_multiple %add3A_545, 8 : i32
    %dma_start3A_547 = arith.constant 0 : i32
    %dma_start3A_548 = tpu.memref_slice %arg2[%multiple_of3A_546, %dma_start3A_547] : memref<100000x128xf32, #tpu.memory_space<hbm>> -> memref<128x128xf32, #tpu.memory_space<hbm>>
    %dma_start3A_549 = arith.constant 0 : i32
    %dma_start3A_550 = tpu.memref_slice %arg2[%multiple_of3A_546, %dma_start3A_549] : memref<100000x128xf32, #tpu.memory_space<hbm>> -> memref<128x128xf32, #tpu.memory_space<hbm>>
    tpu.enqueue_dma source(%dma_start3A_550 : memref<128x128xf32, #tpu.memory_space<hbm>>) target(%arg8 : memref<128x128xf32, #tpu.memory_space<vmem>>) target_semaphore(%arg26 : memref<!tpu.dma_semaphore, #tpu.memory_space<semaphore_mem>>)
    %dma_start3A_551 = tpu.memref_slice %arg3[%multiple_of3A_546] : memref<100000xi32, #tpu.memory_space<hbm>> -> memref<128xi32, #tpu.memory_space<hbm>>
    %dma_start3A_552 = tpu.memref_slice %arg3[%multiple_of3A_546] : memref<100000xi32, #tpu.memory_space<hbm>> -> memref<128xi32, #tpu.memory_space<hbm>>
    tpu.enqueue_dma source(%dma_start3A_552 : memref<128xi32, #tpu.memory_space<hbm>>) target(%arg14 : memref<128xi32, #tpu.memory_space<vmem>>) target_semaphore(%arg32 : memref<!tpu.dma_semaphore, #tpu.memory_space<semaphore_mem>>)
    %dma_wait3A_553 = arith.constant 0 : i32
    %dma_wait3A_554 = tpu.memref_slice %arg2[%multiple_of3A_465, %dma_wait3A_553] : memref<100000x128xf32, #tpu.memory_space<hbm>> -> memref<128x128xf32, #tpu.memory_space<hbm>>
    %dma_wait3A_555 = arith.constant 0 : i32
    %dma_wait3A_556 = tpu.memref_slice %arg2[%multiple_of3A_465, %dma_wait3A_555] : memref<100000x128xf32, #tpu.memory_space<hbm>> -> memref<128x128xf32, #tpu.memory_space<hbm>>
    tpu.wait_dma2 semaphore(%arg29 : memref<!tpu.dma_semaphore, #tpu.memory_space<semaphore_mem>>) src(%dma_wait3A_556 : memref<128x128xf32, #tpu.memory_space<hbm>>) dst(%arg11 : memref<128x128xf32, #tpu.memory_space<vmem>>)
    %dma_wait3A_557 = tpu.memref_slice %arg3[%multiple_of3A_465] : memref<100000xi32, #tpu.memory_space<hbm>> -> memref<128xi32, #tpu.memory_space<hbm>>
    %dma_wait3A_558 = tpu.memref_slice %arg3[%multiple_of3A_465] : memref<100000xi32, #tpu.memory_space<hbm>> -> memref<128xi32, #tpu.memory_space<hbm>>
    tpu.wait_dma2 semaphore(%arg35 : memref<!tpu.dma_semaphore, #tpu.memory_space<semaphore_mem>>) src(%dma_wait3A_558 : memref<128xi32, #tpu.memory_space<hbm>>) dst(%arg17 : memref<128xi32, #tpu.memory_space<vmem>>)
    %dma_start3A_559 = arith.constant 0 : i32
    %dma_start3A_560 = arith.constant 0 : i32
    %dma_start3A_561 = tpu.memref_slice %arg22[%dma_start3A_559, %dma_start3A_560] : memref<64x128xf32, #tpu.memory_space<vmem_shared>> -> memref<64x128xf32, #tpu.memory_space<vmem_shared>>
    tpu.enqueue_indirect_dma source(%arg11 : memref<128x128xf32, #tpu.memory_space<vmem>>) target(%dma_start3A_561 : memref<64x128xf32, #tpu.memory_space<vmem_shared>>) offsets(%arg17 : memref<128xi32, #tpu.memory_space<vmem>>) semaphore(%arg41 : memref<!tpu.dma_semaphore, #tpu.memory_space<semaphore_mem>>) {add = true}
    %dma_start3A_562 = arith.constant 0 : i32
    %dma_start3A_563 = arith.constant 0 : i32
    %dma_start3A_564 = tpu.memref_slice %arg23[%dma_start3A_562, %dma_start3A_563] : memref<64x128xf32, #tpu.memory_space<vmem_shared>> -> memref<64x128xf32, #tpu.memory_space<vmem_shared>>
    tpu.enqueue_indirect_dma source(%arg18 : memref<128x128xf32, #tpu.memory_space<vmem>>) target(%dma_start3A_564 : memref<64x128xf32, #tpu.memory_space<vmem_shared>>) offsets(%arg17 : memref<128xi32, #tpu.memory_space<vmem>>) semaphore(%arg47 : memref<!tpu.dma_semaphore, #tpu.memory_space<semaphore_mem>>) {add = true}
    %dma_wait3A_565 = arith.constant 0 : i32
    %dma_wait3A_566 = arith.constant 0 : i32
    %dma_wait3A_567 = tpu.memref_slice %arg22[%dma_wait3A_565, %dma_wait3A_566] : memref<64x128xf32, #tpu.memory_space<vmem_shared>> -> memref<64x128xf32, #tpu.memory_space<vmem_shared>>
    tpu.wait_indirect_dma semaphore(%arg39 : memref<!tpu.dma_semaphore, #tpu.memory_space<semaphore_mem>>) src(%arg9 : memref<128x128xf32, #tpu.memory_space<vmem>>) dst(%dma_wait3A_567 : memref<64x128xf32, #tpu.memory_space<vmem_shared>>)
    %dma_wait3A_568 = arith.constant 0 : i32
    %dma_wait3A_569 = arith.constant 0 : i32
    %dma_wait3A_570 = tpu.memref_slice %arg23[%dma_wait3A_568, %dma_wait3A_569] : memref<64x128xf32, #tpu.memory_space<vmem_shared>> -> memref<64x128xf32, #tpu.memory_space<vmem_shared>>
    tpu.wait_indirect_dma semaphore(%arg45 : memref<!tpu.dma_semaphore, #tpu.memory_space<semaphore_mem>>) src(%arg18 : memref<128x128xf32, #tpu.memory_space<vmem>>) dst(%dma_wait3A_570 : memref<64x128xf32, #tpu.memory_space<vmem_shared>>)
    %add3A_571 = arith.constant 1920 : i32
    %add3A_572 = arith.addi %and3A_205, %add3A_571 : i32
    %multiple_of3A_573 = tpu.assume_multiple %add3A_572, 8 : i32
    %dma_start3A_574 = arith.constant 0 : i32
    %dma_start3A_575 = tpu.memref_slice %arg2[%multiple_of3A_573, %dma_start3A_574] : memref<100000x128xf32, #tpu.memory_space<hbm>> -> memref<128x128xf32, #tpu.memory_space<hbm>>
    %dma_start3A_576 = arith.constant 0 : i32
    %dma_start3A_577 = tpu.memref_slice %arg2[%multiple_of3A_573, %dma_start3A_576] : memref<100000x128xf32, #tpu.memory_space<hbm>> -> memref<128x128xf32, #tpu.memory_space<hbm>>
    tpu.enqueue_dma source(%dma_start3A_577 : memref<128x128xf32, #tpu.memory_space<hbm>>) target(%arg9 : memref<128x128xf32, #tpu.memory_space<vmem>>) target_semaphore(%arg27 : memref<!tpu.dma_semaphore, #tpu.memory_space<semaphore_mem>>)
    %dma_start3A_578 = tpu.memref_slice %arg3[%multiple_of3A_573] : memref<100000xi32, #tpu.memory_space<hbm>> -> memref<128xi32, #tpu.memory_space<hbm>>
    %dma_start3A_579 = tpu.memref_slice %arg3[%multiple_of3A_573] : memref<100000xi32, #tpu.memory_space<hbm>> -> memref<128xi32, #tpu.memory_space<hbm>>
    tpu.enqueue_dma source(%dma_start3A_579 : memref<128xi32, #tpu.memory_space<hbm>>) target(%arg15 : memref<128xi32, #tpu.memory_space<vmem>>) target_semaphore(%arg33 : memref<!tpu.dma_semaphore, #tpu.memory_space<semaphore_mem>>)
    %dma_wait3A_580 = arith.constant 0 : i32
    %dma_wait3A_581 = tpu.memref_slice %arg2[%multiple_of3A_492, %dma_wait3A_580] : memref<100000x128xf32, #tpu.memory_space<hbm>> -> memref<128x128xf32, #tpu.memory_space<hbm>>
    %dma_wait3A_582 = arith.constant 0 : i32
    %dma_wait3A_583 = tpu.memref_slice %arg2[%multiple_of3A_492, %dma_wait3A_582] : memref<100000x128xf32, #tpu.memory_space<hbm>> -> memref<128x128xf32, #tpu.memory_space<hbm>>
    tpu.wait_dma2 semaphore(%arg24 : memref<!tpu.dma_semaphore, #tpu.memory_space<semaphore_mem>>) src(%dma_wait3A_583 : memref<128x128xf32, #tpu.memory_space<hbm>>) dst(%arg6 : memref<128x128xf32, #tpu.memory_space<vmem>>)
    %dma_wait3A_584 = tpu.memref_slice %arg3[%multiple_of3A_492] : memref<100000xi32, #tpu.memory_space<hbm>> -> memref<128xi32, #tpu.memory_space<hbm>>
    %dma_wait3A_585 = tpu.memref_slice %arg3[%multiple_of3A_492] : memref<100000xi32, #tpu.memory_space<hbm>> -> memref<128xi32, #tpu.memory_space<hbm>>
    tpu.wait_dma2 semaphore(%arg30 : memref<!tpu.dma_semaphore, #tpu.memory_space<semaphore_mem>>) src(%dma_wait3A_585 : memref<128xi32, #tpu.memory_space<hbm>>) dst(%arg12 : memref<128xi32, #tpu.memory_space<vmem>>)
    %dma_start3A_586 = arith.constant 0 : i32
    %dma_start3A_587 = arith.constant 0 : i32
    %dma_start3A_588 = tpu.memref_slice %arg22[%dma_start3A_586, %dma_start3A_587] : memref<64x128xf32, #tpu.memory_space<vmem_shared>> -> memref<64x128xf32, #tpu.memory_space<vmem_shared>>
    tpu.enqueue_indirect_dma source(%arg6 : memref<128x128xf32, #tpu.memory_space<vmem>>) target(%dma_start3A_588 : memref<64x128xf32, #tpu.memory_space<vmem_shared>>) offsets(%arg12 : memref<128xi32, #tpu.memory_space<vmem>>) semaphore(%arg36 : memref<!tpu.dma_semaphore, #tpu.memory_space<semaphore_mem>>) {add = true}
    %dma_start3A_589 = arith.constant 0 : i32
    %dma_start3A_590 = arith.constant 0 : i32
    %dma_start3A_591 = tpu.memref_slice %arg23[%dma_start3A_589, %dma_start3A_590] : memref<64x128xf32, #tpu.memory_space<vmem_shared>> -> memref<64x128xf32, #tpu.memory_space<vmem_shared>>
    tpu.enqueue_indirect_dma source(%arg18 : memref<128x128xf32, #tpu.memory_space<vmem>>) target(%dma_start3A_591 : memref<64x128xf32, #tpu.memory_space<vmem_shared>>) offsets(%arg12 : memref<128xi32, #tpu.memory_space<vmem>>) semaphore(%arg42 : memref<!tpu.dma_semaphore, #tpu.memory_space<semaphore_mem>>) {add = true}
    %dma_wait3A_592 = arith.constant 0 : i32
    %dma_wait3A_593 = arith.constant 0 : i32
    %dma_wait3A_594 = tpu.memref_slice %arg22[%dma_wait3A_592, %dma_wait3A_593] : memref<64x128xf32, #tpu.memory_space<vmem_shared>> -> memref<64x128xf32, #tpu.memory_space<vmem_shared>>
    tpu.wait_indirect_dma semaphore(%arg40 : memref<!tpu.dma_semaphore, #tpu.memory_space<semaphore_mem>>) src(%arg10 : memref<128x128xf32, #tpu.memory_space<vmem>>) dst(%dma_wait3A_594 : memref<64x128xf32, #tpu.memory_space<vmem_shared>>)
    %dma_wait3A_595 = arith.constant 0 : i32
    %dma_wait3A_596 = arith.constant 0 : i32
    %dma_wait3A_597 = tpu.memref_slice %arg23[%dma_wait3A_595, %dma_wait3A_596] : memref<64x128xf32, #tpu.memory_space<vmem_shared>> -> memref<64x128xf32, #tpu.memory_space<vmem_shared>>
    tpu.wait_indirect_dma semaphore(%arg46 : memref<!tpu.dma_semaphore, #tpu.memory_space<semaphore_mem>>) src(%arg18 : memref<128x128xf32, #tpu.memory_space<vmem>>) dst(%dma_wait3A_597 : memref<64x128xf32, #tpu.memory_space<vmem_shared>>)
    %add3A_598 = arith.constant 2048 : i32
    %add3A_599 = arith.addi %and3A_205, %add3A_598 : i32
    %multiple_of3A_600 = tpu.assume_multiple %add3A_599, 8 : i32
    %dma_start3A_601 = arith.constant 0 : i32
    %dma_start3A_602 = tpu.memref_slice %arg2[%multiple_of3A_600, %dma_start3A_601] : memref<100000x128xf32, #tpu.memory_space<hbm>> -> memref<128x128xf32, #tpu.memory_space<hbm>>
    %dma_start3A_603 = arith.constant 0 : i32
    %dma_start3A_604 = tpu.memref_slice %arg2[%multiple_of3A_600, %dma_start3A_603] : memref<100000x128xf32, #tpu.memory_space<hbm>> -> memref<128x128xf32, #tpu.memory_space<hbm>>
    tpu.enqueue_dma source(%dma_start3A_604 : memref<128x128xf32, #tpu.memory_space<hbm>>) target(%arg10 : memref<128x128xf32, #tpu.memory_space<vmem>>) target_semaphore(%arg28 : memref<!tpu.dma_semaphore, #tpu.memory_space<semaphore_mem>>)
    %dma_start3A_605 = tpu.memref_slice %arg3[%multiple_of3A_600] : memref<100000xi32, #tpu.memory_space<hbm>> -> memref<128xi32, #tpu.memory_space<hbm>>
    %dma_start3A_606 = tpu.memref_slice %arg3[%multiple_of3A_600] : memref<100000xi32, #tpu.memory_space<hbm>> -> memref<128xi32, #tpu.memory_space<hbm>>
    tpu.enqueue_dma source(%dma_start3A_606 : memref<128xi32, #tpu.memory_space<hbm>>) target(%arg16 : memref<128xi32, #tpu.memory_space<vmem>>) target_semaphore(%arg34 : memref<!tpu.dma_semaphore, #tpu.memory_space<semaphore_mem>>)
    %dma_wait3A_607 = arith.constant 0 : i32
    %dma_wait3A_608 = tpu.memref_slice %arg2[%multiple_of3A_519, %dma_wait3A_607] : memref<100000x128xf32, #tpu.memory_space<hbm>> -> memref<128x128xf32, #tpu.memory_space<hbm>>
    %dma_wait3A_609 = arith.constant 0 : i32
    %dma_wait3A_610 = tpu.memref_slice %arg2[%multiple_of3A_519, %dma_wait3A_609] : memref<100000x128xf32, #tpu.memory_space<hbm>> -> memref<128x128xf32, #tpu.memory_space<hbm>>
    tpu.wait_dma2 semaphore(%arg25 : memref<!tpu.dma_semaphore, #tpu.memory_space<semaphore_mem>>) src(%dma_wait3A_610 : memref<128x128xf32, #tpu.memory_space<hbm>>) dst(%arg7 : memref<128x128xf32, #tpu.memory_space<vmem>>)
    %dma_wait3A_611 = tpu.memref_slice %arg3[%multiple_of3A_519] : memref<100000xi32, #tpu.memory_space<hbm>> -> memref<128xi32, #tpu.memory_space<hbm>>
    %dma_wait3A_612 = tpu.memref_slice %arg3[%multiple_of3A_519] : memref<100000xi32, #tpu.memory_space<hbm>> -> memref<128xi32, #tpu.memory_space<hbm>>
    tpu.wait_dma2 semaphore(%arg31 : memref<!tpu.dma_semaphore, #tpu.memory_space<semaphore_mem>>) src(%dma_wait3A_612 : memref<128xi32, #tpu.memory_space<hbm>>) dst(%arg13 : memref<128xi32, #tpu.memory_space<vmem>>)
    %dma_start3A_613 = arith.constant 0 : i32
    %dma_start3A_614 = arith.constant 0 : i32
    %dma_start3A_615 = tpu.memref_slice %arg22[%dma_start3A_613, %dma_start3A_614] : memref<64x128xf32, #tpu.memory_space<vmem_shared>> -> memref<64x128xf32, #tpu.memory_space<vmem_shared>>
    tpu.enqueue_indirect_dma source(%arg7 : memref<128x128xf32, #tpu.memory_space<vmem>>) target(%dma_start3A_615 : memref<64x128xf32, #tpu.memory_space<vmem_shared>>) offsets(%arg13 : memref<128xi32, #tpu.memory_space<vmem>>) semaphore(%arg37 : memref<!tpu.dma_semaphore, #tpu.memory_space<semaphore_mem>>) {add = true}
    %dma_start3A_616 = arith.constant 0 : i32
    %dma_start3A_617 = arith.constant 0 : i32
    %dma_start3A_618 = tpu.memref_slice %arg23[%dma_start3A_616, %dma_start3A_617] : memref<64x128xf32, #tpu.memory_space<vmem_shared>> -> memref<64x128xf32, #tpu.memory_space<vmem_shared>>
    tpu.enqueue_indirect_dma source(%arg18 : memref<128x128xf32, #tpu.memory_space<vmem>>) target(%dma_start3A_618 : memref<64x128xf32, #tpu.memory_space<vmem_shared>>) offsets(%arg13 : memref<128xi32, #tpu.memory_space<vmem>>) semaphore(%arg43 : memref<!tpu.dma_semaphore, #tpu.memory_space<semaphore_mem>>) {add = true}
    %dma_wait3A_619 = arith.constant 0 : i32
    %dma_wait3A_620 = arith.constant 0 : i32
    %dma_wait3A_621 = tpu.memref_slice %arg22[%dma_wait3A_619, %dma_wait3A_620] : memref<64x128xf32, #tpu.memory_space<vmem_shared>> -> memref<64x128xf32, #tpu.memory_space<vmem_shared>>
    tpu.wait_indirect_dma semaphore(%arg41 : memref<!tpu.dma_semaphore, #tpu.memory_space<semaphore_mem>>) src(%arg11 : memref<128x128xf32, #tpu.memory_space<vmem>>) dst(%dma_wait3A_621 : memref<64x128xf32, #tpu.memory_space<vmem_shared>>)
    %dma_wait3A_622 = arith.constant 0 : i32
    %dma_wait3A_623 = arith.constant 0 : i32
    %dma_wait3A_624 = tpu.memref_slice %arg23[%dma_wait3A_622, %dma_wait3A_623] : memref<64x128xf32, #tpu.memory_space<vmem_shared>> -> memref<64x128xf32, #tpu.memory_space<vmem_shared>>
    tpu.wait_indirect_dma semaphore(%arg47 : memref<!tpu.dma_semaphore, #tpu.memory_space<semaphore_mem>>) src(%arg18 : memref<128x128xf32, #tpu.memory_space<vmem>>) dst(%dma_wait3A_624 : memref<64x128xf32, #tpu.memory_space<vmem_shared>>)
    %add3A_625 = arith.constant 2176 : i32
    %add3A_626 = arith.addi %and3A_205, %add3A_625 : i32
    %multiple_of3A_627 = tpu.assume_multiple %add3A_626, 8 : i32
    %dma_start3A_628 = arith.constant 0 : i32
    %dma_start3A_629 = tpu.memref_slice %arg2[%multiple_of3A_627, %dma_start3A_628] : memref<100000x128xf32, #tpu.memory_space<hbm>> -> memref<128x128xf32, #tpu.memory_space<hbm>>
    %dma_start3A_630 = arith.constant 0 : i32
    %dma_start3A_631 = tpu.memref_slice %arg2[%multiple_of3A_627, %dma_start3A_630] : memref<100000x128xf32, #tpu.memory_space<hbm>> -> memref<128x128xf32, #tpu.memory_space<hbm>>
    tpu.enqueue_dma source(%dma_start3A_631 : memref<128x128xf32, #tpu.memory_space<hbm>>) target(%arg11 : memref<128x128xf32, #tpu.memory_space<vmem>>) target_semaphore(%arg29 : memref<!tpu.dma_semaphore, #tpu.memory_space<semaphore_mem>>)
    %dma_start3A_632 = tpu.memref_slice %arg3[%multiple_of3A_627] : memref<100000xi32, #tpu.memory_space<hbm>> -> memref<128xi32, #tpu.memory_space<hbm>>
    %dma_start3A_633 = tpu.memref_slice %arg3[%multiple_of3A_627] : memref<100000xi32, #tpu.memory_space<hbm>> -> memref<128xi32, #tpu.memory_space<hbm>>
    tpu.enqueue_dma source(%dma_start3A_633 : memref<128xi32, #tpu.memory_space<hbm>>) target(%arg17 : memref<128xi32, #tpu.memory_space<vmem>>) target_semaphore(%arg35 : memref<!tpu.dma_semaphore, #tpu.memory_space<semaphore_mem>>)
    %dma_wait3A_634 = arith.constant 0 : i32
    %dma_wait3A_635 = tpu.memref_slice %arg2[%multiple_of3A_546, %dma_wait3A_634] : memref<100000x128xf32, #tpu.memory_space<hbm>> -> memref<128x128xf32, #tpu.memory_space<hbm>>
    %dma_wait3A_636 = arith.constant 0 : i32
    %dma_wait3A_637 = tpu.memref_slice %arg2[%multiple_of3A_546, %dma_wait3A_636] : memref<100000x128xf32, #tpu.memory_space<hbm>> -> memref<128x128xf32, #tpu.memory_space<hbm>>
    tpu.wait_dma2 semaphore(%arg26 : memref<!tpu.dma_semaphore, #tpu.memory_space<semaphore_mem>>) src(%dma_wait3A_637 : memref<128x128xf32, #tpu.memory_space<hbm>>) dst(%arg8 : memref<128x128xf32, #tpu.memory_space<vmem>>)
    %dma_wait3A_638 = tpu.memref_slice %arg3[%multiple_of3A_546] : memref<100000xi32, #tpu.memory_space<hbm>> -> memref<128xi32, #tpu.memory_space<hbm>>
    %dma_wait3A_639 = tpu.memref_slice %arg3[%multiple_of3A_546] : memref<100000xi32, #tpu.memory_space<hbm>> -> memref<128xi32, #tpu.memory_space<hbm>>
    tpu.wait_dma2 semaphore(%arg32 : memref<!tpu.dma_semaphore, #tpu.memory_space<semaphore_mem>>) src(%dma_wait3A_639 : memref<128xi32, #tpu.memory_space<hbm>>) dst(%arg14 : memref<128xi32, #tpu.memory_space<vmem>>)
    %dma_start3A_640 = arith.constant 0 : i32
    %dma_start3A_641 = arith.constant 0 : i32
    %dma_start3A_642 = tpu.memref_slice %arg22[%dma_start3A_640, %dma_start3A_641] : memref<64x128xf32, #tpu.memory_space<vmem_shared>> -> memref<64x128xf32, #tpu.memory_space<vmem_shared>>
    tpu.enqueue_indirect_dma source(%arg8 : memref<128x128xf32, #tpu.memory_space<vmem>>) target(%dma_start3A_642 : memref<64x128xf32, #tpu.memory_space<vmem_shared>>) offsets(%arg14 : memref<128xi32, #tpu.memory_space<vmem>>) semaphore(%arg38 : memref<!tpu.dma_semaphore, #tpu.memory_space<semaphore_mem>>) {add = true}
    %dma_start3A_643 = arith.constant 0 : i32
    %dma_start3A_644 = arith.constant 0 : i32
    %dma_start3A_645 = tpu.memref_slice %arg23[%dma_start3A_643, %dma_start3A_644] : memref<64x128xf32, #tpu.memory_space<vmem_shared>> -> memref<64x128xf32, #tpu.memory_space<vmem_shared>>
    tpu.enqueue_indirect_dma source(%arg18 : memref<128x128xf32, #tpu.memory_space<vmem>>) target(%dma_start3A_645 : memref<64x128xf32, #tpu.memory_space<vmem_shared>>) offsets(%arg14 : memref<128xi32, #tpu.memory_space<vmem>>) semaphore(%arg44 : memref<!tpu.dma_semaphore, #tpu.memory_space<semaphore_mem>>) {add = true}
    %dma_wait3A_646 = arith.constant 0 : i32
    %dma_wait3A_647 = arith.constant 0 : i32
    %dma_wait3A_648 = tpu.memref_slice %arg22[%dma_wait3A_646, %dma_wait3A_647] : memref<64x128xf32, #tpu.memory_space<vmem_shared>> -> memref<64x128xf32, #tpu.memory_space<vmem_shared>>
    tpu.wait_indirect_dma semaphore(%arg36 : memref<!tpu.dma_semaphore, #tpu.memory_space<semaphore_mem>>) src(%arg6 : memref<128x128xf32, #tpu.memory_space<vmem>>) dst(%dma_wait3A_648 : memref<64x128xf32, #tpu.memory_space<vmem_shared>>)
    %dma_wait3A_649 = arith.constant 0 : i32
    %dma_wait3A_650 = arith.constant 0 : i32
    %dma_wait3A_651 = tpu.memref_slice %arg23[%dma_wait3A_649, %dma_wait3A_650] : memref<64x128xf32, #tpu.memory_space<vmem_shared>> -> memref<64x128xf32, #tpu.memory_space<vmem_shared>>
    tpu.wait_indirect_dma semaphore(%arg42 : memref<!tpu.dma_semaphore, #tpu.memory_space<semaphore_mem>>) src(%arg18 : memref<128x128xf32, #tpu.memory_space<vmem>>) dst(%dma_wait3A_651 : memref<64x128xf32, #tpu.memory_space<vmem_shared>>)
    %add3A_652 = arith.constant 2304 : i32
    %add3A_653 = arith.addi %and3A_205, %add3A_652 : i32
    %multiple_of3A_654 = tpu.assume_multiple %add3A_653, 8 : i32
    %dma_start3A_655 = arith.constant 0 : i32
    %dma_start3A_656 = tpu.memref_slice %arg2[%multiple_of3A_654, %dma_start3A_655] : memref<100000x128xf32, #tpu.memory_space<hbm>> -> memref<128x128xf32, #tpu.memory_space<hbm>>
    %dma_start3A_657 = arith.constant 0 : i32
    %dma_start3A_658 = tpu.memref_slice %arg2[%multiple_of3A_654, %dma_start3A_657] : memref<100000x128xf32, #tpu.memory_space<hbm>> -> memref<128x128xf32, #tpu.memory_space<hbm>>
    tpu.enqueue_dma source(%dma_start3A_658 : memref<128x128xf32, #tpu.memory_space<hbm>>) target(%arg6 : memref<128x128xf32, #tpu.memory_space<vmem>>) target_semaphore(%arg24 : memref<!tpu.dma_semaphore, #tpu.memory_space<semaphore_mem>>)
    %dma_start3A_659 = tpu.memref_slice %arg3[%multiple_of3A_654] : memref<100000xi32, #tpu.memory_space<hbm>> -> memref<128xi32, #tpu.memory_space<hbm>>
    %dma_start3A_660 = tpu.memref_slice %arg3[%multiple_of3A_654] : memref<100000xi32, #tpu.memory_space<hbm>> -> memref<128xi32, #tpu.memory_space<hbm>>
    tpu.enqueue_dma source(%dma_start3A_660 : memref<128xi32, #tpu.memory_space<hbm>>) target(%arg12 : memref<128xi32, #tpu.memory_space<vmem>>) target_semaphore(%arg30 : memref<!tpu.dma_semaphore, #tpu.memory_space<semaphore_mem>>)
    %dma_wait3A_661 = arith.constant 0 : i32
    %dma_wait3A_662 = tpu.memref_slice %arg2[%multiple_of3A_573, %dma_wait3A_661] : memref<100000x128xf32, #tpu.memory_space<hbm>> -> memref<128x128xf32, #tpu.memory_space<hbm>>
    %dma_wait3A_663 = arith.constant 0 : i32
    %dma_wait3A_664 = tpu.memref_slice %arg2[%multiple_of3A_573, %dma_wait3A_663] : memref<100000x128xf32, #tpu.memory_space<hbm>> -> memref<128x128xf32, #tpu.memory_space<hbm>>
    tpu.wait_dma2 semaphore(%arg27 : memref<!tpu.dma_semaphore, #tpu.memory_space<semaphore_mem>>) src(%dma_wait3A_664 : memref<128x128xf32, #tpu.memory_space<hbm>>) dst(%arg9 : memref<128x128xf32, #tpu.memory_space<vmem>>)
    %dma_wait3A_665 = tpu.memref_slice %arg3[%multiple_of3A_573] : memref<100000xi32, #tpu.memory_space<hbm>> -> memref<128xi32, #tpu.memory_space<hbm>>
    %dma_wait3A_666 = tpu.memref_slice %arg3[%multiple_of3A_573] : memref<100000xi32, #tpu.memory_space<hbm>> -> memref<128xi32, #tpu.memory_space<hbm>>
    tpu.wait_dma2 semaphore(%arg33 : memref<!tpu.dma_semaphore, #tpu.memory_space<semaphore_mem>>) src(%dma_wait3A_666 : memref<128xi32, #tpu.memory_space<hbm>>) dst(%arg15 : memref<128xi32, #tpu.memory_space<vmem>>)
    %dma_start3A_667 = arith.constant 0 : i32
    %dma_start3A_668 = arith.constant 0 : i32
    %dma_start3A_669 = tpu.memref_slice %arg22[%dma_start3A_667, %dma_start3A_668] : memref<64x128xf32, #tpu.memory_space<vmem_shared>> -> memref<64x128xf32, #tpu.memory_space<vmem_shared>>
    tpu.enqueue_indirect_dma source(%arg9 : memref<128x128xf32, #tpu.memory_space<vmem>>) target(%dma_start3A_669 : memref<64x128xf32, #tpu.memory_space<vmem_shared>>) offsets(%arg15 : memref<128xi32, #tpu.memory_space<vmem>>) semaphore(%arg39 : memref<!tpu.dma_semaphore, #tpu.memory_space<semaphore_mem>>) {add = true}
    %dma_start3A_670 = arith.constant 0 : i32
    %dma_start3A_671 = arith.constant 0 : i32
    %dma_start3A_672 = tpu.memref_slice %arg23[%dma_start3A_670, %dma_start3A_671] : memref<64x128xf32, #tpu.memory_space<vmem_shared>> -> memref<64x128xf32, #tpu.memory_space<vmem_shared>>
    tpu.enqueue_indirect_dma source(%arg18 : memref<128x128xf32, #tpu.memory_space<vmem>>) target(%dma_start3A_672 : memref<64x128xf32, #tpu.memory_space<vmem_shared>>) offsets(%arg15 : memref<128xi32, #tpu.memory_space<vmem>>) semaphore(%arg45 : memref<!tpu.dma_semaphore, #tpu.memory_space<semaphore_mem>>) {add = true}
    %dma_wait3A_673 = arith.constant 0 : i32
    %dma_wait3A_674 = arith.constant 0 : i32
    %dma_wait3A_675 = tpu.memref_slice %arg22[%dma_wait3A_673, %dma_wait3A_674] : memref<64x128xf32, #tpu.memory_space<vmem_shared>> -> memref<64x128xf32, #tpu.memory_space<vmem_shared>>
    tpu.wait_indirect_dma semaphore(%arg37 : memref<!tpu.dma_semaphore, #tpu.memory_space<semaphore_mem>>) src(%arg7 : memref<128x128xf32, #tpu.memory_space<vmem>>) dst(%dma_wait3A_675 : memref<64x128xf32, #tpu.memory_space<vmem_shared>>)
    %dma_wait3A_676 = arith.constant 0 : i32
    %dma_wait3A_677 = arith.constant 0 : i32
    %dma_wait3A_678 = tpu.memref_slice %arg23[%dma_wait3A_676, %dma_wait3A_677] : memref<64x128xf32, #tpu.memory_space<vmem_shared>> -> memref<64x128xf32, #tpu.memory_space<vmem_shared>>
    tpu.wait_indirect_dma semaphore(%arg43 : memref<!tpu.dma_semaphore, #tpu.memory_space<semaphore_mem>>) src(%arg18 : memref<128x128xf32, #tpu.memory_space<vmem>>) dst(%dma_wait3A_678 : memref<64x128xf32, #tpu.memory_space<vmem_shared>>)
    %add3A_679 = arith.constant 2432 : i32
    %add3A_680 = arith.addi %and3A_205, %add3A_679 : i32
    %multiple_of3A_681 = tpu.assume_multiple %add3A_680, 8 : i32
    %dma_start3A_682 = arith.constant 0 : i32
    %dma_start3A_683 = tpu.memref_slice %arg2[%multiple_of3A_681, %dma_start3A_682] : memref<100000x128xf32, #tpu.memory_space<hbm>> -> memref<128x128xf32, #tpu.memory_space<hbm>>
    %dma_start3A_684 = arith.constant 0 : i32
    %dma_start3A_685 = tpu.memref_slice %arg2[%multiple_of3A_681, %dma_start3A_684] : memref<100000x128xf32, #tpu.memory_space<hbm>> -> memref<128x128xf32, #tpu.memory_space<hbm>>
    tpu.enqueue_dma source(%dma_start3A_685 : memref<128x128xf32, #tpu.memory_space<hbm>>) target(%arg7 : memref<128x128xf32, #tpu.memory_space<vmem>>) target_semaphore(%arg25 : memref<!tpu.dma_semaphore, #tpu.memory_space<semaphore_mem>>)
    %dma_start3A_686 = tpu.memref_slice %arg3[%multiple_of3A_681] : memref<100000xi32, #tpu.memory_space<hbm>> -> memref<128xi32, #tpu.memory_space<hbm>>
    %dma_start3A_687 = tpu.memref_slice %arg3[%multiple_of3A_681] : memref<100000xi32, #tpu.memory_space<hbm>> -> memref<128xi32, #tpu.memory_space<hbm>>
    tpu.enqueue_dma source(%dma_start3A_687 : memref<128xi32, #tpu.memory_space<hbm>>) target(%arg13 : memref<128xi32, #tpu.memory_space<vmem>>) target_semaphore(%arg31 : memref<!tpu.dma_semaphore, #tpu.memory_space<semaphore_mem>>)
    %dma_wait3A_688 = arith.constant 0 : i32
    %dma_wait3A_689 = tpu.memref_slice %arg2[%multiple_of3A_600, %dma_wait3A_688] : memref<100000x128xf32, #tpu.memory_space<hbm>> -> memref<128x128xf32, #tpu.memory_space<hbm>>
    %dma_wait3A_690 = arith.constant 0 : i32
    %dma_wait3A_691 = tpu.memref_slice %arg2[%multiple_of3A_600, %dma_wait3A_690] : memref<100000x128xf32, #tpu.memory_space<hbm>> -> memref<128x128xf32, #tpu.memory_space<hbm>>
    tpu.wait_dma2 semaphore(%arg28 : memref<!tpu.dma_semaphore, #tpu.memory_space<semaphore_mem>>) src(%dma_wait3A_691 : memref<128x128xf32, #tpu.memory_space<hbm>>) dst(%arg10 : memref<128x128xf32, #tpu.memory_space<vmem>>)
    %dma_wait3A_692 = tpu.memref_slice %arg3[%multiple_of3A_600] : memref<100000xi32, #tpu.memory_space<hbm>> -> memref<128xi32, #tpu.memory_space<hbm>>
    %dma_wait3A_693 = tpu.memref_slice %arg3[%multiple_of3A_600] : memref<100000xi32, #tpu.memory_space<hbm>> -> memref<128xi32, #tpu.memory_space<hbm>>
    tpu.wait_dma2 semaphore(%arg34 : memref<!tpu.dma_semaphore, #tpu.memory_space<semaphore_mem>>) src(%dma_wait3A_693 : memref<128xi32, #tpu.memory_space<hbm>>) dst(%arg16 : memref<128xi32, #tpu.memory_space<vmem>>)
    %dma_start3A_694 = arith.constant 0 : i32
    %dma_start3A_695 = arith.constant 0 : i32
    %dma_start3A_696 = tpu.memref_slice %arg22[%dma_start3A_694, %dma_start3A_695] : memref<64x128xf32, #tpu.memory_space<vmem_shared>> -> memref<64x128xf32, #tpu.memory_space<vmem_shared>>
    tpu.enqueue_indirect_dma source(%arg10 : memref<128x128xf32, #tpu.memory_space<vmem>>) target(%dma_start3A_696 : memref<64x128xf32, #tpu.memory_space<vmem_shared>>) offsets(%arg16 : memref<128xi32, #tpu.memory_space<vmem>>) semaphore(%arg40 : memref<!tpu.dma_semaphore, #tpu.memory_space<semaphore_mem>>) {add = true}
    %dma_start3A_697 = arith.constant 0 : i32
    %dma_start3A_698 = arith.constant 0 : i32
    %dma_start3A_699 = tpu.memref_slice %arg23[%dma_start3A_697, %dma_start3A_698] : memref<64x128xf32, #tpu.memory_space<vmem_shared>> -> memref<64x128xf32, #tpu.memory_space<vmem_shared>>
    tpu.enqueue_indirect_dma source(%arg18 : memref<128x128xf32, #tpu.memory_space<vmem>>) target(%dma_start3A_699 : memref<64x128xf32, #tpu.memory_space<vmem_shared>>) offsets(%arg16 : memref<128xi32, #tpu.memory_space<vmem>>) semaphore(%arg46 : memref<!tpu.dma_semaphore, #tpu.memory_space<semaphore_mem>>) {add = true}
    %dma_wait3A_700 = arith.constant 0 : i32
    %dma_wait3A_701 = arith.constant 0 : i32
    %dma_wait3A_702 = tpu.memref_slice %arg22[%dma_wait3A_700, %dma_wait3A_701] : memref<64x128xf32, #tpu.memory_space<vmem_shared>> -> memref<64x128xf32, #tpu.memory_space<vmem_shared>>
    tpu.wait_indirect_dma semaphore(%arg38 : memref<!tpu.dma_semaphore, #tpu.memory_space<semaphore_mem>>) src(%arg8 : memref<128x128xf32, #tpu.memory_space<vmem>>) dst(%dma_wait3A_702 : memref<64x128xf32, #tpu.memory_space<vmem_shared>>)
    %dma_wait3A_703 = arith.constant 0 : i32
    %dma_wait3A_704 = arith.constant 0 : i32
    %dma_wait3A_705 = tpu.memref_slice %arg23[%dma_wait3A_703, %dma_wait3A_704] : memref<64x128xf32, #tpu.memory_space<vmem_shared>> -> memref<64x128xf32, #tpu.memory_space<vmem_shared>>
    tpu.wait_indirect_dma semaphore(%arg44 : memref<!tpu.dma_semaphore, #tpu.memory_space<semaphore_mem>>) src(%arg18 : memref<128x128xf32, #tpu.memory_space<vmem>>) dst(%dma_wait3A_705 : memref<64x128xf32, #tpu.memory_space<vmem_shared>>)
    %add3A_706 = arith.constant 2560 : i32
    %add3A_707 = arith.addi %and3A_205, %add3A_706 : i32
    %multiple_of3A_708 = tpu.assume_multiple %add3A_707, 8 : i32
    %dma_start3A_709 = arith.constant 0 : i32
    %dma_start3A_710 = tpu.memref_slice %arg2[%multiple_of3A_708, %dma_start3A_709] : memref<100000x128xf32, #tpu.memory_space<hbm>> -> memref<128x128xf32, #tpu.memory_space<hbm>>
    %dma_start3A_711 = arith.constant 0 : i32
    %dma_start3A_712 = tpu.memref_slice %arg2[%multiple_of3A_708, %dma_start3A_711] : memref<100000x128xf32, #tpu.memory_space<hbm>> -> memref<128x128xf32, #tpu.memory_space<hbm>>
    tpu.enqueue_dma source(%dma_start3A_712 : memref<128x128xf32, #tpu.memory_space<hbm>>) target(%arg8 : memref<128x128xf32, #tpu.memory_space<vmem>>) target_semaphore(%arg26 : memref<!tpu.dma_semaphore, #tpu.memory_space<semaphore_mem>>)
    %dma_start3A_713 = tpu.memref_slice %arg3[%multiple_of3A_708] : memref<100000xi32, #tpu.memory_space<hbm>> -> memref<128xi32, #tpu.memory_space<hbm>>
    %dma_start3A_714 = tpu.memref_slice %arg3[%multiple_of3A_708] : memref<100000xi32, #tpu.memory_space<hbm>> -> memref<128xi32, #tpu.memory_space<hbm>>
    tpu.enqueue_dma source(%dma_start3A_714 : memref<128xi32, #tpu.memory_space<hbm>>) target(%arg14 : memref<128xi32, #tpu.memory_space<vmem>>) target_semaphore(%arg32 : memref<!tpu.dma_semaphore, #tpu.memory_space<semaphore_mem>>)
    %dma_wait3A_715 = arith.constant 0 : i32
    %dma_wait3A_716 = tpu.memref_slice %arg2[%multiple_of3A_627, %dma_wait3A_715] : memref<100000x128xf32, #tpu.memory_space<hbm>> -> memref<128x128xf32, #tpu.memory_space<hbm>>
    %dma_wait3A_717 = arith.constant 0 : i32
    %dma_wait3A_718 = tpu.memref_slice %arg2[%multiple_of3A_627, %dma_wait3A_717] : memref<100000x128xf32, #tpu.memory_space<hbm>> -> memref<128x128xf32, #tpu.memory_space<hbm>>
    tpu.wait_dma2 semaphore(%arg29 : memref<!tpu.dma_semaphore, #tpu.memory_space<semaphore_mem>>) src(%dma_wait3A_718 : memref<128x128xf32, #tpu.memory_space<hbm>>) dst(%arg11 : memref<128x128xf32, #tpu.memory_space<vmem>>)
    %dma_wait3A_719 = tpu.memref_slice %arg3[%multiple_of3A_627] : memref<100000xi32, #tpu.memory_space<hbm>> -> memref<128xi32, #tpu.memory_space<hbm>>
    %dma_wait3A_720 = tpu.memref_slice %arg3[%multiple_of3A_627] : memref<100000xi32, #tpu.memory_space<hbm>> -> memref<128xi32, #tpu.memory_space<hbm>>
    tpu.wait_dma2 semaphore(%arg35 : memref<!tpu.dma_semaphore, #tpu.memory_space<semaphore_mem>>) src(%dma_wait3A_720 : memref<128xi32, #tpu.memory_space<hbm>>) dst(%arg17 : memref<128xi32, #tpu.memory_space<vmem>>)
    %dma_start3A_721 = arith.constant 0 : i32
    %dma_start3A_722 = arith.constant 0 : i32
    %dma_start3A_723 = tpu.memref_slice %arg22[%dma_start3A_721, %dma_start3A_722] : memref<64x128xf32, #tpu.memory_space<vmem_shared>> -> memref<64x128xf32, #tpu.memory_space<vmem_shared>>
    tpu.enqueue_indirect_dma source(%arg11 : memref<128x128xf32, #tpu.memory_space<vmem>>) target(%dma_start3A_723 : memref<64x128xf32, #tpu.memory_space<vmem_shared>>) offsets(%arg17 : memref<128xi32, #tpu.memory_space<vmem>>) semaphore(%arg41 : memref<!tpu.dma_semaphore, #tpu.memory_space<semaphore_mem>>) {add = true}
    %dma_start3A_724 = arith.constant 0 : i32
    %dma_start3A_725 = arith.constant 0 : i32
    %dma_start3A_726 = tpu.memref_slice %arg23[%dma_start3A_724, %dma_start3A_725] : memref<64x128xf32, #tpu.memory_space<vmem_shared>> -> memref<64x128xf32, #tpu.memory_space<vmem_shared>>
    tpu.enqueue_indirect_dma source(%arg18 : memref<128x128xf32, #tpu.memory_space<vmem>>) target(%dma_start3A_726 : memref<64x128xf32, #tpu.memory_space<vmem_shared>>) offsets(%arg17 : memref<128xi32, #tpu.memory_space<vmem>>) semaphore(%arg47 : memref<!tpu.dma_semaphore, #tpu.memory_space<semaphore_mem>>) {add = true}
    %dma_wait3A_727 = arith.constant 0 : i32
    %dma_wait3A_728 = arith.constant 0 : i32
    %dma_wait3A_729 = tpu.memref_slice %arg22[%dma_wait3A_727, %dma_wait3A_728] : memref<64x128xf32, #tpu.memory_space<vmem_shared>> -> memref<64x128xf32, #tpu.memory_space<vmem_shared>>
    tpu.wait_indirect_dma semaphore(%arg39 : memref<!tpu.dma_semaphore, #tpu.memory_space<semaphore_mem>>) src(%arg9 : memref<128x128xf32, #tpu.memory_space<vmem>>) dst(%dma_wait3A_729 : memref<64x128xf32, #tpu.memory_space<vmem_shared>>)
    %dma_wait3A_730 = arith.constant 0 : i32
    %dma_wait3A_731 = arith.constant 0 : i32
    %dma_wait3A_732 = tpu.memref_slice %arg23[%dma_wait3A_730, %dma_wait3A_731] : memref<64x128xf32, #tpu.memory_space<vmem_shared>> -> memref<64x128xf32, #tpu.memory_space<vmem_shared>>
    tpu.wait_indirect_dma semaphore(%arg45 : memref<!tpu.dma_semaphore, #tpu.memory_space<semaphore_mem>>) src(%arg18 : memref<128x128xf32, #tpu.memory_space<vmem>>) dst(%dma_wait3A_732 : memref<64x128xf32, #tpu.memory_space<vmem_shared>>)
    %add3A_733 = arith.constant 2688 : i32
    %add3A_734 = arith.addi %and3A_205, %add3A_733 : i32
    %multiple_of3A_735 = tpu.assume_multiple %add3A_734, 8 : i32
    %dma_start3A_736 = arith.constant 0 : i32
    %dma_start3A_737 = tpu.memref_slice %arg2[%multiple_of3A_735, %dma_start3A_736] : memref<100000x128xf32, #tpu.memory_space<hbm>> -> memref<128x128xf32, #tpu.memory_space<hbm>>
    %dma_start3A_738 = arith.constant 0 : i32
    %dma_start3A_739 = tpu.memref_slice %arg2[%multiple_of3A_735, %dma_start3A_738] : memref<100000x128xf32, #tpu.memory_space<hbm>> -> memref<128x128xf32, #tpu.memory_space<hbm>>
    tpu.enqueue_dma source(%dma_start3A_739 : memref<128x128xf32, #tpu.memory_space<hbm>>) target(%arg9 : memref<128x128xf32, #tpu.memory_space<vmem>>) target_semaphore(%arg27 : memref<!tpu.dma_semaphore, #tpu.memory_space<semaphore_mem>>)
    %dma_start3A_740 = tpu.memref_slice %arg3[%multiple_of3A_735] : memref<100000xi32, #tpu.memory_space<hbm>> -> memref<128xi32, #tpu.memory_space<hbm>>
    %dma_start3A_741 = tpu.memref_slice %arg3[%multiple_of3A_735] : memref<100000xi32, #tpu.memory_space<hbm>> -> memref<128xi32, #tpu.memory_space<hbm>>
    tpu.enqueue_dma source(%dma_start3A_741 : memref<128xi32, #tpu.memory_space<hbm>>) target(%arg15 : memref<128xi32, #tpu.memory_space<vmem>>) target_semaphore(%arg33 : memref<!tpu.dma_semaphore, #tpu.memory_space<semaphore_mem>>)
    %dma_wait3A_742 = arith.constant 0 : i32
    %dma_wait3A_743 = tpu.memref_slice %arg2[%multiple_of3A_654, %dma_wait3A_742] : memref<100000x128xf32, #tpu.memory_space<hbm>> -> memref<128x128xf32, #tpu.memory_space<hbm>>
    %dma_wait3A_744 = arith.constant 0 : i32
    %dma_wait3A_745 = tpu.memref_slice %arg2[%multiple_of3A_654, %dma_wait3A_744] : memref<100000x128xf32, #tpu.memory_space<hbm>> -> memref<128x128xf32, #tpu.memory_space<hbm>>
    tpu.wait_dma2 semaphore(%arg24 : memref<!tpu.dma_semaphore, #tpu.memory_space<semaphore_mem>>) src(%dma_wait3A_745 : memref<128x128xf32, #tpu.memory_space<hbm>>) dst(%arg6 : memref<128x128xf32, #tpu.memory_space<vmem>>)
    %dma_wait3A_746 = tpu.memref_slice %arg3[%multiple_of3A_654] : memref<100000xi32, #tpu.memory_space<hbm>> -> memref<128xi32, #tpu.memory_space<hbm>>
    %dma_wait3A_747 = tpu.memref_slice %arg3[%multiple_of3A_654] : memref<100000xi32, #tpu.memory_space<hbm>> -> memref<128xi32, #tpu.memory_space<hbm>>
    tpu.wait_dma2 semaphore(%arg30 : memref<!tpu.dma_semaphore, #tpu.memory_space<semaphore_mem>>) src(%dma_wait3A_747 : memref<128xi32, #tpu.memory_space<hbm>>) dst(%arg12 : memref<128xi32, #tpu.memory_space<vmem>>)
    %dma_start3A_748 = arith.constant 0 : i32
    %dma_start3A_749 = arith.constant 0 : i32
    %dma_start3A_750 = tpu.memref_slice %arg22[%dma_start3A_748, %dma_start3A_749] : memref<64x128xf32, #tpu.memory_space<vmem_shared>> -> memref<64x128xf32, #tpu.memory_space<vmem_shared>>
    tpu.enqueue_indirect_dma source(%arg6 : memref<128x128xf32, #tpu.memory_space<vmem>>) target(%dma_start3A_750 : memref<64x128xf32, #tpu.memory_space<vmem_shared>>) offsets(%arg12 : memref<128xi32, #tpu.memory_space<vmem>>) semaphore(%arg36 : memref<!tpu.dma_semaphore, #tpu.memory_space<semaphore_mem>>) {add = true}
    %dma_start3A_751 = arith.constant 0 : i32
    %dma_start3A_752 = arith.constant 0 : i32
    %dma_start3A_753 = tpu.memref_slice %arg23[%dma_start3A_751, %dma_start3A_752] : memref<64x128xf32, #tpu.memory_space<vmem_shared>> -> memref<64x128xf32, #tpu.memory_space<vmem_shared>>
    tpu.enqueue_indirect_dma source(%arg18 : memref<128x128xf32, #tpu.memory_space<vmem>>) target(%dma_start3A_753 : memref<64x128xf32, #tpu.memory_space<vmem_shared>>) offsets(%arg12 : memref<128xi32, #tpu.memory_space<vmem>>) semaphore(%arg42 : memref<!tpu.dma_semaphore, #tpu.memory_space<semaphore_mem>>) {add = true}
    %dma_wait3A_754 = arith.constant 0 : i32
    %dma_wait3A_755 = arith.constant 0 : i32
    %dma_wait3A_756 = tpu.memref_slice %arg22[%dma_wait3A_754, %dma_wait3A_755] : memref<64x128xf32, #tpu.memory_space<vmem_shared>> -> memref<64x128xf32, #tpu.memory_space<vmem_shared>>
    tpu.wait_indirect_dma semaphore(%arg40 : memref<!tpu.dma_semaphore, #tpu.memory_space<semaphore_mem>>) src(%arg10 : memref<128x128xf32, #tpu.memory_space<vmem>>) dst(%dma_wait3A_756 : memref<64x128xf32, #tpu.memory_space<vmem_shared>>)
    %dma_wait3A_757 = arith.constant 0 : i32
    %dma_wait3A_758 = arith.constant 0 : i32
    %dma_wait3A_759 = tpu.memref_slice %arg23[%dma_wait3A_757, %dma_wait3A_758] : memref<64x128xf32, #tpu.memory_space<vmem_shared>> -> memref<64x128xf32, #tpu.memory_space<vmem_shared>>
    tpu.wait_indirect_dma semaphore(%arg46 : memref<!tpu.dma_semaphore, #tpu.memory_space<semaphore_mem>>) src(%arg18 : memref<128x128xf32, #tpu.memory_space<vmem>>) dst(%dma_wait3A_759 : memref<64x128xf32, #tpu.memory_space<vmem_shared>>)
    %add3A_760 = arith.constant 2816 : i32
    %add3A_761 = arith.addi %and3A_205, %add3A_760 : i32
    %multiple_of3A_762 = tpu.assume_multiple %add3A_761, 8 : i32
    %dma_start3A_763 = arith.constant 0 : i32
    %dma_start3A_764 = tpu.memref_slice %arg2[%multiple_of3A_762, %dma_start3A_763] : memref<100000x128xf32, #tpu.memory_space<hbm>> -> memref<128x128xf32, #tpu.memory_space<hbm>>
    %dma_start3A_765 = arith.constant 0 : i32
    %dma_start3A_766 = tpu.memref_slice %arg2[%multiple_of3A_762, %dma_start3A_765] : memref<100000x128xf32, #tpu.memory_space<hbm>> -> memref<128x128xf32, #tpu.memory_space<hbm>>
    tpu.enqueue_dma source(%dma_start3A_766 : memref<128x128xf32, #tpu.memory_space<hbm>>) target(%arg10 : memref<128x128xf32, #tpu.memory_space<vmem>>) target_semaphore(%arg28 : memref<!tpu.dma_semaphore, #tpu.memory_space<semaphore_mem>>)
    %dma_start3A_767 = tpu.memref_slice %arg3[%multiple_of3A_762] : memref<100000xi32, #tpu.memory_space<hbm>> -> memref<128xi32, #tpu.memory_space<hbm>>
    %dma_start3A_768 = tpu.memref_slice %arg3[%multiple_of3A_762] : memref<100000xi32, #tpu.memory_space<hbm>> -> memref<128xi32, #tpu.memory_space<hbm>>
    tpu.enqueue_dma source(%dma_start3A_768 : memref<128xi32, #tpu.memory_space<hbm>>) target(%arg16 : memref<128xi32, #tpu.memory_space<vmem>>) target_semaphore(%arg34 : memref<!tpu.dma_semaphore, #tpu.memory_space<semaphore_mem>>)
    %dma_wait3A_769 = arith.constant 0 : i32
    %dma_wait3A_770 = tpu.memref_slice %arg2[%multiple_of3A_681, %dma_wait3A_769] : memref<100000x128xf32, #tpu.memory_space<hbm>> -> memref<128x128xf32, #tpu.memory_space<hbm>>
    %dma_wait3A_771 = arith.constant 0 : i32
    %dma_wait3A_772 = tpu.memref_slice %arg2[%multiple_of3A_681, %dma_wait3A_771] : memref<100000x128xf32, #tpu.memory_space<hbm>> -> memref<128x128xf32, #tpu.memory_space<hbm>>
    tpu.wait_dma2 semaphore(%arg25 : memref<!tpu.dma_semaphore, #tpu.memory_space<semaphore_mem>>) src(%dma_wait3A_772 : memref<128x128xf32, #tpu.memory_space<hbm>>) dst(%arg7 : memref<128x128xf32, #tpu.memory_space<vmem>>)
    %dma_wait3A_773 = tpu.memref_slice %arg3[%multiple_of3A_681] : memref<100000xi32, #tpu.memory_space<hbm>> -> memref<128xi32, #tpu.memory_space<hbm>>
    %dma_wait3A_774 = tpu.memref_slice %arg3[%multiple_of3A_681] : memref<100000xi32, #tpu.memory_space<hbm>> -> memref<128xi32, #tpu.memory_space<hbm>>
    tpu.wait_dma2 semaphore(%arg31 : memref<!tpu.dma_semaphore, #tpu.memory_space<semaphore_mem>>) src(%dma_wait3A_774 : memref<128xi32, #tpu.memory_space<hbm>>) dst(%arg13 : memref<128xi32, #tpu.memory_space<vmem>>)
    %dma_start3A_775 = arith.constant 0 : i32
    %dma_start3A_776 = arith.constant 0 : i32
    %dma_start3A_777 = tpu.memref_slice %arg22[%dma_start3A_775, %dma_start3A_776] : memref<64x128xf32, #tpu.memory_space<vmem_shared>> -> memref<64x128xf32, #tpu.memory_space<vmem_shared>>
    tpu.enqueue_indirect_dma source(%arg7 : memref<128x128xf32, #tpu.memory_space<vmem>>) target(%dma_start3A_777 : memref<64x128xf32, #tpu.memory_space<vmem_shared>>) offsets(%arg13 : memref<128xi32, #tpu.memory_space<vmem>>) semaphore(%arg37 : memref<!tpu.dma_semaphore, #tpu.memory_space<semaphore_mem>>) {add = true}
    %dma_start3A_778 = arith.constant 0 : i32
    %dma_start3A_779 = arith.constant 0 : i32
    %dma_start3A_780 = tpu.memref_slice %arg23[%dma_start3A_778, %dma_start3A_779] : memref<64x128xf32, #tpu.memory_space<vmem_shared>> -> memref<64x128xf32, #tpu.memory_space<vmem_shared>>
    tpu.enqueue_indirect_dma source(%arg18 : memref<128x128xf32, #tpu.memory_space<vmem>>) target(%dma_start3A_780 : memref<64x128xf32, #tpu.memory_space<vmem_shared>>) offsets(%arg13 : memref<128xi32, #tpu.memory_space<vmem>>) semaphore(%arg43 : memref<!tpu.dma_semaphore, #tpu.memory_space<semaphore_mem>>) {add = true}
    %dma_wait3A_781 = arith.constant 0 : i32
    %dma_wait3A_782 = arith.constant 0 : i32
    %dma_wait3A_783 = tpu.memref_slice %arg22[%dma_wait3A_781, %dma_wait3A_782] : memref<64x128xf32, #tpu.memory_space<vmem_shared>> -> memref<64x128xf32, #tpu.memory_space<vmem_shared>>
    tpu.wait_indirect_dma semaphore(%arg41 : memref<!tpu.dma_semaphore, #tpu.memory_space<semaphore_mem>>) src(%arg11 : memref<128x128xf32, #tpu.memory_space<vmem>>) dst(%dma_wait3A_783 : memref<64x128xf32, #tpu.memory_space<vmem_shared>>)
    %dma_wait3A_784 = arith.constant 0 : i32
    %dma_wait3A_785 = arith.constant 0 : i32
    %dma_wait3A_786 = tpu.memref_slice %arg23[%dma_wait3A_784, %dma_wait3A_785] : memref<64x128xf32, #tpu.memory_space<vmem_shared>> -> memref<64x128xf32, #tpu.memory_space<vmem_shared>>
    tpu.wait_indirect_dma semaphore(%arg47 : memref<!tpu.dma_semaphore, #tpu.memory_space<semaphore_mem>>) src(%arg18 : memref<128x128xf32, #tpu.memory_space<vmem>>) dst(%dma_wait3A_786 : memref<64x128xf32, #tpu.memory_space<vmem_shared>>)
    %add3A_787 = arith.constant 2944 : i32
    %add3A_788 = arith.addi %and3A_205, %add3A_787 : i32
    %multiple_of3A_789 = tpu.assume_multiple %add3A_788, 8 : i32
    %dma_start3A_790 = arith.constant 0 : i32
    %dma_start3A_791 = tpu.memref_slice %arg2[%multiple_of3A_789, %dma_start3A_790] : memref<100000x128xf32, #tpu.memory_space<hbm>> -> memref<128x128xf32, #tpu.memory_space<hbm>>
    %dma_start3A_792 = arith.constant 0 : i32
    %dma_start3A_793 = tpu.memref_slice %arg2[%multiple_of3A_789, %dma_start3A_792] : memref<100000x128xf32, #tpu.memory_space<hbm>> -> memref<128x128xf32, #tpu.memory_space<hbm>>
    tpu.enqueue_dma source(%dma_start3A_793 : memref<128x128xf32, #tpu.memory_space<hbm>>) target(%arg11 : memref<128x128xf32, #tpu.memory_space<vmem>>) target_semaphore(%arg29 : memref<!tpu.dma_semaphore, #tpu.memory_space<semaphore_mem>>)
    %dma_start3A_794 = tpu.memref_slice %arg3[%multiple_of3A_789] : memref<100000xi32, #tpu.memory_space<hbm>> -> memref<128xi32, #tpu.memory_space<hbm>>
    %dma_start3A_795 = tpu.memref_slice %arg3[%multiple_of3A_789] : memref<100000xi32, #tpu.memory_space<hbm>> -> memref<128xi32, #tpu.memory_space<hbm>>
    tpu.enqueue_dma source(%dma_start3A_795 : memref<128xi32, #tpu.memory_space<hbm>>) target(%arg17 : memref<128xi32, #tpu.memory_space<vmem>>) target_semaphore(%arg35 : memref<!tpu.dma_semaphore, #tpu.memory_space<semaphore_mem>>)
    %dma_wait3A_796 = arith.constant 0 : i32
    %dma_wait3A_797 = tpu.memref_slice %arg2[%multiple_of3A_708, %dma_wait3A_796] : memref<100000x128xf32, #tpu.memory_space<hbm>> -> memref<128x128xf32, #tpu.memory_space<hbm>>
    %dma_wait3A_798 = arith.constant 0 : i32
    %dma_wait3A_799 = tpu.memref_slice %arg2[%multiple_of3A_708, %dma_wait3A_798] : memref<100000x128xf32, #tpu.memory_space<hbm>> -> memref<128x128xf32, #tpu.memory_space<hbm>>
    tpu.wait_dma2 semaphore(%arg26 : memref<!tpu.dma_semaphore, #tpu.memory_space<semaphore_mem>>) src(%dma_wait3A_799 : memref<128x128xf32, #tpu.memory_space<hbm>>) dst(%arg8 : memref<128x128xf32, #tpu.memory_space<vmem>>)
    %dma_wait3A_800 = tpu.memref_slice %arg3[%multiple_of3A_708] : memref<100000xi32, #tpu.memory_space<hbm>> -> memref<128xi32, #tpu.memory_space<hbm>>
    %dma_wait3A_801 = tpu.memref_slice %arg3[%multiple_of3A_708] : memref<100000xi32, #tpu.memory_space<hbm>> -> memref<128xi32, #tpu.memory_space<hbm>>
    tpu.wait_dma2 semaphore(%arg32 : memref<!tpu.dma_semaphore, #tpu.memory_space<semaphore_mem>>) src(%dma_wait3A_801 : memref<128xi32, #tpu.memory_space<hbm>>) dst(%arg14 : memref<128xi32, #tpu.memory_space<vmem>>)
    %dma_start3A_802 = arith.constant 0 : i32
    %dma_start3A_803 = arith.constant 0 : i32
    %dma_start3A_804 = tpu.memref_slice %arg22[%dma_start3A_802, %dma_start3A_803] : memref<64x128xf32, #tpu.memory_space<vmem_shared>> -> memref<64x128xf32, #tpu.memory_space<vmem_shared>>
    tpu.enqueue_indirect_dma source(%arg8 : memref<128x128xf32, #tpu.memory_space<vmem>>) target(%dma_start3A_804 : memref<64x128xf32, #tpu.memory_space<vmem_shared>>) offsets(%arg14 : memref<128xi32, #tpu.memory_space<vmem>>) semaphore(%arg38 : memref<!tpu.dma_semaphore, #tpu.memory_space<semaphore_mem>>) {add = true}
    %dma_start3A_805 = arith.constant 0 : i32
    %dma_start3A_806 = arith.constant 0 : i32
    %dma_start3A_807 = tpu.memref_slice %arg23[%dma_start3A_805, %dma_start3A_806] : memref<64x128xf32, #tpu.memory_space<vmem_shared>> -> memref<64x128xf32, #tpu.memory_space<vmem_shared>>
    tpu.enqueue_indirect_dma source(%arg18 : memref<128x128xf32, #tpu.memory_space<vmem>>) target(%dma_start3A_807 : memref<64x128xf32, #tpu.memory_space<vmem_shared>>) offsets(%arg14 : memref<128xi32, #tpu.memory_space<vmem>>) semaphore(%arg44 : memref<!tpu.dma_semaphore, #tpu.memory_space<semaphore_mem>>) {add = true}
    %dma_wait3A_808 = arith.constant 0 : i32
    %dma_wait3A_809 = tpu.memref_slice %arg2[%multiple_of3A_735, %dma_wait3A_808] : memref<100000x128xf32, #tpu.memory_space<hbm>> -> memref<128x128xf32, #tpu.memory_space<hbm>>
    %dma_wait3A_810 = arith.constant 0 : i32
    %dma_wait3A_811 = tpu.memref_slice %arg2[%multiple_of3A_735, %dma_wait3A_810] : memref<100000x128xf32, #tpu.memory_space<hbm>> -> memref<128x128xf32, #tpu.memory_space<hbm>>
    tpu.wait_dma2 semaphore(%arg27 : memref<!tpu.dma_semaphore, #tpu.memory_space<semaphore_mem>>) src(%dma_wait3A_811 : memref<128x128xf32, #tpu.memory_space<hbm>>) dst(%arg9 : memref<128x128xf32, #tpu.memory_space<vmem>>)
    %dma_wait3A_812 = tpu.memref_slice %arg3[%multiple_of3A_735] : memref<100000xi32, #tpu.memory_space<hbm>> -> memref<128xi32, #tpu.memory_space<hbm>>
    %dma_wait3A_813 = tpu.memref_slice %arg3[%multiple_of3A_735] : memref<100000xi32, #tpu.memory_space<hbm>> -> memref<128xi32, #tpu.memory_space<hbm>>
    tpu.wait_dma2 semaphore(%arg33 : memref<!tpu.dma_semaphore, #tpu.memory_space<semaphore_mem>>) src(%dma_wait3A_813 : memref<128xi32, #tpu.memory_space<hbm>>) dst(%arg15 : memref<128xi32, #tpu.memory_space<vmem>>)
    %dma_start3A_814 = arith.constant 0 : i32
    %dma_start3A_815 = arith.constant 0 : i32
    %dma_start3A_816 = tpu.memref_slice %arg22[%dma_start3A_814, %dma_start3A_815] : memref<64x128xf32, #tpu.memory_space<vmem_shared>> -> memref<64x128xf32, #tpu.memory_space<vmem_shared>>
    tpu.enqueue_indirect_dma source(%arg9 : memref<128x128xf32, #tpu.memory_space<vmem>>) target(%dma_start3A_816 : memref<64x128xf32, #tpu.memory_space<vmem_shared>>) offsets(%arg15 : memref<128xi32, #tpu.memory_space<vmem>>) semaphore(%arg39 : memref<!tpu.dma_semaphore, #tpu.memory_space<semaphore_mem>>) {add = true}
    %dma_start3A_817 = arith.constant 0 : i32
    %dma_start3A_818 = arith.constant 0 : i32
    %dma_start3A_819 = tpu.memref_slice %arg23[%dma_start3A_817, %dma_start3A_818] : memref<64x128xf32, #tpu.memory_space<vmem_shared>> -> memref<64x128xf32, #tpu.memory_space<vmem_shared>>
    tpu.enqueue_indirect_dma source(%arg18 : memref<128x128xf32, #tpu.memory_space<vmem>>) target(%dma_start3A_819 : memref<64x128xf32, #tpu.memory_space<vmem_shared>>) offsets(%arg15 : memref<128xi32, #tpu.memory_space<vmem>>) semaphore(%arg45 : memref<!tpu.dma_semaphore, #tpu.memory_space<semaphore_mem>>) {add = true}
    %dma_wait3A_820 = arith.constant 0 : i32
    %dma_wait3A_821 = tpu.memref_slice %arg2[%multiple_of3A_762, %dma_wait3A_820] : memref<100000x128xf32, #tpu.memory_space<hbm>> -> memref<128x128xf32, #tpu.memory_space<hbm>>
    %dma_wait3A_822 = arith.constant 0 : i32
    %dma_wait3A_823 = tpu.memref_slice %arg2[%multiple_of3A_762, %dma_wait3A_822] : memref<100000x128xf32, #tpu.memory_space<hbm>> -> memref<128x128xf32, #tpu.memory_space<hbm>>
    tpu.wait_dma2 semaphore(%arg28 : memref<!tpu.dma_semaphore, #tpu.memory_space<semaphore_mem>>) src(%dma_wait3A_823 : memref<128x128xf32, #tpu.memory_space<hbm>>) dst(%arg10 : memref<128x128xf32, #tpu.memory_space<vmem>>)
    %dma_wait3A_824 = tpu.memref_slice %arg3[%multiple_of3A_762] : memref<100000xi32, #tpu.memory_space<hbm>> -> memref<128xi32, #tpu.memory_space<hbm>>
    %dma_wait3A_825 = tpu.memref_slice %arg3[%multiple_of3A_762] : memref<100000xi32, #tpu.memory_space<hbm>> -> memref<128xi32, #tpu.memory_space<hbm>>
    tpu.wait_dma2 semaphore(%arg34 : memref<!tpu.dma_semaphore, #tpu.memory_space<semaphore_mem>>) src(%dma_wait3A_825 : memref<128xi32, #tpu.memory_space<hbm>>) dst(%arg16 : memref<128xi32, #tpu.memory_space<vmem>>)
    %dma_start3A_826 = arith.constant 0 : i32
    %dma_start3A_827 = arith.constant 0 : i32
    %dma_start3A_828 = tpu.memref_slice %arg22[%dma_start3A_826, %dma_start3A_827] : memref<64x128xf32, #tpu.memory_space<vmem_shared>> -> memref<64x128xf32, #tpu.memory_space<vmem_shared>>
    tpu.enqueue_indirect_dma source(%arg10 : memref<128x128xf32, #tpu.memory_space<vmem>>) target(%dma_start3A_828 : memref<64x128xf32, #tpu.memory_space<vmem_shared>>) offsets(%arg16 : memref<128xi32, #tpu.memory_space<vmem>>) semaphore(%arg40 : memref<!tpu.dma_semaphore, #tpu.memory_space<semaphore_mem>>) {add = true}
    %dma_start3A_829 = arith.constant 0 : i32
    %dma_start3A_830 = arith.constant 0 : i32
    %dma_start3A_831 = tpu.memref_slice %arg23[%dma_start3A_829, %dma_start3A_830] : memref<64x128xf32, #tpu.memory_space<vmem_shared>> -> memref<64x128xf32, #tpu.memory_space<vmem_shared>>
    tpu.enqueue_indirect_dma source(%arg18 : memref<128x128xf32, #tpu.memory_space<vmem>>) target(%dma_start3A_831 : memref<64x128xf32, #tpu.memory_space<vmem_shared>>) offsets(%arg16 : memref<128xi32, #tpu.memory_space<vmem>>) semaphore(%arg46 : memref<!tpu.dma_semaphore, #tpu.memory_space<semaphore_mem>>) {add = true}
    %dma_wait3A_832 = arith.constant 0 : i32
    %dma_wait3A_833 = tpu.memref_slice %arg2[%multiple_of3A_789, %dma_wait3A_832] : memref<100000x128xf32, #tpu.memory_space<hbm>> -> memref<128x128xf32, #tpu.memory_space<hbm>>
    %dma_wait3A_834 = arith.constant 0 : i32
    %dma_wait3A_835 = tpu.memref_slice %arg2[%multiple_of3A_789, %dma_wait3A_834] : memref<100000x128xf32, #tpu.memory_space<hbm>> -> memref<128x128xf32, #tpu.memory_space<hbm>>
    tpu.wait_dma2 semaphore(%arg29 : memref<!tpu.dma_semaphore, #tpu.memory_space<semaphore_mem>>) src(%dma_wait3A_835 : memref<128x128xf32, #tpu.memory_space<hbm>>) dst(%arg11 : memref<128x128xf32, #tpu.memory_space<vmem>>)
    %dma_wait3A_836 = tpu.memref_slice %arg3[%multiple_of3A_789] : memref<100000xi32, #tpu.memory_space<hbm>> -> memref<128xi32, #tpu.memory_space<hbm>>
    %dma_wait3A_837 = tpu.memref_slice %arg3[%multiple_of3A_789] : memref<100000xi32, #tpu.memory_space<hbm>> -> memref<128xi32, #tpu.memory_space<hbm>>
    tpu.wait_dma2 semaphore(%arg35 : memref<!tpu.dma_semaphore, #tpu.memory_space<semaphore_mem>>) src(%dma_wait3A_837 : memref<128xi32, #tpu.memory_space<hbm>>) dst(%arg17 : memref<128xi32, #tpu.memory_space<vmem>>)
    %dma_start3A_838 = arith.constant 0 : i32
    %dma_start3A_839 = arith.constant 0 : i32
    %dma_start3A_840 = tpu.memref_slice %arg22[%dma_start3A_838, %dma_start3A_839] : memref<64x128xf32, #tpu.memory_space<vmem_shared>> -> memref<64x128xf32, #tpu.memory_space<vmem_shared>>
    tpu.enqueue_indirect_dma source(%arg11 : memref<128x128xf32, #tpu.memory_space<vmem>>) target(%dma_start3A_840 : memref<64x128xf32, #tpu.memory_space<vmem_shared>>) offsets(%arg17 : memref<128xi32, #tpu.memory_space<vmem>>) semaphore(%arg41 : memref<!tpu.dma_semaphore, #tpu.memory_space<semaphore_mem>>) {add = true}
    %dma_start3A_841 = arith.constant 0 : i32
    %dma_start3A_842 = arith.constant 0 : i32
    %dma_start3A_843 = tpu.memref_slice %arg23[%dma_start3A_841, %dma_start3A_842] : memref<64x128xf32, #tpu.memory_space<vmem_shared>> -> memref<64x128xf32, #tpu.memory_space<vmem_shared>>
    tpu.enqueue_indirect_dma source(%arg18 : memref<128x128xf32, #tpu.memory_space<vmem>>) target(%dma_start3A_843 : memref<64x128xf32, #tpu.memory_space<vmem_shared>>) offsets(%arg17 : memref<128xi32, #tpu.memory_space<vmem>>) semaphore(%arg47 : memref<!tpu.dma_semaphore, #tpu.memory_space<semaphore_mem>>) {add = true}
    %dma_wait3A_844 = arith.constant 0 : i32
    %dma_wait3A_845 = arith.constant 0 : i32
    %dma_wait3A_846 = tpu.memref_slice %arg22[%dma_wait3A_844, %dma_wait3A_845] : memref<64x128xf32, #tpu.memory_space<vmem_shared>> -> memref<64x128xf32, #tpu.memory_space<vmem_shared>>
    tpu.wait_indirect_dma semaphore(%arg36 : memref<!tpu.dma_semaphore, #tpu.memory_space<semaphore_mem>>) src(%arg6 : memref<128x128xf32, #tpu.memory_space<vmem>>) dst(%dma_wait3A_846 : memref<64x128xf32, #tpu.memory_space<vmem_shared>>)
    %dma_wait3A_847 = arith.constant 0 : i32
    %dma_wait3A_848 = arith.constant 0 : i32
    %dma_wait3A_849 = tpu.memref_slice %arg23[%dma_wait3A_847, %dma_wait3A_848] : memref<64x128xf32, #tpu.memory_space<vmem_shared>> -> memref<64x128xf32, #tpu.memory_space<vmem_shared>>
    tpu.wait_indirect_dma semaphore(%arg42 : memref<!tpu.dma_semaphore, #tpu.memory_space<semaphore_mem>>) src(%arg18 : memref<128x128xf32, #tpu.memory_space<vmem>>) dst(%dma_wait3A_849 : memref<64x128xf32, #tpu.memory_space<vmem_shared>>)
    %dma_wait3A_850 = arith.constant 0 : i32
    %dma_wait3A_851 = arith.constant 0 : i32
    %dma_wait3A_852 = tpu.memref_slice %arg22[%dma_wait3A_850, %dma_wait3A_851] : memref<64x128xf32, #tpu.memory_space<vmem_shared>> -> memref<64x128xf32, #tpu.memory_space<vmem_shared>>
    tpu.wait_indirect_dma semaphore(%arg37 : memref<!tpu.dma_semaphore, #tpu.memory_space<semaphore_mem>>) src(%arg7 : memref<128x128xf32, #tpu.memory_space<vmem>>) dst(%dma_wait3A_852 : memref<64x128xf32, #tpu.memory_space<vmem_shared>>)
    %dma_wait3A_853 = arith.constant 0 : i32
    %dma_wait3A_854 = arith.constant 0 : i32
    %dma_wait3A_855 = tpu.memref_slice %arg23[%dma_wait3A_853, %dma_wait3A_854] : memref<64x128xf32, #tpu.memory_space<vmem_shared>> -> memref<64x128xf32, #tpu.memory_space<vmem_shared>>
    tpu.wait_indirect_dma semaphore(%arg43 : memref<!tpu.dma_semaphore, #tpu.memory_space<semaphore_mem>>) src(%arg18 : memref<128x128xf32, #tpu.memory_space<vmem>>) dst(%dma_wait3A_855 : memref<64x128xf32, #tpu.memory_space<vmem_shared>>)
    %dma_wait3A_856 = arith.constant 0 : i32
    %dma_wait3A_857 = arith.constant 0 : i32
    %dma_wait3A_858 = tpu.memref_slice %arg22[%dma_wait3A_856, %dma_wait3A_857] : memref<64x128xf32, #tpu.memory_space<vmem_shared>> -> memref<64x128xf32, #tpu.memory_space<vmem_shared>>
    tpu.wait_indirect_dma semaphore(%arg38 : memref<!tpu.dma_semaphore, #tpu.memory_space<semaphore_mem>>) src(%arg8 : memref<128x128xf32, #tpu.memory_space<vmem>>) dst(%dma_wait3A_858 : memref<64x128xf32, #tpu.memory_space<vmem_shared>>)
    %dma_wait3A_859 = arith.constant 0 : i32
    %dma_wait3A_860 = arith.constant 0 : i32
    %dma_wait3A_861 = tpu.memref_slice %arg23[%dma_wait3A_859, %dma_wait3A_860] : memref<64x128xf32, #tpu.memory_space<vmem_shared>> -> memref<64x128xf32, #tpu.memory_space<vmem_shared>>
    tpu.wait_indirect_dma semaphore(%arg44 : memref<!tpu.dma_semaphore, #tpu.memory_space<semaphore_mem>>) src(%arg18 : memref<128x128xf32, #tpu.memory_space<vmem>>) dst(%dma_wait3A_861 : memref<64x128xf32, #tpu.memory_space<vmem_shared>>)
    %dma_wait3A_862 = arith.constant 0 : i32
    %dma_wait3A_863 = arith.constant 0 : i32
    %dma_wait3A_864 = tpu.memref_slice %arg22[%dma_wait3A_862, %dma_wait3A_863] : memref<64x128xf32, #tpu.memory_space<vmem_shared>> -> memref<64x128xf32, #tpu.memory_space<vmem_shared>>
    tpu.wait_indirect_dma semaphore(%arg39 : memref<!tpu.dma_semaphore, #tpu.memory_space<semaphore_mem>>) src(%arg9 : memref<128x128xf32, #tpu.memory_space<vmem>>) dst(%dma_wait3A_864 : memref<64x128xf32, #tpu.memory_space<vmem_shared>>)
    %dma_wait3A_865 = arith.constant 0 : i32
    %dma_wait3A_866 = arith.constant 0 : i32
    %dma_wait3A_867 = tpu.memref_slice %arg23[%dma_wait3A_865, %dma_wait3A_866] : memref<64x128xf32, #tpu.memory_space<vmem_shared>> -> memref<64x128xf32, #tpu.memory_space<vmem_shared>>
    tpu.wait_indirect_dma semaphore(%arg45 : memref<!tpu.dma_semaphore, #tpu.memory_space<semaphore_mem>>) src(%arg18 : memref<128x128xf32, #tpu.memory_space<vmem>>) dst(%dma_wait3A_867 : memref<64x128xf32, #tpu.memory_space<vmem_shared>>)
    %dma_wait3A_868 = arith.constant 0 : i32
    %dma_wait3A_869 = arith.constant 0 : i32
    %dma_wait3A_870 = tpu.memref_slice %arg22[%dma_wait3A_868, %dma_wait3A_869] : memref<64x128xf32, #tpu.memory_space<vmem_shared>> -> memref<64x128xf32, #tpu.memory_space<vmem_shared>>
    tpu.wait_indirect_dma semaphore(%arg40 : memref<!tpu.dma_semaphore, #tpu.memory_space<semaphore_mem>>) src(%arg10 : memref<128x128xf32, #tpu.memory_space<vmem>>) dst(%dma_wait3A_870 : memref<64x128xf32, #tpu.memory_space<vmem_shared>>)
    %dma_wait3A_871 = arith.constant 0 : i32
    %dma_wait3A_872 = arith.constant 0 : i32
    %dma_wait3A_873 = tpu.memref_slice %arg23[%dma_wait3A_871, %dma_wait3A_872] : memref<64x128xf32, #tpu.memory_space<vmem_shared>> -> memref<64x128xf32, #tpu.memory_space<vmem_shared>>
    tpu.wait_indirect_dma semaphore(%arg46 : memref<!tpu.dma_semaphore, #tpu.memory_space<semaphore_mem>>) src(%arg18 : memref<128x128xf32, #tpu.memory_space<vmem>>) dst(%dma_wait3A_873 : memref<64x128xf32, #tpu.memory_space<vmem_shared>>)
    %dma_wait3A_874 = arith.constant 0 : i32
    %dma_wait3A_875 = arith.constant 0 : i32
    %dma_wait3A_876 = tpu.memref_slice %arg22[%dma_wait3A_874, %dma_wait3A_875] : memref<64x128xf32, #tpu.memory_space<vmem_shared>> -> memref<64x128xf32, #tpu.memory_space<vmem_shared>>
    tpu.wait_indirect_dma semaphore(%arg41 : memref<!tpu.dma_semaphore, #tpu.memory_space<semaphore_mem>>) src(%arg11 : memref<128x128xf32, #tpu.memory_space<vmem>>) dst(%dma_wait3A_876 : memref<64x128xf32, #tpu.memory_space<vmem_shared>>)
    %dma_wait3A_877 = arith.constant 0 : i32
    %dma_wait3A_878 = arith.constant 0 : i32
    %dma_wait3A_879 = tpu.memref_slice %arg23[%dma_wait3A_877, %dma_wait3A_878] : memref<64x128xf32, #tpu.memory_space<vmem_shared>> -> memref<64x128xf32, #tpu.memory_space<vmem_shared>>
    tpu.wait_indirect_dma semaphore(%arg47 : memref<!tpu.dma_semaphore, #tpu.memory_space<semaphore_mem>>) src(%arg18 : memref<128x128xf32, #tpu.memory_space<vmem>>) dst(%dma_wait3A_879 : memref<64x128xf32, #tpu.memory_space<vmem_shared>>)
    %while3A = arith.constant 0 : i32
    %while3A_880 = arith.subi %select_n3A_234, %while3A : i32
    %while3A_881 = arith.addi %while3A, %while3A_880 : i32
    %while3A_882 = arith.constant 1 : i32
    %while3A_883 = arith.divsi %while3A_880, %while3A_882 : i32
    %while3A_884 = arith.muli %while3A_883, %while3A_882 : i32
    %while3A_885 = arith.addi %while3A, %while3A_884 : i32
    %while3A_886 = arith.constant 1 : i32
    scf.for %while3A_892 = %while3A to %while3A_885 step %while3A_886  : i32 {
      %mul3A_893 = arith.constant 8 : i32
      %mul3A_894 = arith.muli %while3A_892, %mul3A_893 : i32
      %add3A_895 = arith.addi %add3A_214, %mul3A_894 : i32
      %multiple_of3A_896 = tpu.assume_multiple %add3A_895, 8 : i32
      "tpu.region"() ({
        %run_scoped3A = tpu.sem_alloc : memref<!tpu.dma_semaphore, #tpu.memory_space<semaphore_mem>>
        %dma_start3A_897 = arith.constant 0 : i32
        %dma_start3A_898 = tpu.memref_slice %arg2[%multiple_of3A_896, %dma_start3A_897] : memref<100000x128xf32, #tpu.memory_space<hbm>> -> memref<8x128xf32, #tpu.memory_space<hbm>>
        %dma_start3A_899 = arith.constant 0 : i32
        %dma_start3A_900 = tpu.memref_slice %arg2[%multiple_of3A_896, %dma_start3A_899] : memref<100000x128xf32, #tpu.memory_space<hbm>> -> memref<8x128xf32, #tpu.memory_space<hbm>>
        tpu.enqueue_dma source(%dma_start3A_900 : memref<8x128xf32, #tpu.memory_space<hbm>>) target(%arg19 : memref<8x128xf32, #tpu.memory_space<vmem>>) target_semaphore(%run_scoped3A : memref<!tpu.dma_semaphore, #tpu.memory_space<semaphore_mem>>)
        %dma_wait3A_901 = arith.constant 0 : i32
        %dma_wait3A_902 = tpu.memref_slice %arg2[%multiple_of3A_896, %dma_wait3A_901] : memref<100000x128xf32, #tpu.memory_space<hbm>> -> memref<8x128xf32, #tpu.memory_space<hbm>>
        %dma_wait3A_903 = arith.constant 0 : i32
        %dma_wait3A_904 = tpu.memref_slice %arg2[%multiple_of3A_896, %dma_wait3A_903] : memref<100000x128xf32, #tpu.memory_space<hbm>> -> memref<8x128xf32, #tpu.memory_space<hbm>>
        tpu.wait_dma2 semaphore(%run_scoped3A : memref<!tpu.dma_semaphore, #tpu.memory_space<semaphore_mem>>) src(%dma_wait3A_904 : memref<8x128xf32, #tpu.memory_space<hbm>>) dst(%arg19 : memref<8x128xf32, #tpu.memory_space<vmem>>)
        tpu.yield
      }) : () -> ()
      "tpu.region"() ({
        %run_scoped3A = tpu.sem_alloc : memref<!tpu.dma_semaphore, #tpu.memory_space<semaphore_mem>>
        %dma_start3A_897 = tpu.memref_slice %arg3[%multiple_of3A_896] : memref<100000xi32, #tpu.memory_space<hbm>> -> memref<8xi32, #tpu.memory_space<hbm>>
        %dma_start3A_898 = tpu.memref_slice %arg3[%multiple_of3A_896] : memref<100000xi32, #tpu.memory_space<hbm>> -> memref<8xi32, #tpu.memory_space<hbm>>
        tpu.enqueue_dma source(%dma_start3A_898 : memref<8xi32, #tpu.memory_space<hbm>>) target(%arg20 : memref<8xi32, #tpu.memory_space<vmem>>) target_semaphore(%run_scoped3A : memref<!tpu.dma_semaphore, #tpu.memory_space<semaphore_mem>>)
        %dma_wait3A_899 = tpu.memref_slice %arg3[%multiple_of3A_896] : memref<100000xi32, #tpu.memory_space<hbm>> -> memref<8xi32, #tpu.memory_space<hbm>>
        %dma_wait3A_900 = tpu.memref_slice %arg3[%multiple_of3A_896] : memref<100000xi32, #tpu.memory_space<hbm>> -> memref<8xi32, #tpu.memory_space<hbm>>
        tpu.wait_dma2 semaphore(%run_scoped3A : memref<!tpu.dma_semaphore, #tpu.memory_space<semaphore_mem>>) src(%dma_wait3A_900 : memref<8xi32, #tpu.memory_space<hbm>>) dst(%arg20 : memref<8xi32, #tpu.memory_space<vmem>>)
        tpu.yield
      }) : () -> ()
      "tpu.region"() ({
        %run_scoped3A = tpu.sem_alloc : memref<!tpu.dma_semaphore, #tpu.memory_space<semaphore_mem>>
        %dma_start3A_897 = arith.constant 0 : i32
        %dma_start3A_898 = arith.constant 0 : i32
        %dma_start3A_899 = tpu.memref_slice %arg22[%dma_start3A_897, %dma_start3A_898] : memref<64x128xf32, #tpu.memory_space<vmem_shared>> -> memref<64x128xf32, #tpu.memory_space<vmem_shared>>
        tpu.enqueue_indirect_dma source(%arg19 : memref<8x128xf32, #tpu.memory_space<vmem>>) target(%dma_start3A_899 : memref<64x128xf32, #tpu.memory_space<vmem_shared>>) offsets(%arg20 : memref<8xi32, #tpu.memory_space<vmem>>) semaphore(%run_scoped3A : memref<!tpu.dma_semaphore, #tpu.memory_space<semaphore_mem>>) {add = true}
        %dma_wait3A_900 = arith.constant 0 : i32
        %dma_wait3A_901 = arith.constant 0 : i32
        %dma_wait3A_902 = tpu.memref_slice %arg22[%dma_wait3A_900, %dma_wait3A_901] : memref<64x128xf32, #tpu.memory_space<vmem_shared>> -> memref<64x128xf32, #tpu.memory_space<vmem_shared>>
        tpu.wait_indirect_dma semaphore(%run_scoped3A : memref<!tpu.dma_semaphore, #tpu.memory_space<semaphore_mem>>) src(%arg19 : memref<8x128xf32, #tpu.memory_space<vmem>>) dst(%dma_wait3A_902 : memref<64x128xf32, #tpu.memory_space<vmem_shared>>)
        tpu.yield
      }) : () -> ()
      "tpu.region"() ({
        %run_scoped3A = tpu.sem_alloc : memref<!tpu.dma_semaphore, #tpu.memory_space<semaphore_mem>>
        %dma_start3A_897 = arith.constant 0 : i32
        %dma_start3A_898 = arith.constant 0 : i32
        %dma_start3A_899 = tpu.memref_slice %arg18[%dma_start3A_897, %dma_start3A_898] : memref<128x128xf32, #tpu.memory_space<vmem>> -> memref<8x128xf32, #tpu.memory_space<vmem>>
        %dma_start3A_900 = arith.constant 0 : i32
        %dma_start3A_901 = arith.constant 0 : i32
        %dma_start3A_902 = tpu.memref_slice %arg23[%dma_start3A_900, %dma_start3A_901] : memref<64x128xf32, #tpu.memory_space<vmem_shared>> -> memref<64x128xf32, #tpu.memory_space<vmem_shared>>
        tpu.enqueue_indirect_dma source(%dma_start3A_899 : memref<8x128xf32, #tpu.memory_space<vmem>>) target(%dma_start3A_902 : memref<64x128xf32, #tpu.memory_space<vmem_shared>>) offsets(%arg20 : memref<8xi32, #tpu.memory_space<vmem>>) semaphore(%run_scoped3A : memref<!tpu.dma_semaphore, #tpu.memory_space<semaphore_mem>>) {add = true}
        %dma_wait3A_903 = arith.constant 0 : i32
        %dma_wait3A_904 = arith.constant 0 : i32
        %dma_wait3A_905 = tpu.memref_slice %arg18[%dma_wait3A_903, %dma_wait3A_904] : memref<128x128xf32, #tpu.memory_space<vmem>> -> memref<8x128xf32, #tpu.memory_space<vmem>>
        %dma_wait3A_906 = arith.constant 0 : i32
        %dma_wait3A_907 = arith.constant 0 : i32
        %dma_wait3A_908 = tpu.memref_slice %arg23[%dma_wait3A_906, %dma_wait3A_907] : memref<64x128xf32, #tpu.memory_space<vmem_shared>> -> memref<64x128xf32, #tpu.memory_space<vmem_shared>>
        tpu.wait_indirect_dma semaphore(%run_scoped3A : memref<!tpu.dma_semaphore, #tpu.memory_space<semaphore_mem>>) src(%dma_wait3A_905 : memref<8x128xf32, #tpu.memory_space<vmem>>) dst(%dma_wait3A_908 : memref<64x128xf32, #tpu.memory_space<vmem_shared>>)
        tpu.yield
      }) : () -> ()
    }
    %while3A_887 = arith.constant 1 : i32
    scf.for %while3A_892 = %while3A_885 to %while3A_881 step %while3A_887  : i32 {
      %mul3A_893 = arith.constant 8 : i32
      %mul3A_894 = arith.muli %while3A_892, %mul3A_893 : i32
      %add3A_895 = arith.addi %add3A_214, %mul3A_894 : i32
      %multiple_of3A_896 = tpu.assume_multiple %add3A_895, 8 : i32
      "tpu.region"() ({
        %run_scoped3A = tpu.sem_alloc : memref<!tpu.dma_semaphore, #tpu.memory_space<semaphore_mem>>
        %dma_start3A_897 = arith.constant 0 : i32
        %dma_start3A_898 = tpu.memref_slice %arg2[%multiple_of3A_896, %dma_start3A_897] : memref<100000x128xf32, #tpu.memory_space<hbm>> -> memref<8x128xf32, #tpu.memory_space<hbm>>
        %dma_start3A_899 = arith.constant 0 : i32
        %dma_start3A_900 = tpu.memref_slice %arg2[%multiple_of3A_896, %dma_start3A_899] : memref<100000x128xf32, #tpu.memory_space<hbm>> -> memref<8x128xf32, #tpu.memory_space<hbm>>
        tpu.enqueue_dma source(%dma_start3A_900 : memref<8x128xf32, #tpu.memory_space<hbm>>) target(%arg19 : memref<8x128xf32, #tpu.memory_space<vmem>>) target_semaphore(%run_scoped3A : memref<!tpu.dma_semaphore, #tpu.memory_space<semaphore_mem>>)
        %dma_wait3A_901 = arith.constant 0 : i32
        %dma_wait3A_902 = tpu.memref_slice %arg2[%multiple_of3A_896, %dma_wait3A_901] : memref<100000x128xf32, #tpu.memory_space<hbm>> -> memref<8x128xf32, #tpu.memory_space<hbm>>
        %dma_wait3A_903 = arith.constant 0 : i32
        %dma_wait3A_904 = tpu.memref_slice %arg2[%multiple_of3A_896, %dma_wait3A_903] : memref<100000x128xf32, #tpu.memory_space<hbm>> -> memref<8x128xf32, #tpu.memory_space<hbm>>
        tpu.wait_dma2 semaphore(%run_scoped3A : memref<!tpu.dma_semaphore, #tpu.memory_space<semaphore_mem>>) src(%dma_wait3A_904 : memref<8x128xf32, #tpu.memory_space<hbm>>) dst(%arg19 : memref<8x128xf32, #tpu.memory_space<vmem>>)
        tpu.yield
      }) : () -> ()
      "tpu.region"() ({
        %run_scoped3A = tpu.sem_alloc : memref<!tpu.dma_semaphore, #tpu.memory_space<semaphore_mem>>
        %dma_start3A_897 = tpu.memref_slice %arg3[%multiple_of3A_896] : memref<100000xi32, #tpu.memory_space<hbm>> -> memref<8xi32, #tpu.memory_space<hbm>>
        %dma_start3A_898 = tpu.memref_slice %arg3[%multiple_of3A_896] : memref<100000xi32, #tpu.memory_space<hbm>> -> memref<8xi32, #tpu.memory_space<hbm>>
        tpu.enqueue_dma source(%dma_start3A_898 : memref<8xi32, #tpu.memory_space<hbm>>) target(%arg20 : memref<8xi32, #tpu.memory_space<vmem>>) target_semaphore(%run_scoped3A : memref<!tpu.dma_semaphore, #tpu.memory_space<semaphore_mem>>)
        %dma_wait3A_899 = tpu.memref_slice %arg3[%multiple_of3A_896] : memref<100000xi32, #tpu.memory_space<hbm>> -> memref<8xi32, #tpu.memory_space<hbm>>
        %dma_wait3A_900 = tpu.memref_slice %arg3[%multiple_of3A_896] : memref<100000xi32, #tpu.memory_space<hbm>> -> memref<8xi32, #tpu.memory_space<hbm>>
        tpu.wait_dma2 semaphore(%run_scoped3A : memref<!tpu.dma_semaphore, #tpu.memory_space<semaphore_mem>>) src(%dma_wait3A_900 : memref<8xi32, #tpu.memory_space<hbm>>) dst(%arg20 : memref<8xi32, #tpu.memory_space<vmem>>)
        tpu.yield
      }) : () -> ()
      "tpu.region"() ({
        %run_scoped3A = tpu.sem_alloc : memref<!tpu.dma_semaphore, #tpu.memory_space<semaphore_mem>>
        %dma_start3A_897 = arith.constant 0 : i32
        %dma_start3A_898 = arith.constant 0 : i32
        %dma_start3A_899 = tpu.memref_slice %arg22[%dma_start3A_897, %dma_start3A_898] : memref<64x128xf32, #tpu.memory_space<vmem_shared>> -> memref<64x128xf32, #tpu.memory_space<vmem_shared>>
        tpu.enqueue_indirect_dma source(%arg19 : memref<8x128xf32, #tpu.memory_space<vmem>>) target(%dma_start3A_899 : memref<64x128xf32, #tpu.memory_space<vmem_shared>>) offsets(%arg20 : memref<8xi32, #tpu.memory_space<vmem>>) semaphore(%run_scoped3A : memref<!tpu.dma_semaphore, #tpu.memory_space<semaphore_mem>>) {add = true}
        %dma_wait3A_900 = arith.constant 0 : i32
        %dma_wait3A_901 = arith.constant 0 : i32
        %dma_wait3A_902 = tpu.memref_slice %arg22[%dma_wait3A_900, %dma_wait3A_901] : memref<64x128xf32, #tpu.memory_space<vmem_shared>> -> memref<64x128xf32, #tpu.memory_space<vmem_shared>>
        tpu.wait_indirect_dma semaphore(%run_scoped3A : memref<!tpu.dma_semaphore, #tpu.memory_space<semaphore_mem>>) src(%arg19 : memref<8x128xf32, #tpu.memory_space<vmem>>) dst(%dma_wait3A_902 : memref<64x128xf32, #tpu.memory_space<vmem_shared>>)
        tpu.yield
      }) : () -> ()
      "tpu.region"() ({
        %run_scoped3A = tpu.sem_alloc : memref<!tpu.dma_semaphore, #tpu.memory_space<semaphore_mem>>
        %dma_start3A_897 = arith.constant 0 : i32
        %dma_start3A_898 = arith.constant 0 : i32
        %dma_start3A_899 = tpu.memref_slice %arg18[%dma_start3A_897, %dma_start3A_898] : memref<128x128xf32, #tpu.memory_space<vmem>> -> memref<8x128xf32, #tpu.memory_space<vmem>>
        %dma_start3A_900 = arith.constant 0 : i32
        %dma_start3A_901 = arith.constant 0 : i32
        %dma_start3A_902 = tpu.memref_slice %arg23[%dma_start3A_900, %dma_start3A_901] : memref<64x128xf32, #tpu.memory_space<vmem_shared>> -> memref<64x128xf32, #tpu.memory_space<vmem_shared>>
        tpu.enqueue_indirect_dma source(%dma_start3A_899 : memref<8x128xf32, #tpu.memory_space<vmem>>) target(%dma_start3A_902 : memref<64x128xf32, #tpu.memory_space<vmem_shared>>) offsets(%arg20 : memref<8xi32, #tpu.memory_space<vmem>>) semaphore(%run_scoped3A : memref<!tpu.dma_semaphore, #tpu.memory_space<semaphore_mem>>) {add = true}
        %dma_wait3A_903 = arith.constant 0 : i32
        %dma_wait3A_904 = arith.constant 0 : i32
        %dma_wait3A_905 = tpu.memref_slice %arg18[%dma_wait3A_903, %dma_wait3A_904] : memref<128x128xf32, #tpu.memory_space<vmem>> -> memref<8x128xf32, #tpu.memory_space<vmem>>
        %dma_wait3A_906 = arith.constant 0 : i32
        %dma_wait3A_907 = arith.constant 0 : i32
        %dma_wait3A_908 = tpu.memref_slice %arg23[%dma_wait3A_906, %dma_wait3A_907] : memref<64x128xf32, #tpu.memory_space<vmem_shared>> -> memref<64x128xf32, #tpu.memory_space<vmem_shared>>
        tpu.wait_indirect_dma semaphore(%run_scoped3A : memref<!tpu.dma_semaphore, #tpu.memory_space<semaphore_mem>>) src(%dma_wait3A_905 : memref<8x128xf32, #tpu.memory_space<vmem>>) dst(%dma_wait3A_908 : memref<64x128xf32, #tpu.memory_space<vmem_shared>>)
        tpu.yield
      }) : () -> ()
    }
    %barrier3A_888 = arith.constant 0 : index
    tpu.barrier barrier_id(%barrier3A_888)
    %eq3A_889 = arith.constant 0 : i32
    %eq3A_890 = arith.cmpi eq, %arg1, %eq3A_889 : i32
    %convert_element_type3A = arith.extui %eq3A_890 : i1 to i32
    %cond3A = arith.constant 0 : i32
    %cond3A_891 = arith.cmpi ne, %convert_element_type3A, %cond3A : i32
    scf.if %cond3A_891 {
      "tpu.region"() ({
        %run_scoped3A = tpu.sem_alloc : memref<!tpu.dma_semaphore, #tpu.memory_space<semaphore_mem>>
        %dma_start3A_892 = arith.constant 0 : i32
        %dma_start3A_893 = arith.constant 0 : i32
        %dma_start3A_894 = tpu.memref_slice %arg4[%arg0, %dma_start3A_892, %dma_start3A_893] : memref<2x64x128xf32, #tpu.memory_space<hbm>> -> memref<1x64x128xf32, #tpu.memory_space<hbm>>
        %dma_start3A_895 = tpu.memref_squeeze %dma_start3A_894 : memref<1x64x128xf32, #tpu.memory_space<hbm>> -> memref<64x128xf32, #tpu.memory_space<hbm>>
        tpu.enqueue_dma source(%arg22 : memref<64x128xf32, #tpu.memory_space<vmem_shared>>) target(%dma_start3A_895 : memref<64x128xf32, #tpu.memory_space<hbm>>) target_semaphore(%run_scoped3A : memref<!tpu.dma_semaphore, #tpu.memory_space<semaphore_mem>>)
        %dma_wait3A_896 = arith.constant 0 : i32
        %dma_wait3A_897 = arith.constant 0 : i32
        %dma_wait3A_898 = tpu.memref_slice %arg4[%arg0, %dma_wait3A_896, %dma_wait3A_897] : memref<2x64x128xf32, #tpu.memory_space<hbm>> -> memref<1x64x128xf32, #tpu.memory_space<hbm>>
        %dma_wait3A_899 = tpu.memref_squeeze %dma_wait3A_898 : memref<1x64x128xf32, #tpu.memory_space<hbm>> -> memref<64x128xf32, #tpu.memory_space<hbm>>
        tpu.wait_dma2 semaphore(%run_scoped3A : memref<!tpu.dma_semaphore, #tpu.memory_space<semaphore_mem>>) src(%arg22 : memref<64x128xf32, #tpu.memory_space<vmem_shared>>) dst(%dma_wait3A_899 : memref<64x128xf32, #tpu.memory_space<hbm>>)
        tpu.yield
      }) : () -> ()
      "tpu.region"() ({
        %run_scoped3A = tpu.sem_alloc : memref<!tpu.dma_semaphore, #tpu.memory_space<semaphore_mem>>
        %dma_start3A_892 = arith.constant 0 : i32
        %dma_start3A_893 = arith.constant 0 : i32
        %dma_start3A_894 = tpu.memref_slice %arg5[%arg0, %dma_start3A_892, %dma_start3A_893] : memref<2x64x128xf32, #tpu.memory_space<hbm>> -> memref<1x64x128xf32, #tpu.memory_space<hbm>>
        %dma_start3A_895 = tpu.memref_squeeze %dma_start3A_894 : memref<1x64x128xf32, #tpu.memory_space<hbm>> -> memref<64x128xf32, #tpu.memory_space<hbm>>
        tpu.enqueue_dma source(%arg23 : memref<64x128xf32, #tpu.memory_space<vmem_shared>>) target(%dma_start3A_895 : memref<64x128xf32, #tpu.memory_space<hbm>>) target_semaphore(%run_scoped3A : memref<!tpu.dma_semaphore, #tpu.memory_space<semaphore_mem>>)
        %dma_wait3A_896 = arith.constant 0 : i32
        %dma_wait3A_897 = arith.constant 0 : i32
        %dma_wait3A_898 = tpu.memref_slice %arg5[%arg0, %dma_wait3A_896, %dma_wait3A_897] : memref<2x64x128xf32, #tpu.memory_space<hbm>> -> memref<1x64x128xf32, #tpu.memory_space<hbm>>
        %dma_wait3A_899 = tpu.memref_squeeze %dma_wait3A_898 : memref<1x64x128xf32, #tpu.memory_space<hbm>> -> memref<64x128xf32, #tpu.memory_space<hbm>>
        tpu.wait_dma2 semaphore(%run_scoped3A : memref<!tpu.dma_semaphore, #tpu.memory_space<semaphore_mem>>) src(%arg23 : memref<64x128xf32, #tpu.memory_space<vmem_shared>>) dst(%dma_wait3A_899 : memref<64x128xf32, #tpu.memory_space<hbm>>)
        tpu.yield
      }) : () -> ()
    } else {
    }
    return
  }
}

module attributes {stable_mosaic.version = 14 : i64} {
  func.func @_tc_finish(%arg0: memref<2x64x128xf32, #tpu.memory_space<vmem>>, %arg1: memref<2x64x128xf32, #tpu.memory_space<vmem>>, %arg2: memref<64x128xf32, #tpu.memory_space<vmem>>) attributes {dimension_semantics = [], scalar_prefetch = 0 : i64, scratch_operands = 0 : i64, tpu.core_type = #tpu.core_type<tc>} {
    %get3A = arith.constant 0 : index
    %get3A_0 = arith.constant 0 : index
    %get3A_1 = arith.constant 0 : index
    %get3A_2 = vector.load %arg0[%get3A, %get3A_0, %get3A_1] : memref<2x64x128xf32, #tpu.memory_space<vmem>>, vector<1x64x128xf32>
    %get3A_3 = vector.shape_cast %get3A_2 : vector<1x64x128xf32> to vector<64x128xf32>
    %get3A_4 = arith.constant 1 : index
    %get3A_5 = arith.constant 0 : index
    %get3A_6 = arith.constant 0 : index
    %get3A_7 = vector.load %arg0[%get3A_4, %get3A_5, %get3A_6] : memref<2x64x128xf32, #tpu.memory_space<vmem>>, vector<1x64x128xf32>
    %get3A_8 = vector.shape_cast %get3A_7 : vector<1x64x128xf32> to vector<64x128xf32>
    %add3A = arith.addf %get3A_3, %get3A_8 : vector<64x128xf32>
    %get3A_9 = arith.constant 0 : index
    %get3A_10 = arith.constant 0 : index
    %get3A_11 = arith.constant 0 : index
    %get3A_12 = vector.load %arg1[%get3A_9, %get3A_10, %get3A_11] : memref<2x64x128xf32, #tpu.memory_space<vmem>>, vector<1x64x128xf32>
    %get3A_13 = vector.shape_cast %get3A_12 : vector<1x64x128xf32> to vector<64x128xf32>
    %get3A_14 = arith.constant 1 : index
    %get3A_15 = arith.constant 0 : index
    %get3A_16 = arith.constant 0 : index
    %get3A_17 = vector.load %arg1[%get3A_14, %get3A_15, %get3A_16] : memref<2x64x128xf32, #tpu.memory_space<vmem>>, vector<1x64x128xf32>
    %get3A_18 = vector.shape_cast %get3A_17 : vector<1x64x128xf32> to vector<64x128xf32>
    %add3A_19 = arith.addf %get3A_13, %get3A_18 : vector<64x128xf32>
    %max3A = arith.constant 1.000000e+00 : f32
    %max3A_20 = vector.broadcast %max3A : f32 to vector<64x128xf32>
    %max3A_21 = arith.maximumf %add3A_19, %max3A_20 : vector<64x128xf32>
    %div3A = arith.divf %add3A, %max3A_21 : vector<64x128xf32>
    %swap3A = arith.constant 0 : index
    %swap3A_22 = arith.constant 0 : index
    %swap3A_23 = vector.load %arg2[%swap3A, %swap3A_22] : memref<64x128xf32, #tpu.memory_space<vmem>>, vector<64x128xf32>
    tpu.vector_store %arg2[%swap3A, %swap3A_22], %div3A {strides = array<i32>} : memref<64x128xf32, #tpu.memory_space<vmem>>, vector<64x128xf32>,
    return
  }
}

</mosaic_0001>

<sc_bundles>
// kernel: kernel.4.cloned.1.call-start
scs
__scs_entry_jumppad:
0x0: {  	(pc) =	sbr.rel $0x88, $3  }
0x1: {  	(tag) =	ssettag $0x0;
	lr =	simm.s32 $0x1  }
0x2: {  	[smem:$0x3F9F] =	sst lr;
	_ =	strace $0xD0000000  }
0x3: {  	_ = 	snop  }
0x4: {  	_ = 	snop  }
0x5: {  	_ = 	snop  }
0x6: {  	_ = 	snop  }
0x7: {  	_ = 	snop  }
__scs_overlays_trampoline_lowered:
0x8: {  	[smem:$0x3FAE] =	sst s0  }
0x9: {  	[smem:$0x3FAF] =	sst s1  }
0xa: {  	[smem:$0x3FB0] =	sst s2  }
0xb: {  	[smem:$0x3FB1] =	sst s3  }
0xc: {  	[smem:$0x3FB2] =	sst s4  }
0xd: {  	[smem:$0x3FB3] =	sst s5  }
0xe: {  	[smem:$0x3FB4] =	sst s6  }
0xf: {  	[smem:$0x3FB5] =	sst s7  }
0x10: {  	[smem:$0x3FB6] =	sst s8  }
0x11: {  	[smem:$0x3FB7] =	sst s9;
	s0 =	simm.s32 @!p0 $0x0  }
0x12: {  	s1 =	sld [smem:$0x3F9D];
	s0 =	simm.s32 @p0 $0x1  }
0x13: {  	[smem:$0x3FB8] =	sst s0;
	s0 =	simm.s32 @!p1 $0x0  }
0x14: {  	s2 =	sld [smem:$0x3F9C];
	s0 =	simm.s32 @p1 $0x1  }
0x15: {  	[smem:$0x3FB9] =	sst s0;
	s0 =	simm.s32 @!p2 $0x0  }
0x16: {  	s3 =	sld [smem:$0x3FDB];
	s0 =	simm.s32 @p2 $0x1  }
0x17: {  	s4 =	simm.s32 $0x1BF5;
	[smem:$0x3FBB] =	sst s0  }
0x18: {  	s0 =	sld [smem:$0x3F9E];
	_ =	swait.ge [sflag:s4], $0x0  }
0x19: {  	s7 =	sld [smem:$0x3F9F]  }
0x1a: {  	s8 =	sadd.s32 $0xFFFFE003, lr  }
0x1b: {  	s9 =	sadd.s32 $0xFFFFFEF7, lr;
	s5 =	simm.s32 $0xFFFFFFFF;
	p2 =	slt.u32 s8, $0xFFFFF086  }
0x1c: {  	p1 =	slt.u32 s9, $0xF7A;
	s5 =	simm.s32 @!p2 $0x0  }
0x1d: {  	s5 =	simm.s32 @p1 $0x1;
	p0 =	seq.s32 s7, s2  }
0x1e: {  	s7 =	smul.u32 @!p0 $0xF7A, s2;
	p2 =	seq.s32 @!p0 s5, $0x0  }
0x1f: {  	s9 =	smul.u32 $0xF7A, s1;
	s8 =	simm.s32 @!p0 $0x1BF5;
	p2 =	por !p2, p0  }
0x20: {  	[sflag:s8] =	ssyncset.s32 @!p0 $0xFFFFF086;
	s6 =	sadd.s32 @!p0 s3, s7;
	s7 =	simm.s32 @!p0 $0x108  }
0x21: {  	s3 =	sadd.s32 s3, s9;
	s6 =	sadd.s32 @!p0 $0x88, s6;
	s7 =	simm.s32 @p2 $0x1082  }
0x22: {  	[simem:s7], [sflag:s8] =	dma.local @!p0 [hbm:s6], $0xF7A  }
0x23: {  	s9 =	sor.u32 $0xD0000000, s2;
	s6 =	simm.s32 $0x108;
	_ =	swait.ge @!p0 [sflag:s8], $0x0  }
0x24: {  	s3 =	sadd.s32 $0x88, s3;
	s6 =	simm.s32 @!p1 $0x1082;
	[sflag:s4] =	ssyncset.s32 $0xFFFFF086  }
0x25: {  	[simem:s6], [sflag:s4] =	dma.local [hbm:s3], $0xF7A  }
0x26: {  	[smem:$0x3F9F] =	sst s1;
	(tag) =	ssettag s2;
	_ =	strace s9  }
0x27: {  	s1 =	sld [smem:$0x3FAF]  }
0x28: {  	s2 =	sld [smem:$0x3FB0]  }
0x29: {  	s4 =	sld [smem:$0x3FB2]  }
0x2a: {  	p0 =	seq.s32 s5, $0x0;
	s5 =	sld [smem:$0x3FB3]  }
0x2b: {  	s6 =	sld [smem:$0x3FB4]  }
0x2c: {  	s7 =	sld [smem:$0x3FB5]  }
0x2d: {  	s3 =	simm.s32 $0x108;
	s8 =	sld [smem:$0x3FB6]  }
0x2e: {  	s3 =	simm.s32 @!p0 $0x1082;
	s9 =	sld [smem:$0x3FB7]  }
0x2f: {  	lr =	sadd.s32 s0, s3;
	s0 =	sld [smem:$0x3FAE]  }
0x30: {  	s3 =	sld [smem:$0x3FB1]  }
0x31: {  	[smem:$0x3FBA] =	sst s10  }
0x32: {  	s10 =	sld [smem:$0x3FB8];
	_ =	sdelay $0x3  }
0x33: {  	p0 =	seq.s32 s10, $0x1;
	s10 =	sld [smem:$0x3FBA];
	_ =	sdelay $0x3  }
0x34: {  	[smem:$0x3FBA] =	sst s10  }
0x35: {  	s10 =	sld [smem:$0x3FB9];
	_ =	sdelay $0x3  }
0x36: {  	p1 =	seq.s32 s10, $0x1;
	s10 =	sld [smem:$0x3FBA];
	_ =	sdelay $0x3  }
0x37: {  	[smem:$0x3FBA] =	sst s10  }
0x38: {  	s10 =	sld [smem:$0x3FBB]  }
0x39: {  	_ = 	snop;
	(pc) =	sbr.ind lr, $3  }
0x3a: {  	_ = 	snop  }
0x3b: {  	_ = 	snop  }
0x3c: {  	p2 =	seq.s32 s10, $0x1;
	s10 =	sld [smem:$0x3FBA]  }
0x3d: {  	_ =	shalt  }
0x3e: {  	_ =	shalt  }
0x3f: {  	_ =	shalt  }
0x40: {  	_ =	shalt  }
0x41: {  	_ =	shalt  }
0x42: {  	_ =	shalt  }
0x43: {  	_ =	shalt  }
0x44: {  	_ =	shalt  }
0x45: {  	_ =	shalt  }
0x46: {  	_ =	shalt  }
0x47: {  	_ =	shalt  }
0x48: {  	_ =	shalt  }
0x49: {  	_ =	shalt  }
0x4a: {  	_ =	shalt  }
0x4b: {  	_ =	shalt  }
0x4c: {  	_ =	shalt  }
0x4d: {  	_ =	shalt  }
0x4e: {  	_ =	shalt  }
0x4f: {  	_ =	shalt  }
0x50: {  	_ =	shalt  }
0x51: {  	_ =	shalt  }
0x52: {  	_ =	shalt  }
0x53: {  	_ =	shalt  }
0x54: {  	_ =	shalt  }
0x55: {  	_ =	shalt  }
0x56: {  	_ =	shalt  }
0x57: {  	_ =	shalt  }
0x58: {  	_ =	shalt  }
0x59: {  	_ =	shalt  }
0x5a: {  	_ =	shalt  }
0x5b: {  	_ =	shalt  }
0x5c: {  	_ =	shalt  }
0x5d: {  	_ =	shalt  }
0x5e: {  	_ =	shalt  }
0x5f: {  	_ =	shalt  }
0x60: {  	_ =	shalt  }
0x61: {  	_ =	shalt  }
0x62: {  	_ =	shalt  }
0x63: {  	_ =	shalt  }
0x64: {  	_ =	shalt  }
0x65: {  	_ =	shalt  }
0x66: {  	_ =	shalt  }
0x67: {  	_ =	shalt  }
0x68: {  	_ =	shalt  }
0x69: {  	_ =	shalt  }
0x6a: {  	_ =	shalt  }
0x6b: {  	_ =	shalt  }
0x6c: {  	_ =	shalt  }
0x6d: {  	_ =	shalt  }
0x6e: {  	_ =	shalt  }
0x6f: {  	_ =	shalt  }
0x70: {  	_ =	shalt  }
0x71: {  	_ =	shalt  }
0x72: {  	_ =	shalt  }
0x73: {  	_ =	shalt  }
0x74: {  	_ =	shalt  }
0x75: {  	_ =	shalt  }
0x76: {  	_ =	shalt  }
0x77: {  	_ =	shalt  }
0x78: {  	_ =	shalt  }
0x79: {  	_ =	shalt  }
0x7a: {  	_ =	shalt  }
0x7b: {  	_ =	shalt  }
0x7c: {  	_ =	shalt  }
0x7d: {  	_ =	shalt  }
0x7e: {  	_ =	shalt  }
0x7f: {  	_ =	shalt  }
0x80: {  	_ =	shalt  }
0x81: {  	_ =	shalt  }
0x82: {  	_ =	shalt  }
0x83: {  	_ =	shalt  }
0x84: {  	_ =	shalt  }
0x85: {  	_ =	shalt  }
0x86: {  	_ =	shalt  }
0x87: {  	_ =	shalt  }
.Lfunc_end0:
.L_simem_size_0:
called_computation_lowered:
.L_overlay_start_0:
0x88: {  	s2 =	sld [smem:$0x3FD9]  }
0x89: {  	s3 =	sld [smem:$0x3FFE];
	_ =	sdelay $0x1  }
0x8a: {  	s1 =	srdreg.scid  }
0x8b: {  	s0 =	sand.u32 $0x1, s1  }
0x8c: {  	s17 =	sshll.u32 s0, $0xA;
	s2 =	sadd.s32 s3, s2  }
0x8d: {  	s2 =	sadd.s32 s2, s17  }
0x8e: {  	[smem:$0x3FC6] =	sst s2  }
0x8f: {  	_ = 	snop  }
0x90: {  	s2 =	sld [smem:$0x3FC9]  }
0x91: {  	s18 =	sld [smem:$0x3FC8];
	(tm) =	ssettm $0x1  }
0x92: {  	s4 =	sld [smem:$0x3FFB];
	_ =	sdelay $0x3  }
0x93: {  	_ =	strace s4  }
0x94: {  	s4 =	sld [smem:$0x3FFC];
	_ =	sdelay $0x3  }
0x95: {  	_ =	strace s4  }
0x96: {  	s4 =	sld [smem:$0x3FFD];
	_ =	sdelay $0x3  }
0x97: {  	_ =	strace s4  }
0x98: {  	_ =	strace $0x8FFFFFFF  }
0x99: {  	s19 =	sld [smem:$0x3FDB];
	_ =	sdelay $0x1  }
0x9a: {  	s5 =	simm.s32 $_scs_section_size  }
0x9b: {  	s6 =	simm.s32 $_size__tile_overlayer_lowered;
	s7 =	simm.s32 $_tile_overlayer_lowered  }
0x9c: {  	s22 =	simm.s32 $0x1BFF;
	s21 =	sshll.u32 s7, $0x1;
	s4 =	sadd.s32 s5, s19  }
0x9d: {  	s8 =	simm.s32 $0x0;
	s20 =	sshll.u32 s6, $0x1;
	s6 =	sadd.s32 s21, s4  }
0x9e: {  	[timem:s8], [sflag:s22] =	dma.local [hbm:s6], s20  }
0x9f: {  	_ =	swait.ge [sflag:s22], s20  }
0xa0: {  	s5 =	ssub.s32 $0x0, s20;
	[sflag:s22] =	ssyncset.done $0x0  }
0xa1: {  	[sflag:s22] =	ssyncadd.s32 s5;
	_ =	sdelay $0x1  }
0xa2: {  	s23 =	simm.s32 $0x1B8B  }
0xa3: {  	_ =	swait.ge [sflag:s23], $0x1  }
0xa4: {  	[sflag:s23] =	ssyncset.done $0x0  }
0xa5: {  	s25 =	simm.s32 $0x1B8E;
	s24 =	sld [smem:$0x3FFE];
	[sflag:s23] =	ssyncadd.s32 $0xFFFFFFFF  }
0xa6: {  	s26 =	simm.s32 $execute0_lowered;
	[smem:$0x3FD2] =	sst s25  }
0xa7: {  	s6 =	sshll.u32 s26, $0x1;
	_ =	strace $0x80000046;
	[dreg:$0x1] =	wrdreg $0xFFFFFFFF  }
0xa8: {  	s28 =	simm.s32 $_size_execute0_lowered;
	s4 =	sadd.s32 s4, s6;
	[dreg:$0x0] =	wrdreg $0x0  }
0xa9: {  	s6 =	sshll.u32 s28, $0x1;
	[dreg:$0x2] =	wrdreg s4  }
0xaa: {  	[dreg:$0x3] =	wrdreg s6  }
0xab: {  	[dreg:$0x4] =	wrdreg $0xC0  }
0xac: {  	_ =	task [dreg:s8], $0x5FFFF  }
0xad: {  	[dreg:$0x1] =	wrdreg $0xFFFFFFFF  }
0xae: {  	[dreg:$0x0] =	wrdreg $0x60  }
0xaf: {  	[dreg:$0x2] =	wrdreg s2  }
0xb0: {  	[dreg:$0x3] =	wrdreg s18  }
0xb1: {  	[dreg:$0x4] =	wrdreg s24  }
0xb2: {  	[dreg:$0x5] =	wrdreg $0x1C9800  }
0xb3: {  	[dreg:$0x6] =	wrdreg $0x1CB800  }
0xb4: {  	[dreg:$0x7] =	wrdreg $0x9  }
0xb5: {  	_ =	task.clear_ibuf [dreg:s8], $0x8FFFF;
	_ =	strace $0x90000046  }
0xb6: {  	s29 =	simm.s32 $0x9;
	_ =	strace $0x80000048  }
0xb7: {  	_ =	swait.ge [sflag:s29], $0x1  }
0xb8: {  	[sflag:s29] =	ssyncadd.s32 $0xFFFFFFFF  }
0xb9: {  	_ =	strace $0x90000048  }
0xba: {  	_ =	sfence  }
0xbb: {  	s30 =	sld [smem:$0x0];
	_ =	sdelay $0x2  }
0xbc: {  	s31 =	sshll.u32 s1, $0xD;
	s1 =	sshrl.u32 s1, $0x2  }
0xbd: {  	s3 =	sand.u32 $0x4000, s31;
	s1 =	sadd.s32 s1, s30  }
0xbe: {  	s0 =	sor.u32 s3, s0;
	s1 =	sshll.u32 s1, $0x11  }
0xbf: {  	s0 =	sor.u32 s1, s0  }
0xc0: {  	s0 =	sadd.s32 $0x8F2B, s0  }
0xc1: {  	[sflag:s0] =	ssyncadd.remote.s32 $0x1  }
0xc2: {  	_ =	sfence.sel $0xFFFF  }
0xc3: {  	[dreg:$0x0] =	wrdreg $0xFFFFFFFF;
	(pc) =	sbr.abs _section_cstart, $3  }
0xc4: {  	[dreg:$0x1] =	wrdreg $0xFFFFFFFF  }
0xc5: {  	_ =	task.clear_ibuf [dreg:s8], $0x2FFFF;
	_ =	strace $0x9FFFFFFF  }
0xc6: {  	(tm) =	ssettm $0x7FFFFFFF  }
0xc7: {  	_ =	shalt  }
tec
execute0_lowered:
.L_overlay_start_1:
0x0: {  	(tag) =	ssettag $0x1  }
0x1: {  	s0 =	srdreg.scid  }
0x2: {  	s13 =	sand.u32 $0x1, s0  }
0x3: {  	s0 =	stileid.u32;
	s1 =	sshll.u32 s13, $0x4  }
0x4: {  	s3 =	rddreg [dreg:$0x0];
	s21 =	smul.u32 $0xC350, s13;
	s1 =	sor.u32 s0, s1  }
0x5: {  	s2 =	rddreg [dreg:$0x2];
	s7 =	ssub.s32 $0x2, s13;
	s5 =	smul.u32 $0xC350, s1  }
0x6: {  	s6 =	sshll.u32 s13, $0xA;
	s15 =	sshrl.u32 s7, $0x1;
	s4 =	smul.u32 $0xC35, s1  }
0x7: {  	p0 =	sne.s32 s0, $0x0;
	s1 =	sadd.s32 s6, s2;
	s2 =	ssub.s32 s7, s15  }
0x8: {  	s5 =	sand.u32 $0x1FFF80, s5;
	s14 =	sand.u32 $0x1FFF8, s4;
	s4 =	sshrl.u32 s4, $0x3  }
0x9: {  	s5 =	sadd.s32 s3, s5;
	s7 =	sadd.s32 $0x80, s14;
	s8 =	sadd.s32 $0x100, s14  }
0xa: {  	s28 =	sadd.s32 $0x980, s14;
	s31 =	sadd.s32 $0xB00, s14;
	[dreg:$0x6] =	wrdreg s5  }
0xb: {  	s5 =	sadd.s32 $0x180, s14;
	s16 =	sshll.u32 s7, $0x4;
	s9 =	sshll.u32 s8, $0x4  }
0xc: {  	s7 =	sshrl.u32 s7, $0x3;
	s8 =	sshrl.u32 s8, $0x3;
	s6 =	sadd.s32 s3, s16  }
0xd: {  	s10 =	sshll.u32 s5, $0x4;
	s17 =	sadd.s32 s3, s9;
	[dreg:$0x7] =	wrdreg s6  }
0xe: {  	s9 =	sadd.s32 $0x200, s14;
	[dreg:$0x8] =	wrdreg s17;
	s18 =	sadd.s32 s3, s10  }
0xf: {  	s10 =	sadd.s32 $0x280, s14;
	s6 =	sadd.s32 $0x300, s14;
	s11 =	sshll.u32 s9, $0x4  }
0x10: {  	s17 =	smul.u32 $0xC35, s0;
	s9 =	sshrl.u32 s9, $0x3;
	[dreg:$0x9] =	wrdreg s18  }
0x11: {  	s12 =	sshll.u32 s10, $0x4;
	s15 =	sshll.u32 s6, $0x4;
	s11 =	sadd.s32 s3, s11  }
0x12: {  	[dreg:$0xa] =	wrdreg s11;
	s19 =	sadd.s32 s3, s12;
	s20 =	sadd.s32 s3, s15  }
0x13: {  	s11 =	sadd.s32 $0x380, s14;
	s12 =	sadd.s32 $0x400, s14;
	s21 =	sadd.s32 s17, s21  }
0x14: {  	s15 =	sadd.s32 $0x500, s14;
	[dreg:$0xb] =	wrdreg s19;
	s22 =	sshll.u32 s11, $0x4  }
0x15: {  	s17 =	sadd.s32 $0x580, s14;
	[dreg:$0xc] =	wrdreg s20;
	s13 =	sadd.s32 s3, s22  }
0x16: {  	s16 =	sshll.u32 s12, $0x4;
	[dreg:$0xd] =	wrdreg s13;
	s13 =	sadd.s32 $0x480, s14  }
0x17: {  	s25 =	sshll.u32 s15, $0x4;
	s18 =	sshll.u32 s17, $0x4;
	s24 =	sshll.u32 s13, $0x4  }
0x18: {  	s20 =	sadd.s32 $0x700, s14;
	s23 =	sadd.s32 s3, s16;
	s16 =	sadd.s32 s3, s24  }
0x19: {  	s18 =	sadd.s32 s3, s18;
	[dreg:$0xf] =	wrdreg s16;
	s16 =	sadd.s32 s3, s25  }
0x1a: {  	s22 =	sshll.u32 s20, $0x4;
	[dreg:$0x10] =	wrdreg s16;
	s16 =	sadd.s32 $0x600, s14  }
0x1b: {  	[dreg:$0x11] =	wrdreg s18;
	s18 =	sadd.s32 $0x680, s14;
	s19 =	sshll.u32 s16, $0x4  }
0x1c: {  	[dreg:$0xe] =	wrdreg s23;
	s26 =	sshll.u32 s18, $0x4;
	s19 =	sadd.s32 s3, s19  }
0x1d: {  	s22 =	sadd.s32 s3, s22;
	[dreg:$0x12] =	wrdreg s19;
	s19 =	sadd.s32 s3, s26  }
0x1e: {  	s23 =	sadd.s32 $0x800, s14;
	[dreg:$0x13] =	wrdreg s19;
	s19 =	sadd.s32 $0x780, s14  }
0x1f: {  	[dreg:$0x14] =	wrdreg s22;
	s25 =	sadd.s32 $0x880, s14;
	s29 =	sshll.u32 s19, $0x4  }
0x20: {  	s30 =	sshll.u32 s23, $0x4;
	s24 =	sshll.u32 s25, $0x4;
	s22 =	sadd.s32 s3, s29  }
0x21: {  	s26 =	sadd.s32 $0x900, s14;
	[dreg:$0x15] =	wrdreg s22;
	s22 =	sadd.s32 s3, s30  }
0x22: {  	s29 =	sshll.u32 s26, $0x4;
	[dreg:$0x16] =	wrdreg s22;
	s22 =	sadd.s32 s3, s24  }
0x23: {  	s30 =	sshll.u32 s28, $0x4;
	[dreg:$0x17] =	wrdreg s22;
	s22 =	sadd.s32 s3, s29  }
0x24: {  	s29 =	sadd.s32 $0xA00, s14;
	[dreg:$0x18] =	wrdreg s22;
	s22 =	sadd.s32 s3, s30  }
0x25: {  	s24 =	sshll.u32 s29, $0x4;
	s30 =	sadd.s32 $0xA80, s14;
	s14 =	sadd.s32 $0xB80, s14  }
0x26: {  	[dreg:$0x19] =	wrdreg s22;
	s22 =	sadd.s32 s3, s24;
	s24 =	sshll.u32 s30, $0x4  }
0x27: {  	[dreg:$0x1a] =	wrdreg s22;
	s22 =	sadd.s32 s3, s24;
	s24 =	sshll.u32 s31, $0x4  }
0x28: {  	[dreg:$0x1b] =	wrdreg s22;
	s22 =	sadd.s32 s3, s24;
	s24 =	sshll.u32 s14, $0x4  }
0x29: {  	s21 =	sshrl.u32 s21, $0x3;
	[dreg:$0x1c] =	wrdreg s22;
	s22 =	sadd.s32 s3, s24  }
0x2a: {  	s10 =	sshrl.u32 s10, $0x3;
	[dreg:$0x1d] =	wrdreg s22;
	s22 =	sshll.u32 s21, $0x7  }
0x2b: {  	s24 =	simm.s32 $0x0;
	s3 =	sadd.s32 s22, s3;
	s22 =	rddreg [dreg:$0x1]  }
0x2c: {  	s11 =	sshrl.u32 s11, $0x3;
	[smem:$0x7FF] =	sst s24;
	s4 =	sadd.s32 s22, s4  }
0x2d: {  	s12 =	sshrl.u32 s12, $0x3;
	s7 =	sadd.s32 s22, s7;
	[dreg:$0x1e] =	wrdreg s4  }
0x2e: {  	[dreg:$0x1f] =	wrdreg s7;
	s7 =	sadd.s32 s22, s8;
	s8 =	sshrl.u32 s5, $0x3  }
0x2f: {  	s21 =	sadd.s32 s22, s21;
	[smem:$0x7E0] =	sst s7;
	s4 =	sadd.s32 s22, s8  }
0x30: {  	s5 =	sshrl.u32 s19, $0x3;
	s8 =	sadd.s32 s22, s9;
	[smem:$0x7E1] =	sst s4  }
0x31: {  	s19 =	sshrl.u32 s14, $0x3;
	s9 =	sadd.s32 s22, s10;
	[smem:$0x7E2] =	sst s8  }
0x32: {  	s10 =	sshrl.u32 s6, $0x3;
	s7 =	sadd.s32 s22, s11;
	[smem:$0x7E3] =	sst s9  }
0x33: {  	s11 =	sshrl.u32 s17, $0x3;
	s4 =	sadd.s32 s22, s10;
	[smem:$0x7E5] =	sst s7  }
0x34: {  	s17 =	sshrl.u32 s20, $0x3;
	s8 =	sadd.s32 s22, s12;
	[smem:$0x7E4] =	sst s4  }
0x35: {  	s9 =	sshrl.u32 s13, $0x3;
	s13 =	sadd.s32 s22, s11;
	[smem:$0x7E6] =	sst s8  }
0x36: {  	s10 =	sshrl.u32 s15, $0x3;
	s20 =	sadd.s32 s22, s17;
	[smem:$0x7E9] =	sst s13  }
0x37: {  	s15 =	sshrl.u32 s16, $0x3;
	s4 =	sadd.s32 s22, s9;
	[smem:$0x7EC] =	sst s20  }
0x38: {  	s16 =	sshrl.u32 s18, $0x3;
	s12 =	sadd.s32 s22, s10;
	[smem:$0x7E7] =	sst s4  }
0x39: {  	s6 =	sshrl.u32 s23, $0x3;
	s18 =	sadd.s32 s22, s16;
	[smem:$0x7E8] =	sst s12  }
0x3a: {  	s7 =	sshrl.u32 s25, $0x3;
	s8 =	sadd.s32 s22, s6;
	[smem:$0x7EB] =	sst s18  }
0x3b: {  	s11 =	sshrl.u32 s28, $0x3;
	s9 =	sadd.s32 s22, s7;
	[smem:$0x7EE] =	sst s8  }
0x3c: {  	s14 =	simm.s32 $0x8;
	s13 =	sadd.s32 s22, s11;
	[smem:$0x7EF] =	sst s9  }
0x3d: {  	s17 =	sshrl.u32 s31, $0x3;
	s4 =	sadd.s32 s22, s15;
	[smem:$0x7F1] =	sst s13  }
0x3e: {  	s25 =	sadd.s32 $0xC00, s1;
	s18 =	sadd.s32 s22, s17;
	[smem:$0x7EA] =	sst s4  }
0x3f: {  	s1 =	sadd.s32 $0x1400, s1;
	s31 =	simm.s32 $0x19;
	[smem:$0x7F4] =	sst s18  }
0x40: {  	s12 =	sshrl.u32 s29, $0x3;
	s4 =	sadd.s32 s22, s5;
	s18 =	rddreg [dreg:$0x4]  }
0x41: {  	s28 =	simm.s32 $0x7;
	s15 =	sadd.s32 s22, s12;
	[smem:$0x7ED] =	sst s4  }
0x42: {  	s10 =	sshrl.u32 s26, $0x3;
	s16 =	sshrl.u32 s30, $0x3;
	[smem:$0x7F2] =	sst s15  }
0x43: {  	s20 =	smul.u32 $0x5, s0;
	s4 =	sadd.s32 s22, s10;
	s15 =	rddreg [dreg:$0x3]  }
0x44: {  	s0 =	sshll.u32 s0, $0x9;
	[smem:$0x7F0] =	sst s4;
	s4 =	sadd.s32 s22, s16  }
0x45: {  	s26 =	smax.u32 s2, $0x1;
	[smem:$0x7F3] =	sst s4;
	s4 =	sadd.s32 s22, s19  }
0x46: {  	s30 =	sadd.s32 $0x180, s21;
	s22 =	sadd.s32 s0, s15;
	[smem:$0x7F5] =	sst s4  }
0x47: {  	s0 =	sadd.s32 s0, s18;
	_ =	strace $0x80000047;
	[smem:$0x7F6] =	sst s22  }
0x48: {  	s21 =	simm.s32 $0xA;
	s29 =	sadd.s32 $0xC000, s3;
	[smem:$0x7F7] =	sst s0  }
0x49: {  	s9 =	simm.s32 $0x80;
	s8 =	simm.s32 $0x1C300;
	[smem:$0x7F8] =	sst s25  }
0x4a: {  	s5 =	sand.u32 $0x7, s20;
	s12 =	simm.s32 $0x1C700;
	[smem:$0x7F9] =	sst s1  }
0x4b: {  	s23 =	sadd.s32 $0x35, s5;
	s10 =	simm.s32 $0x18300;
	[smem:$0x7FB] =	sst s26  }
0x4c: {  	s16 =	simm.s32 $0x5;
	s0 =	sshrl.u32 s23, $0x3;
	[smem:$0x7FC] =	sst s29  }
0x4d: {  	[smem:$0x7FD] =	sst s30;
	s25 =	simm.s32 $0x1;
	s23 =	simm.s32 $0x2  }
0x4e: {  	v0 =	vimm.f32 $0.0e+00;
	v1 =	vimm.f32 $1.000000000e+00;
	s26 =	simm.s32 $0x10;
	[smem:$0x7FA] =	sst s0;
	s0 =	simm.s32 $0x0  }
.LBB2_1:
0x4f: {  	[tilespmem:$0x1C780] =	vst v0  }
0x50: {  	[tilespmem:$0x1C790] =	vst v0  }
0x51: {  	[tilespmem:$0x1C7A0] =	vst v0  }
0x52: {  	[tilespmem:$0x1C7B0] =	vst v0  }
0x53: {  	[tilespmem:$0x1C7C0] =	vst v0  }
0x54: {  	[tilespmem:$0x1C7D0] =	vst v0  }
0x55: {  	[tilespmem:$0x1C7E0] =	vst v0  }
0x56: {  	[tilespmem:$0x1C7F0] =	vst v0  }
0x57: {  	[tilespmem:$0x1C800] =	vst v0  }
0x58: {  	[tilespmem:$0x1C810] =	vst v0  }
0x59: {  	[tilespmem:$0x1C820] =	vst v0  }
0x5a: {  	[tilespmem:$0x1C830] =	vst v0  }
0x5b: {  	[tilespmem:$0x1C840] =	vst v0  }
0x5c: {  	[tilespmem:$0x1C850] =	vst v0  }
0x5d: {  	[tilespmem:$0x1C860] =	vst v0  }
0x5e: {  	[tilespmem:$0x1C870] =	vst v0  }
0x5f: {  	[tilespmem:$0x1C880] =	vst v0  }
0x60: {  	[tilespmem:$0x1C890] =	vst v0  }
0x61: {  	[tilespmem:$0x1C8A0] =	vst v0  }
0x62: {  	[tilespmem:$0x1C8B0] =	vst v0  }
0x63: {  	[tilespmem:$0x1C8C0] =	vst v0  }
0x64: {  	[tilespmem:$0x1C8D0] =	vst v0  }
0x65: {  	[tilespmem:$0x1C8E0] =	vst v0  }
0x66: {  	[tilespmem:$0x1C8F0] =	vst v0  }
0x67: {  	[tilespmem:$0x1C900] =	vst v0  }
0x68: {  	[tilespmem:$0x1C910] =	vst v0  }
0x69: {  	[tilespmem:$0x1C920] =	vst v0  }
0x6a: {  	[tilespmem:$0x1C930] =	vst v0  }
0x6b: {  	[tilespmem:$0x1C940] =	vst v0  }
0x6c: {  	[tilespmem:$0x1C950] =	vst v0  }
0x6d: {  	[tilespmem:$0x1C960] =	vst v0  }
0x6e: {  	[smem:$0x7DF] =	sst s0;
	[tilespmem:$0x1C970] =	vst v0;
	s17 =	simm.s32 $0x0;
	s19 =	simm.s32 $0x200  }
.LBB2_2:
0x6f: {  	p1 =	sne.s32 s19, $0xFE00;
	[tilespmem:s17+$0x18370] =	vst v1  }
0x70: {  	[tilespmem:s17+$0x18300] =	vst v1  }
0x71: {  	[tilespmem:s17+$0x18310] =	vst v1  }
.Ltmp0:
0x72: {  	[tilespmem:s17+$0x18320] =	vst v1;
	(pc) =	sbr.rel @p1 .LBB2_2-.Ltmp0, $4  }
0x73: {  	[tilespmem:s17+$0x18330] =	vst v1  }
0x74: {  	[tilespmem:s17+$0x18340] =	vst v1  }
0x75: {  	[tilespmem:s17+$0x18350] =	vst v1  }
0x76: {  	[tilespmem:s17+$0x18360] =	vst v1;
	s17 =	sshra.s32 s19, $0x2;
	s19 =	sadd.s32 $0x200, s19  }
0x77: {  	[tilespmem:s17+$0x18370] =	vst v1  }
0x78: {  	[tilespmem:s17+$0x18300] =	vst v1  }
0x79: {  	[tilespmem:s17+$0x18310] =	vst v1  }
0x7a: {  	[tilespmem:s17+$0x18320] =	vst v1  }
0x7b: {  	[tilespmem:s17+$0x18330] =	vst v1  }
0x7c: {  	[tilespmem:s17+$0x18340] =	vst v1;
	s0 =	sld [smem:$0x7F6]  }
0x7d: {  	[tilespmem:s17+$0x18350] =	vst v1  }
0x7e: {  	[tilespmem:s17+$0x18360] =	vst v1;
	s19 =	simm.s32 $0x1C780  }
0x7f: {  	[spmem:s0] =	stream.linear.scatter [tilespmem:s19], [sflag:$0x19], $0x200, $0x38;
	[tilespmem:$0x1CD80] =	vst v63  }
0x80: {  	_ =	swait.ge [sflag:s31], $0x200  }
0x81: {  	s1 =	sld [smem:$0x7F7]  }
0x82: {  	[sflag:s31] =	ssyncset.done $0x0  }
0x83: {  	[sflag:s31] =	ssyncadd.s32 $0xFFFFFE00  }
0x84: {  	[spmem:s1] =	stream.linear.scatter [tilespmem:s19], [sflag:$0x19], $0x200, $0x38;
	[tilespmem:$0x1CD80] =	vst v63  }
0x85: {  	_ =	swait.ge [sflag:s31], $0x200  }
0x86: {  	[sflag:s31] =	ssyncset.done $0x0  }
0x87: {  	[sflag:s31] =	ssyncadd.s32 $0xFFFFFE00  }
0x88: {  	[bflag:$0x0] =	sbarrier.arrive $0xFFFF  }
0x89: {  	s2 =	rddreg [dreg:$0x6]  }
0x8a: {  	s3 =	rddreg [dreg:$0x1e]  }
0x8b: {  	[tilespmem:s24], [sflag:$0x1] =	stream.linear.gather [hbm4b:s2+s24], $0x4000, $0x38;
	[tilespmem:$0x1CD80] =	vst v63  }
0x8c: {  	s30 =	simm.s32 $0x18000;
	s4 =	rddreg [dreg:$0x7]  }
0x8d: {  	[tilespmem:s30], [sflag:$0x7] =	stream.linear.gather [hbm4b:s3+s24], $0x80, $0x38;
	[tilespmem:$0x1CD80] =	vst v63  }
0x8e: {  	s0 =	simm.s32 $0x4000;
	s5 =	rddreg [dreg:$0x1f]  }
0x8f: {  	[tilespmem:s0], [sflag:$0x2] =	stream.linear.gather [hbm4b:s4+s24], $0x4000, $0x38;
	[tilespmem:$0x1CD80] =	vst v63  }
0x90: {  	s6 =	rddreg [dreg:$0x8];
	s4 =	simm.s32 $0x18080  }
0x91: {  	[tilespmem:s4], [sflag:$0x8] =	stream.linear.gather [hbm4b:s5+s24], $0x80, $0x38;
	[tilespmem:$0x1CD80] =	vst v63  }
0x92: {  	s7 =	simm.s32 $0x8000;
	s11 =	sld [smem:$0x7E0]  }
0x93: {  	[tilespmem:s7], [sflag:$0x3] =	stream.linear.gather [hbm4b:s6+s24], $0x4000, $0x38;
	[tilespmem:$0x1CD80] =	vst v63  }
0x94: {  	s29 =	simm.s32 $0x18100;
	s13 =	rddreg [dreg:$0x9]  }
0x95: {  	[tilespmem:s29], [sflag:$0x9] =	stream.linear.gather [hbm4b:s11+s24], $0x80, $0x38;
	[tilespmem:$0x1CD80] =	vst v63  }
0x96: {  	s19 =	simm.s32 $0xC000;
	s20 =	sld [smem:$0x7E1]  }
0x97: {  	[tilespmem:s19], [sflag:$0x4] =	stream.linear.gather [hbm4b:s13+s24], $0x4000, $0x38;
	[tilespmem:$0x1CD80] =	vst v63  }
0x98: {  	s13 =	simm.s32 $0x18180  }
0x99: {  	[tilespmem:s13], [sflag:$0xA] =	stream.linear.gather [hbm4b:s20+s24], $0x80, $0x38;
	[tilespmem:$0x1CD80] =	vst v63  }
0x9a: {  	_ =	swait.ge [sflag:s25], $0x4000  }
0x9b: {  	[sflag:s25] =	ssyncset.done $0x0  }
0x9c: {  	[sflag:s25] =	ssyncadd.s32 $0xFFFFC000  }
0x9d: {  	_ =	swait.ge [sflag:s28], $0x80  }
0x9e: {  	[sflag:s28] =	ssyncset.done $0x0  }
0x9f: {  	[sflag:s28] =	ssyncadd.s32 $0xFFFFFF80  }
0xa0: {  	[spmem:s15] =	stream.indirect.scatter.add.f32 [tilespmem:s24], [sflag:$0xD], $0x80, s30, s9, $0xb8;
	[tilespmem:$0x1CD80] =	vst v63  }
0xa1: {  	_ = 	snop  }
0xa2: {  	[spmem:s18] =	stream.indirect.scatter.add.f32 [tilespmem:s10], [sflag:$0x13], $0x80, s30, s9, $0xb8;
	[tilespmem:$0x1CD80] =	vst v63  }
0xa3: {  	s1 =	simm.s32 $0x10000;
	s22 =	rddreg [dreg:$0xa]  }
0xa4: {  	[tilespmem:s1], [sflag:$0x5] =	stream.linear.gather [hbm4b:s22+s24], $0x4000, $0x38;
	[tilespmem:$0x1CD80] =	vst v63  }
0xa5: {  	s1 =	sld [smem:$0x7E2];
	_ =	sdelay $0x1  }
0xa6: {  	s5 =	simm.s32 $0x18200  }
0xa7: {  	[tilespmem:s5], [sflag:$0xB] =	stream.linear.gather [hbm4b:s1+s24], $0x80, $0x38;
	[tilespmem:$0x1CD80] =	vst v63  }
0xa8: {  	_ =	swait.ge [sflag:s23], $0x4000  }
0xa9: {  	[sflag:s23] =	ssyncset.done $0x0  }
0xaa: {  	[sflag:s23] =	ssyncadd.s32 $0xFFFFC000  }
0xab: {  	_ =	swait.ge [sflag:s14], $0x80  }
0xac: {  	[sflag:s14] =	ssyncset.done $0x0  }
0xad: {  	s2 =	simm.s32 $0x4000;
	[sflag:s14] =	ssyncadd.s32 $0xFFFFFF80  }
0xae: {  	[spmem:s15] =	stream.indirect.scatter.add.f32 [tilespmem:s2], [sflag:$0xE], $0x80, s4, s9, $0xb8;
	[tilespmem:$0x1CD80] =	vst v63  }
0xaf: {  	s11 =	sld [smem:$0x7E3]  }
0xb0: {  	[spmem:s18] =	stream.indirect.scatter.add.f32 [tilespmem:s10], [sflag:$0x14], $0x80, s4, s9, $0xb8;
	[tilespmem:$0x1CD80] =	vst v63  }
0xb1: {  	s3 =	simm.s32 $0x14000;
	s2 =	rddreg [dreg:$0xb]  }
0xb2: {  	[tilespmem:s3], [sflag:$0x6] =	stream.linear.gather [hbm4b:s2+s24], $0x4000, $0x38;
	[tilespmem:$0x1CD80] =	vst v63  }
0xb3: {  	s17 =	simm.s32 $0x3;
	s1 =	simm.s32 $0x18280  }
0xb4: {  	[tilespmem:s1], [sflag:$0xC] =	stream.linear.gather [hbm4b:s11+s24], $0x80, $0x38;
	[tilespmem:$0x1CD80] =	vst v63  }
0xb5: {  	_ =	swait.ge [sflag:s17], $0x4000  }
0xb6: {  	[sflag:s17] =	ssyncset.done $0x0  }
0xb7: {  	s19 =	simm.s32 $0x9;
	[sflag:s17] =	ssyncadd.s32 $0xFFFFC000  }
0xb8: {  	_ =	swait.ge [sflag:s19], $0x80  }
0xb9: {  	[sflag:s19] =	ssyncset.done $0x0  }
0xba: {  	s2 =	simm.s32 $0x8000;
	[sflag:s19] =	ssyncadd.s32 $0xFFFFFF80  }
0xbb: {  	[spmem:s15] =	stream.indirect.scatter.add.f32 [tilespmem:s2], [sflag:$0xF], $0x80, s29, s9, $0xb8;
	[tilespmem:$0x1CD80] =	vst v63  }
0xbc: {  	s3 =	simm.s32 $0xD  }
0xbd: {  	[spmem:s18] =	stream.indirect.scatter.add.f32 [tilespmem:s10], [sflag:$0x15], $0x80, s29, s9, $0xb8;
	[tilespmem:$0x1CD80] =	vst v63  }
0xbe: {  	_ =	swait.ge [sflag:s3], $0x4000  }
0xbf: {  	[sflag:s3] =	ssyncset.done $0x0  }
0xc0: {  	s20 =	simm.s32 $0x13;
	[sflag:s3] =	ssyncadd.s32 $0xFFFFC000  }
0xc1: {  	_ =	swait.ge [sflag:s20], $0x4000  }
0xc2: {  	[sflag:s20] =	ssyncset.done $0x0;
	s3 =	rddreg [dreg:$0xc]  }
0xc3: {  	s11 =	sld [smem:$0x7E4];
	[sflag:s20] =	ssyncadd.s32 $0xFFFFC000  }
0xc4: {  	[tilespmem:s24], [sflag:$0x1] =	stream.linear.gather [hbm4b:s3+s24], $0x4000, $0x38;
	[tilespmem:$0x1CD80] =	vst v63  }
0xc5: {  	s20 =	simm.s32 $0x4  }
0xc6: {  	[tilespmem:s30], [sflag:$0x7] =	stream.linear.gather [hbm4b:s11+s24], $0x80, $0x38;
	[tilespmem:$0x1CD80] =	vst v63  }
0xc7: {  	_ =	swait.ge [sflag:s20], $0x4000  }
0xc8: {  	[sflag:s20] =	ssyncset.done $0x0  }
0xc9: {  	[sflag:s20] =	ssyncadd.s32 $0xFFFFC000  }
0xca: {  	_ =	swait.ge [sflag:s21], $0x80  }
0xcb: {  	[sflag:s21] =	ssyncset.done $0x0  }
0xcc: {  	s0 =	simm.s32 $0xC000;
	[sflag:s21] =	ssyncadd.s32 $0xFFFFFF80  }
0xcd: {  	[spmem:s15] =	stream.indirect.scatter.add.f32 [tilespmem:s0], [sflag:$0x10], $0x80, s13, s9, $0xb8;
	[tilespmem:$0x1CD80] =	vst v63  }
0xce: {  	s17 =	simm.s32 $0xE  }
0xcf: {  	[spmem:s18] =	stream.indirect.scatter.add.f32 [tilespmem:s10], [sflag:$0x16], $0x80, s13, s9, $0xb8;
	[tilespmem:$0x1CD80] =	vst v63  }
0xd0: {  	_ =	swait.ge [sflag:s17], $0x4000  }
0xd1: {  	[sflag:s17] =	ssyncset.done $0x0  }
0xd2: {  	s19 =	simm.s32 $0x14;
	[sflag:s17] =	ssyncadd.s32 $0xFFFFC000  }
0xd3: {  	_ =	swait.ge [sflag:s19], $0x4000  }
0xd4: {  	[sflag:s19] =	ssyncset.done $0x0  }
0xd5: {  	s6 =	simm.s32 $0x4000;
	s3 =	rddreg [dreg:$0xd];
	[sflag:s19] =	ssyncadd.s32 $0xFFFFC000  }
0xd6: {  	[tilespmem:s6], [sflag:$0x2] =	stream.linear.gather [hbm4b:s3+s24], $0x4000, $0x38;
	[tilespmem:$0x1CD80] =	vst v63  }
0xd7: {  	s6 =	sld [smem:$0x7E5];
	_ =	sdelay $0x2  }
0xd8: {  	[tilespmem:s4], [sflag:$0x8] =	stream.linear.gather [hbm4b:s6+s24], $0x80, $0x38;
	[tilespmem:$0x1CD80] =	vst v63  }
0xd9: {  	_ =	swait.ge [sflag:s16], $0x4000  }
0xda: {  	[sflag:s16] =	ssyncset.done $0x0  }
0xdb: {  	s19 =	simm.s32 $0xB;
	[sflag:s16] =	ssyncadd.s32 $0xFFFFC000  }
0xdc: {  	_ =	swait.ge [sflag:s19], $0x80  }
0xdd: {  	[sflag:s19] =	ssyncset.done $0x0  }
0xde: {  	s7 =	simm.s32 $0x10000;
	[sflag:s19] =	ssyncadd.s32 $0xFFFFFF80  }
0xdf: {  	[spmem:s15] =	stream.indirect.scatter.add.f32 [tilespmem:s7], [sflag:$0x11], $0x80, s5, s9, $0xb8;
	[tilespmem:$0x1CD80] =	vst v63  }
0xe0: {  	s7 =	simm.s32 $0xF  }
0xe1: {  	[spmem:s18] =	stream.indirect.scatter.add.f32 [tilespmem:s10], [sflag:$0x17], $0x80, s5, s9, $0xb8;
	[tilespmem:$0x1CD80] =	vst v63  }
0xe2: {  	_ =	swait.ge [sflag:s7], $0x4000  }
0xe3: {  	[sflag:s7] =	ssyncset.done $0x0  }
0xe4: {  	s17 =	simm.s32 $0x15;
	[sflag:s7] =	ssyncadd.s32 $0xFFFFC000  }
0xe5: {  	_ =	swait.ge [sflag:s17], $0x4000  }
0xe6: {  	[sflag:s17] =	ssyncset.done $0x0;
	s6 =	rddreg [dreg:$0xe]  }
0xe7: {  	s7 =	sld [smem:$0x7E6];
	[sflag:s17] =	ssyncadd.s32 $0xFFFFC000  }
0xe8: {  	[tilespmem:s2], [sflag:$0x3] =	stream.linear.gather [hbm4b:s6+s24], $0x4000, $0x38;
	[tilespmem:$0x1CD80] =	vst v63  }
0xe9: {  	_ = 	snop  }
0xea: {  	[tilespmem:s29], [sflag:$0x9] =	stream.linear.gather [hbm4b:s7+s24], $0x80, $0x38;
	[tilespmem:$0x1CD80] =	vst v63  }
0xeb: {  	s7 =	simm.s32 $0x6  }
0xec: {  	_ =	swait.ge [sflag:s7], $0x4000  }
0xed: {  	[sflag:s7] =	ssyncset.done $0x0  }
0xee: {  	s6 =	simm.s32 $0xC;
	[sflag:s7] =	ssyncadd.s32 $0xFFFFC000  }
0xef: {  	_ =	swait.ge [sflag:s6], $0x80  }
0xf0: {  	[sflag:s6] =	ssyncset.done $0x0  }
0xf1: {  	s22 =	simm.s32 $0x14000;
	[sflag:s6] =	ssyncadd.s32 $0xFFFFFF80  }
0xf2: {  	[spmem:s15] =	stream.indirect.scatter.add.f32 [tilespmem:s22], [sflag:$0x12], $0x80, s1, s9, $0xb8;
	[tilespmem:$0x1CD80] =	vst v63  }
0xf3: {  	_ = 	snop  }
0xf4: {  	[spmem:s18] =	stream.indirect.scatter.add.f32 [tilespmem:s10], [sflag:$0x18], $0x80, s1, s9, $0xb8;
	[tilespmem:$0x1CD80] =	vst v63  }
0xf5: {  	_ =	swait.ge [sflag:s26], $0x4000  }
0xf6: {  	[sflag:s26] =	ssyncset.done $0x0  }
0xf7: {  	s22 =	simm.s32 $0x16;
	[sflag:s26] =	ssyncadd.s32 $0xFFFFC000  }
0xf8: {  	_ =	swait.ge [sflag:s22], $0x4000  }
0xf9: {  	[sflag:s22] =	ssyncset.done $0x0  }
0xfa: {  	s11 =	simm.s32 $0xC000;
	s0 =	rddreg [dreg:$0xf];
	[sflag:s22] =	ssyncadd.s32 $0xFFFFC000  }
0xfb: {  	[tilespmem:s11], [sflag:$0x4] =	stream.linear.gather [hbm4b:s0+s24], $0x4000, $0x38;
	[tilespmem:$0x1CD80] =	vst v63  }
0xfc: {  	s11 =	sld [smem:$0x7E7];
	_ =	sdelay $0x2  }
0xfd: {  	[tilespmem:s13], [sflag:$0xA] =	stream.linear.gather [hbm4b:s11+s24], $0x80, $0x38;
	[tilespmem:$0x1CD80] =	vst v63  }
0xfe: {  	_ =	swait.ge [sflag:s25], $0x4000  }
0xff: {  	[sflag:s25] =	ssyncset.done $0x0  }
0x100: {  	[sflag:s25] =	ssyncadd.s32 $0xFFFFC000  }
0x101: {  	_ =	swait.ge [sflag:s28], $0x80  }
0x102: {  	[sflag:s28] =	ssyncset.done $0x0  }
0x103: {  	[sflag:s28] =	ssyncadd.s32 $0xFFFFFF80  }
0x104: {  	[spmem:s15] =	stream.indirect.scatter.add.f32 [tilespmem:s24], [sflag:$0xD], $0x80, s30, s9, $0xb8;
	[tilespmem:$0x1CD80] =	vst v63  }
0x105: {  	s11 =	simm.s32 $0x11  }
0x106: {  	[spmem:s18] =	stream.indirect.scatter.add.f32 [tilespmem:s10], [sflag:$0x13], $0x80, s30, s9, $0xb8;
	[tilespmem:$0x1CD80] =	vst v63  }
0x107: {  	_ =	swait.ge [sflag:s11], $0x4000  }
0x108: {  	[sflag:s11] =	ssyncset.done $0x0  }
0x109: {  	s13 =	simm.s32 $0x17;
	[sflag:s11] =	ssyncadd.s32 $0xFFFFC000  }
0x10a: {  	_ =	swait.ge [sflag:s13], $0x4000  }
0x10b: {  	[sflag:s13] =	ssyncset.done $0x0  }
0x10c: {  	s3 =	simm.s32 $0x10000;
	s0 =	rddreg [dreg:$0x10];
	[sflag:s13] =	ssyncadd.s32 $0xFFFFC000  }
0x10d: {  	[tilespmem:s3], [sflag:$0x5] =	stream.linear.gather [hbm4b:s0+s24], $0x4000, $0x38;
	[tilespmem:$0x1CD80] =	vst v63  }
0x10e: {  	s0 =	sld [smem:$0x7E8];
	_ =	sdelay $0x2  }
0x10f: {  	[tilespmem:s5], [sflag:$0xB] =	stream.linear.gather [hbm4b:s0+s24], $0x80, $0x38;
	[tilespmem:$0x1CD80] =	vst v63  }
0x110: {  	_ =	swait.ge [sflag:s23], $0x4000  }
0x111: {  	[sflag:s23] =	ssyncset.done $0x0  }
0x112: {  	[sflag:s23] =	ssyncadd.s32 $0xFFFFC000  }
0x113: {  	_ =	swait.ge [sflag:s14], $0x80  }
0x114: {  	[sflag:s14] =	ssyncset.done $0x0  }
0x115: {  	s0 =	simm.s32 $0x4000;
	[sflag:s14] =	ssyncadd.s32 $0xFFFFFF80  }
0x116: {  	[spmem:s15] =	stream.indirect.scatter.add.f32 [tilespmem:s0], [sflag:$0xE], $0x80, s4, s9, $0xb8;
	[tilespmem:$0x1CD80] =	vst v63  }
0x117: {  	s5 =	simm.s32 $0x12  }
0x118: {  	[spmem:s18] =	stream.indirect.scatter.add.f32 [tilespmem:s10], [sflag:$0x14], $0x80, s4, s9, $0xb8;
	[tilespmem:$0x1CD80] =	vst v63  }
0x119: {  	_ =	swait.ge [sflag:s5], $0x4000  }
0x11a: {  	[sflag:s5] =	ssyncset.done $0x0  }
0x11b: {  	s3 =	simm.s32 $0x18;
	[sflag:s5] =	ssyncadd.s32 $0xFFFFC000  }
0x11c: {  	_ =	swait.ge [sflag:s3], $0x4000  }
0x11d: {  	[sflag:s3] =	ssyncset.done $0x0  }
0x11e: {  	s2 =	simm.s32 $0x14000;
	s17 =	rddreg [dreg:$0x11];
	[sflag:s3] =	ssyncadd.s32 $0xFFFFC000  }
0x11f: {  	[tilespmem:s2], [sflag:$0x6] =	stream.linear.gather [hbm4b:s17+s24], $0x4000, $0x38;
	[tilespmem:$0x1CD80] =	vst v63  }
0x120: {  	s2 =	sld [smem:$0x7E9];
	_ =	sdelay $0x1  }
0x121: {  	s17 =	simm.s32 $0x3  }
0x122: {  	[tilespmem:s1], [sflag:$0xC] =	stream.linear.gather [hbm4b:s2+s24], $0x80, $0x38;
	[tilespmem:$0x1CD80] =	vst v63  }
0x123: {  	_ =	swait.ge [sflag:s17], $0x4000  }
0x124: {  	[sflag:s17] =	ssyncset.done $0x0  }
0x125: {  	s2 =	simm.s32 $0x9;
	[sflag:s17] =	ssyncadd.s32 $0xFFFFC000  }
0x126: {  	_ =	swait.ge [sflag:s2], $0x80  }
0x127: {  	[sflag:s2] =	ssyncset.done $0x0  }
0x128: {  	s17 =	simm.s32 $0x8000;
	[sflag:s2] =	ssyncadd.s32 $0xFFFFFF80  }
0x129: {  	[spmem:s15] =	stream.indirect.scatter.add.f32 [tilespmem:s17], [sflag:$0xF], $0x80, s29, s9, $0xb8;
	[tilespmem:$0x1CD80] =	vst v63  }
0x12a: {  	s2 =	simm.s32 $0xD  }
0x12b: {  	[spmem:s18] =	stream.indirect.scatter.add.f32 [tilespmem:s10], [sflag:$0x15], $0x80, s29, s9, $0xb8;
	[tilespmem:$0x1CD80] =	vst v63  }
0x12c: {  	_ =	swait.ge [sflag:s2], $0x4000  }
0x12d: {  	[sflag:s2] =	ssyncset.done $0x0  }
0x12e: {  	s17 =	simm.s32 $0x13;
	[sflag:s2] =	ssyncadd.s32 $0xFFFFC000  }
0x12f: {  	_ =	swait.ge [sflag:s17], $0x4000  }
0x130: {  	[sflag:s17] =	ssyncset.done $0x0;
	s1 =	rddreg [dreg:$0x12]  }
0x131: {  	s2 =	sld [smem:$0x7EA];
	[sflag:s17] =	ssyncadd.s32 $0xFFFFC000  }
0x132: {  	[tilespmem:s24], [sflag:$0x1] =	stream.linear.gather [hbm4b:s1+s24], $0x4000, $0x38;
	[tilespmem:$0x1CD80] =	vst v63  }
0x133: {  	_ = 	snop  }
0x134: {  	[tilespmem:s30], [sflag:$0x7] =	stream.linear.gather [hbm4b:s2+s24], $0x80, $0x38;
	[tilespmem:$0x1CD80] =	vst v63  }
0x135: {  	_ =	swait.ge [sflag:s20], $0x4000  }
0x136: {  	[sflag:s20] =	ssyncset.done $0x0  }
0x137: {  	[sflag:s20] =	ssyncadd.s32 $0xFFFFC000  }
0x138: {  	_ =	swait.ge [sflag:s21], $0x80  }
0x139: {  	[sflag:s21] =	ssyncset.done $0x0  }
0x13a: {  	s17 =	simm.s32 $0xC000;
	s1 =	simm.s32 $0x18180;
	[sflag:s21] =	ssyncadd.s32 $0xFFFFFF80  }
0x13b: {  	[spmem:s15] =	stream.indirect.scatter.add.f32 [tilespmem:s17], [sflag:$0x10], $0x80, s1, s9, $0xb8;
	[tilespmem:$0x1CD80] =	vst v63  }
0x13c: {  	s17 =	simm.s32 $0xE  }
0x13d: {  	[spmem:s18] =	stream.indirect.scatter.add.f32 [tilespmem:s10], [sflag:$0x16], $0x80, s1, s9, $0xb8;
	[tilespmem:$0x1CD80] =	vst v63  }
0x13e: {  	_ =	swait.ge [sflag:s17], $0x4000  }
0x13f: {  	[sflag:s17] =	ssyncset.done $0x0  }
0x140: {  	[sflag:s17] =	ssyncadd.s32 $0xFFFFC000;
	s17 =	simm.s32 $0x14  }
0x141: {  	_ =	swait.ge [sflag:s17], $0x4000  }
0x142: {  	[sflag:s17] =	ssyncset.done $0x0  }
0x143: {  	s1 =	rddreg [dreg:$0x13];
	[sflag:s17] =	ssyncadd.s32 $0xFFFFC000  }
0x144: {  	[tilespmem:s0], [sflag:$0x2] =	stream.linear.gather [hbm4b:s1+s24], $0x4000, $0x38;
	[tilespmem:$0x1CD80] =	vst v63  }
0x145: {  	s0 =	sld [smem:$0x7EB];
	_ =	sdelay $0x2  }
0x146: {  	[tilespmem:s4], [sflag:$0x8] =	stream.linear.gather [hbm4b:s0+s24], $0x80, $0x38;
	[tilespmem:$0x1CD80] =	vst v63  }
0x147: {  	_ =	swait.ge [sflag:s16], $0x4000  }
0x148: {  	[sflag:s16] =	ssyncset.done $0x0  }
0x149: {  	[sflag:s16] =	ssyncadd.s32 $0xFFFFC000  }
0x14a: {  	_ =	swait.ge [sflag:s19], $0x80  }
0x14b: {  	[sflag:s19] =	ssyncset.done $0x0  }
0x14c: {  	s1 =	simm.s32 $0x18200;
	s4 =	simm.s32 $0x10000;
	[sflag:s19] =	ssyncadd.s32 $0xFFFFFF80  }
0x14d: {  	[spmem:s15] =	stream.indirect.scatter.add.f32 [tilespmem:s4], [sflag:$0x11], $0x80, s1, s9, $0xb8;
	[tilespmem:$0x1CD80] =	vst v63  }
0x14e: {  	s17 =	simm.s32 $0xF  }
0x14f: {  	[spmem:s18] =	stream.indirect.scatter.add.f32 [tilespmem:s10], [sflag:$0x17], $0x80, s1, s9, $0xb8;
	[tilespmem:$0x1CD80] =	vst v63  }
0x150: {  	_ =	swait.ge [sflag:s17], $0x4000  }
0x151: {  	[sflag:s17] =	ssyncset.done $0x0  }
0x152: {  	[sflag:s17] =	ssyncadd.s32 $0xFFFFC000;
	s17 =	simm.s32 $0x15  }
0x153: {  	_ =	swait.ge [sflag:s17], $0x4000  }
0x154: {  	[sflag:s17] =	ssyncset.done $0x0  }
0x155: {  	s0 =	simm.s32 $0x8000;
	[sflag:s17] =	ssyncadd.s32 $0xFFFFC000;
	s17 =	rddreg [dreg:$0x14]  }
0x156: {  	[tilespmem:s0], [sflag:$0x3] =	stream.linear.gather [hbm4b:s17+s24], $0x4000, $0x38;
	[tilespmem:$0x1CD80] =	vst v63  }
0x157: {  	s0 =	sld [smem:$0x7EC];
	_ =	sdelay $0x2  }
0x158: {  	[tilespmem:s29], [sflag:$0x9] =	stream.linear.gather [hbm4b:s0+s24], $0x80, $0x38;
	[tilespmem:$0x1CD80] =	vst v63  }
0x159: {  	_ =	swait.ge [sflag:s7], $0x4000  }
0x15a: {  	[sflag:s7] =	ssyncset.done $0x0  }
0x15b: {  	[sflag:s7] =	ssyncadd.s32 $0xFFFFC000  }
0x15c: {  	_ =	swait.ge [sflag:s6], $0x80  }
0x15d: {  	[sflag:s6] =	ssyncset.done $0x0  }
0x15e: {  	s0 =	simm.s32 $0x18280;
	s29 =	simm.s32 $0x14000;
	[sflag:s6] =	ssyncadd.s32 $0xFFFFFF80  }
0x15f: {  	[spmem:s15] =	stream.indirect.scatter.add.f32 [tilespmem:s29], [sflag:$0x12], $0x80, s0, s9, $0xb8;
	[tilespmem:$0x1CD80] =	vst v63  }
0x160: {  	_ = 	snop  }
0x161: {  	[spmem:s18] =	stream.indirect.scatter.add.f32 [tilespmem:s10], [sflag:$0x18], $0x80, s0, s9, $0xb8;
	[tilespmem:$0x1CD80] =	vst v63  }
0x162: {  	_ =	swait.ge [sflag:s26], $0x4000  }
0x163: {  	[sflag:s26] =	ssyncset.done $0x0  }
0x164: {  	[sflag:s26] =	ssyncadd.s32 $0xFFFFC000  }
0x165: {  	_ =	swait.ge [sflag:s22], $0x4000  }
0x166: {  	[sflag:s22] =	ssyncset.done $0x0  }
0x167: {  	s29 =	simm.s32 $0xC000;
	s17 =	rddreg [dreg:$0x15];
	[sflag:s22] =	ssyncadd.s32 $0xFFFFC000  }
0x168: {  	[tilespmem:s29], [sflag:$0x4] =	stream.linear.gather [hbm4b:s17+s24], $0x4000, $0x38;
	[tilespmem:$0x1CD80] =	vst v63  }
0x169: {  	s29 =	sld [smem:$0x7ED];
	_ =	sdelay $0x1  }
0x16a: {  	s2 =	simm.s32 $0x18180  }
0x16b: {  	[tilespmem:s2], [sflag:$0xA] =	stream.linear.gather [hbm4b:s29+s24], $0x80, $0x38;
	[tilespmem:$0x1CD80] =	vst v63  }
0x16c: {  	_ =	swait.ge [sflag:s25], $0x4000  }
0x16d: {  	[sflag:s25] =	ssyncset.done $0x0  }
0x16e: {  	[sflag:s25] =	ssyncadd.s32 $0xFFFFC000  }
0x16f: {  	_ =	swait.ge [sflag:s28], $0x80  }
0x170: {  	[sflag:s28] =	ssyncset.done $0x0  }
0x171: {  	[sflag:s28] =	ssyncadd.s32 $0xFFFFFF80  }
0x172: {  	[spmem:s15] =	stream.indirect.scatter.add.f32 [tilespmem:s24], [sflag:$0xD], $0x80, s30, s9, $0xb8;
	[tilespmem:$0x1CD80] =	vst v63  }
0x173: {  	_ = 	snop  }
0x174: {  	[spmem:s18] =	stream.indirect.scatter.add.f32 [tilespmem:s10], [sflag:$0x13], $0x80, s30, s9, $0xb8;
	[tilespmem:$0x1CD80] =	vst v63  }
0x175: {  	_ =	swait.ge [sflag:s11], $0x4000  }
0x176: {  	[sflag:s11] =	ssyncset.done $0x0  }
0x177: {  	[sflag:s11] =	ssyncadd.s32 $0xFFFFC000  }
0x178: {  	_ =	swait.ge [sflag:s13], $0x4000  }
0x179: {  	[sflag:s13] =	ssyncset.done $0x0  }
0x17a: {  	s2 =	rddreg [dreg:$0x16];
	[sflag:s13] =	ssyncadd.s32 $0xFFFFC000  }
0x17b: {  	[tilespmem:s4], [sflag:$0x5] =	stream.linear.gather [hbm4b:s2+s24], $0x4000, $0x38;
	[tilespmem:$0x1CD80] =	vst v63  }
0x17c: {  	s4 =	sld [smem:$0x7EE];
	_ =	sdelay $0x1  }
0x17d: {  	s1 =	simm.s32 $0x18200  }
0x17e: {  	[tilespmem:s1], [sflag:$0xB] =	stream.linear.gather [hbm4b:s4+s24], $0x80, $0x38;
	[tilespmem:$0x1CD80] =	vst v63  }
0x17f: {  	_ =	swait.ge [sflag:s23], $0x4000  }
0x180: {  	[sflag:s23] =	ssyncset.done $0x0  }
0x181: {  	[sflag:s23] =	ssyncadd.s32 $0xFFFFC000  }
0x182: {  	_ =	swait.ge [sflag:s14], $0x80  }
0x183: {  	[sflag:s14] =	ssyncset.done $0x0  }
0x184: {  	s17 =	simm.s32 $0x18080;
	s29 =	simm.s32 $0x4000;
	[sflag:s14] =	ssyncadd.s32 $0xFFFFFF80  }
0x185: {  	[spmem:s15] =	stream.indirect.scatter.add.f32 [tilespmem:s29], [sflag:$0xE], $0x80, s17, s9, $0xb8;
	[tilespmem:$0x1CD80] =	vst v63  }
0x186: {  	_ = 	snop  }
0x187: {  	[spmem:s18] =	stream.indirect.scatter.add.f32 [tilespmem:s10], [sflag:$0x14], $0x80, s17, s9, $0xb8;
	[tilespmem:$0x1CD80] =	vst v63  }
0x188: {  	_ =	swait.ge [sflag:s5], $0x4000  }
0x189: {  	[sflag:s5] =	ssyncset.done $0x0  }
0x18a: {  	[sflag:s5] =	ssyncadd.s32 $0xFFFFC000  }
0x18b: {  	_ =	swait.ge [sflag:s3], $0x4000  }
0x18c: {  	[sflag:s3] =	ssyncset.done $0x0  }
0x18d: {  	s29 =	simm.s32 $0x14000;
	s1 =	rddreg [dreg:$0x17];
	[sflag:s3] =	ssyncadd.s32 $0xFFFFC000  }
0x18e: {  	[tilespmem:s29], [sflag:$0x6] =	stream.linear.gather [hbm4b:s1+s24], $0x4000, $0x38;
	[tilespmem:$0x1CD80] =	vst v63  }
0x18f: {  	s1 =	sld [smem:$0x7EF];
	_ =	sdelay $0x1  }
0x190: {  	s0 =	simm.s32 $0x18280  }
0x191: {  	[tilespmem:s0], [sflag:$0xC] =	stream.linear.gather [hbm4b:s1+s24], $0x80, $0x38;
	[tilespmem:$0x1CD80] =	vst v63  }
0x192: {  	s1 =	simm.s32 $0x3  }
0x193: {  	_ =	swait.ge [sflag:s1], $0x4000  }
0x194: {  	[sflag:s1] =	ssyncset.done $0x0  }
0x195: {  	s17 =	simm.s32 $0x9;
	[sflag:s1] =	ssyncadd.s32 $0xFFFFC000  }
0x196: {  	_ =	swait.ge [sflag:s17], $0x80  }
0x197: {  	[sflag:s17] =	ssyncset.done $0x0  }
0x198: {  	s0 =	simm.s32 $0x8000;
	s1 =	simm.s32 $0x18100;
	[sflag:s17] =	ssyncadd.s32 $0xFFFFFF80  }
0x199: {  	[spmem:s15] =	stream.indirect.scatter.add.f32 [tilespmem:s0], [sflag:$0xF], $0x80, s1, s9, $0xb8;
	[tilespmem:$0x1CD80] =	vst v63  }
0x19a: {  	_ = 	snop  }
0x19b: {  	[spmem:s18] =	stream.indirect.scatter.add.f32 [tilespmem:s10], [sflag:$0x15], $0x80, s1, s9, $0xb8;
	[tilespmem:$0x1CD80] =	vst v63  }
0x19c: {  	s1 =	simm.s32 $0xD  }
0x19d: {  	_ =	swait.ge [sflag:s1], $0x4000  }
0x19e: {  	[sflag:s1] =	ssyncset.done $0x0  }
0x19f: {  	[sflag:s1] =	ssyncadd.s32 $0xFFFFC000;
	s1 =	simm.s32 $0x13  }
0x1a0: {  	_ =	swait.ge [sflag:s1], $0x4000  }
0x1a1: {  	[sflag:s1] =	ssyncset.done $0x0  }
0x1a2: {  	[sflag:s1] =	ssyncadd.s32 $0xFFFFC000;
	s1 =	rddreg [dreg:$0x18]  }
0x1a3: {  	[tilespmem:s24], [sflag:$0x1] =	stream.linear.gather [hbm4b:s1+s24], $0x4000, $0x38;
	[tilespmem:$0x1CD80] =	vst v63  }
0x1a4: {  	s1 =	sld [smem:$0x7F0];
	_ =	sdelay $0x2  }
0x1a5: {  	[tilespmem:s30], [sflag:$0x7] =	stream.linear.gather [hbm4b:s1+s24], $0x80, $0x38;
	[tilespmem:$0x1CD80] =	vst v63  }
0x1a6: {  	_ =	swait.ge [sflag:s20], $0x4000  }
0x1a7: {  	[sflag:s20] =	ssyncset.done $0x0  }
0x1a8: {  	[sflag:s20] =	ssyncadd.s32 $0xFFFFC000  }
0x1a9: {  	_ =	swait.ge [sflag:s21], $0x80  }
0x1aa: {  	[sflag:s21] =	ssyncset.done $0x0  }
0x1ab: {  	s17 =	simm.s32 $0x18180;
	s1 =	simm.s32 $0xC000;
	[sflag:s21] =	ssyncadd.s32 $0xFFFFFF80  }
0x1ac: {  	[spmem:s15] =	stream.indirect.scatter.add.f32 [tilespmem:s1], [sflag:$0x10], $0x80, s17, s9, $0xb8;
	[tilespmem:$0x1CD80] =	vst v63  }
0x1ad: {  	_ = 	snop  }
0x1ae: {  	[spmem:s18] =	stream.indirect.scatter.add.f32 [tilespmem:s10], [sflag:$0x16], $0x80, s17, s9, $0xb8;
	[tilespmem:$0x1CD80] =	vst v63  }
0x1af: {  	s17 =	simm.s32 $0xE  }
0x1b0: {  	_ =	swait.ge [sflag:s17], $0x4000  }
0x1b1: {  	[sflag:s17] =	ssyncset.done $0x0  }
0x1b2: {  	[sflag:s17] =	ssyncadd.s32 $0xFFFFC000;
	s17 =	simm.s32 $0x14  }
0x1b3: {  	_ =	swait.ge [sflag:s17], $0x4000  }
0x1b4: {  	[sflag:s17] =	ssyncset.done $0x0  }
0x1b5: {  	s2 =	simm.s32 $0x4000;
	[sflag:s17] =	ssyncadd.s32 $0xFFFFC000;
	s17 =	rddreg [dreg:$0x19]  }
0x1b6: {  	[tilespmem:s2], [sflag:$0x2] =	stream.linear.gather [hbm4b:s17+s24], $0x4000, $0x38;
	[tilespmem:$0x1CD80] =	vst v63  }
0x1b7: {  	s2 =	sld [smem:$0x7F1];
	_ =	sdelay $0x1  }
0x1b8: {  	s4 =	simm.s32 $0x18080  }
0x1b9: {  	[tilespmem:s4], [sflag:$0x8] =	stream.linear.gather [hbm4b:s2+s24], $0x80, $0x38;
	[tilespmem:$0x1CD80] =	vst v63  }
0x1ba: {  	_ =	swait.ge [sflag:s16], $0x4000  }
0x1bb: {  	[sflag:s16] =	ssyncset.done $0x0  }
0x1bc: {  	[sflag:s16] =	ssyncadd.s32 $0xFFFFC000  }
0x1bd: {  	_ =	swait.ge [sflag:s19], $0x80  }
0x1be: {  	[sflag:s19] =	ssyncset.done $0x0  }
0x1bf: {  	s17 =	simm.s32 $0x18200;
	s2 =	simm.s32 $0x10000;
	[sflag:s19] =	ssyncadd.s32 $0xFFFFFF80  }
0x1c0: {  	[spmem:s15] =	stream.indirect.scatter.add.f32 [tilespmem:s2], [sflag:$0x11], $0x80, s17, s9, $0xb8;
	[tilespmem:$0x1CD80] =	vst v63  }
0x1c1: {  	_ = 	snop  }
0x1c2: {  	[spmem:s18] =	stream.indirect.scatter.add.f32 [tilespmem:s10], [sflag:$0x17], $0x80, s17, s9, $0xb8;
	[tilespmem:$0x1CD80] =	vst v63  }
0x1c3: {  	s17 =	simm.s32 $0xF  }
0x1c4: {  	_ =	swait.ge [sflag:s17], $0x4000  }
0x1c5: {  	[sflag:s17] =	ssyncset.done $0x0  }
0x1c6: {  	[sflag:s17] =	ssyncadd.s32 $0xFFFFC000;
	s17 =	simm.s32 $0x15  }
0x1c7: {  	_ =	swait.ge [sflag:s17], $0x4000  }
0x1c8: {  	[sflag:s17] =	ssyncset.done $0x0  }
0x1c9: {  	[sflag:s17] =	ssyncadd.s32 $0xFFFFC000;
	s17 =	rddreg [dreg:$0x1a]  }
0x1ca: {  	[tilespmem:s0], [sflag:$0x3] =	stream.linear.gather [hbm4b:s17+s24], $0x4000, $0x38;
	[tilespmem:$0x1CD80] =	vst v63  }
0x1cb: {  	s17 =	sld [smem:$0x7F2];
	_ =	sdelay $0x1  }
0x1cc: {  	s0 =	simm.s32 $0x18100  }
0x1cd: {  	[tilespmem:s0], [sflag:$0x9] =	stream.linear.gather [hbm4b:s17+s24], $0x80, $0x38;
	[tilespmem:$0x1CD80] =	vst v63  }
0x1ce: {  	_ =	swait.ge [sflag:s7], $0x4000  }
0x1cf: {  	[sflag:s7] =	ssyncset.done $0x0  }
0x1d0: {  	[sflag:s7] =	ssyncadd.s32 $0xFFFFC000  }
0x1d1: {  	_ =	swait.ge [sflag:s6], $0x80  }
0x1d2: {  	[sflag:s6] =	ssyncset.done $0x0  }
0x1d3: {  	s0 =	simm.s32 $0x18280;
	[sflag:s6] =	ssyncadd.s32 $0xFFFFFF80  }
0x1d4: {  	[spmem:s15] =	stream.indirect.scatter.add.f32 [tilespmem:s29], [sflag:$0x12], $0x80, s0, s9, $0xb8;
	[tilespmem:$0x1CD80] =	vst v63  }
0x1d5: {  	_ = 	snop  }
0x1d6: {  	[spmem:s18] =	stream.indirect.scatter.add.f32 [tilespmem:s10], [sflag:$0x18], $0x80, s0, s9, $0xb8;
	[tilespmem:$0x1CD80] =	vst v63  }
0x1d7: {  	_ =	swait.ge [sflag:s26], $0x4000  }
0x1d8: {  	[sflag:s26] =	ssyncset.done $0x0  }
0x1d9: {  	[sflag:s26] =	ssyncadd.s32 $0xFFFFC000  }
0x1da: {  	_ =	swait.ge [sflag:s22], $0x4000  }
0x1db: {  	[sflag:s22] =	ssyncset.done $0x0  }
0x1dc: {  	s17 =	rddreg [dreg:$0x1b];
	[sflag:s22] =	ssyncadd.s32 $0xFFFFC000  }
0x1dd: {  	[tilespmem:s1], [sflag:$0x4] =	stream.linear.gather [hbm4b:s17+s24], $0x4000, $0x38;
	[tilespmem:$0x1CD80] =	vst v63  }
0x1de: {  	s17 =	sld [smem:$0x7F3];
	_ =	sdelay $0x1  }
0x1df: {  	s1 =	simm.s32 $0x18180  }
0x1e0: {  	[tilespmem:s1], [sflag:$0xA] =	stream.linear.gather [hbm4b:s17+s24], $0x80, $0x38;
	[tilespmem:$0x1CD80] =	vst v63  }
0x1e1: {  	_ =	swait.ge [sflag:s25], $0x4000  }
0x1e2: {  	[sflag:s25] =	ssyncset.done $0x0  }
0x1e3: {  	[sflag:s25] =	ssyncadd.s32 $0xFFFFC000  }
0x1e4: {  	_ =	swait.ge [sflag:s28], $0x80  }
0x1e5: {  	[sflag:s28] =	ssyncset.done $0x0  }
0x1e6: {  	[sflag:s28] =	ssyncadd.s32 $0xFFFFFF80  }
0x1e7: {  	[spmem:s15] =	stream.indirect.scatter.add.f32 [tilespmem:s24], [sflag:$0xD], $0x80, s30, s9, $0xb8;
	[tilespmem:$0x1CD80] =	vst v63  }
0x1e8: {  	_ = 	snop  }
0x1e9: {  	[spmem:s18] =	stream.indirect.scatter.add.f32 [tilespmem:s10], [sflag:$0x13], $0x80, s30, s9, $0xb8;
	[tilespmem:$0x1CD80] =	vst v63  }
0x1ea: {  	_ =	swait.ge [sflag:s11], $0x4000  }
0x1eb: {  	[sflag:s11] =	ssyncset.done $0x0  }
0x1ec: {  	[sflag:s11] =	ssyncadd.s32 $0xFFFFC000  }
0x1ed: {  	_ =	swait.ge [sflag:s13], $0x4000  }
0x1ee: {  	[sflag:s13] =	ssyncset.done $0x0;
	s1 =	rddreg [dreg:$0x1c]  }
0x1ef: {  	s17 =	sld [smem:$0x7F4];
	[sflag:s13] =	ssyncadd.s32 $0xFFFFC000  }
0x1f0: {  	[tilespmem:s2], [sflag:$0x5] =	stream.linear.gather [hbm4b:s1+s24], $0x4000, $0x38;
	[tilespmem:$0x1CD80] =	vst v63  }
0x1f1: {  	s1 =	simm.s32 $0x18200  }
0x1f2: {  	[tilespmem:s1], [sflag:$0xB] =	stream.linear.gather [hbm4b:s17+s24], $0x80, $0x38;
	[tilespmem:$0x1CD80] =	vst v63  }
0x1f3: {  	_ =	swait.ge [sflag:s23], $0x4000  }
0x1f4: {  	[sflag:s23] =	ssyncset.done $0x0  }
0x1f5: {  	[sflag:s23] =	ssyncadd.s32 $0xFFFFC000  }
0x1f6: {  	_ =	swait.ge [sflag:s14], $0x80  }
0x1f7: {  	[sflag:s14] =	ssyncset.done $0x0  }
0x1f8: {  	s1 =	simm.s32 $0x4000;
	[sflag:s14] =	ssyncadd.s32 $0xFFFFFF80  }
0x1f9: {  	[spmem:s15] =	stream.indirect.scatter.add.f32 [tilespmem:s1], [sflag:$0xE], $0x80, s4, s9, $0xb8;
	[tilespmem:$0x1CD80] =	vst v63  }
0x1fa: {  	_ = 	snop  }
0x1fb: {  	[spmem:s18] =	stream.indirect.scatter.add.f32 [tilespmem:s10], [sflag:$0x14], $0x80, s4, s9, $0xb8;
	[tilespmem:$0x1CD80] =	vst v63  }
0x1fc: {  	_ =	swait.ge [sflag:s5], $0x4000  }
0x1fd: {  	[sflag:s5] =	ssyncset.done $0x0  }
0x1fe: {  	[sflag:s5] =	ssyncadd.s32 $0xFFFFC000  }
0x1ff: {  	_ =	swait.ge [sflag:s3], $0x4000  }
0x200: {  	[sflag:s3] =	ssyncset.done $0x0;
	s1 =	rddreg [dreg:$0x1d]  }
0x201: {  	s29 =	simm.s32 $0x14000;
	s4 =	sld [smem:$0x7F5];
	[sflag:s3] =	ssyncadd.s32 $0xFFFFC000  }
0x202: {  	[tilespmem:s29], [sflag:$0x6] =	stream.linear.gather [hbm4b:s1+s24], $0x4000, $0x38;
	[tilespmem:$0x1CD80] =	vst v63  }
0x203: {  	s0 =	simm.s32 $0x18280;
	s1 =	simm.s32 $0x3  }
0x204: {  	[tilespmem:s0], [sflag:$0xC] =	stream.linear.gather [hbm4b:s4+s24], $0x80, $0x38;
	[tilespmem:$0x1CD80] =	vst v63  }
0x205: {  	_ =	swait.ge [sflag:s1], $0x4000  }
0x206: {  	[sflag:s1] =	ssyncset.done $0x0  }
0x207: {  	s17 =	simm.s32 $0x9;
	[sflag:s1] =	ssyncadd.s32 $0xFFFFC000  }
0x208: {  	_ =	swait.ge [sflag:s17], $0x80  }
0x209: {  	[sflag:s17] =	ssyncset.done $0x0  }
0x20a: {  	s4 =	simm.s32 $0x18100;
	s1 =	simm.s32 $0x8000;
	[sflag:s17] =	ssyncadd.s32 $0xFFFFFF80  }
0x20b: {  	[spmem:s15] =	stream.indirect.scatter.add.f32 [tilespmem:s1], [sflag:$0xF], $0x80, s4, s9, $0xb8;
	[tilespmem:$0x1CD80] =	vst v63  }
0x20c: {  	_ = 	snop  }
0x20d: {  	[spmem:s18] =	stream.indirect.scatter.add.f32 [tilespmem:s10], [sflag:$0x15], $0x80, s4, s9, $0xb8;
	[tilespmem:$0x1CD80] =	vst v63  }
0x20e: {  	_ =	swait.ge [sflag:s20], $0x4000  }
0x20f: {  	[sflag:s20] =	ssyncset.done $0x0  }
0x210: {  	[sflag:s20] =	ssyncadd.s32 $0xFFFFC000  }
0x211: {  	_ =	swait.ge [sflag:s21], $0x80  }
0x212: {  	[sflag:s21] =	ssyncset.done $0x0  }
0x213: {  	s17 =	simm.s32 $0xC000;
	s20 =	simm.s32 $0x18180;
	[sflag:s21] =	ssyncadd.s32 $0xFFFFFF80  }
0x214: {  	[spmem:s15] =	stream.indirect.scatter.add.f32 [tilespmem:s17], [sflag:$0x10], $0x80, s20, s9, $0xb8;
	[tilespmem:$0x1CD80] =	vst v63  }
0x215: {  	_ = 	snop  }
0x216: {  	[spmem:s18] =	stream.indirect.scatter.add.f32 [tilespmem:s10], [sflag:$0x16], $0x80, s20, s9, $0xb8;
	[tilespmem:$0x1CD80] =	vst v63  }
0x217: {  	_ =	swait.ge [sflag:s16], $0x4000  }
0x218: {  	[sflag:s16] =	ssyncset.done $0x0  }
0x219: {  	[sflag:s16] =	ssyncadd.s32 $0xFFFFC000  }
0x21a: {  	_ =	swait.ge [sflag:s19], $0x80  }
0x21b: {  	[sflag:s19] =	ssyncset.done $0x0  }
0x21c: {  	s2 =	simm.s32 $0x10000;
	s20 =	simm.s32 $0x18200;
	[sflag:s19] =	ssyncadd.s32 $0xFFFFFF80  }
0x21d: {  	[spmem:s15] =	stream.indirect.scatter.add.f32 [tilespmem:s2], [sflag:$0x11], $0x80, s20, s9, $0xb8;
	[tilespmem:$0x1CD80] =	vst v63  }
0x21e: {  	_ = 	snop  }
0x21f: {  	[spmem:s18] =	stream.indirect.scatter.add.f32 [tilespmem:s10], [sflag:$0x17], $0x80, s20, s9, $0xb8;
	[tilespmem:$0x1CD80] =	vst v63  }
0x220: {  	_ =	swait.ge [sflag:s7], $0x4000  }
0x221: {  	[sflag:s7] =	ssyncset.done $0x0  }
0x222: {  	[sflag:s7] =	ssyncadd.s32 $0xFFFFC000  }
0x223: {  	_ =	swait.ge [sflag:s6], $0x80  }
0x224: {  	[sflag:s6] =	ssyncset.done $0x0  }
0x225: {  	[sflag:s6] =	ssyncadd.s32 $0xFFFFFF80  }
0x226: {  	[spmem:s15] =	stream.indirect.scatter.add.f32 [tilespmem:s29], [sflag:$0x12], $0x80, s0, s9, $0xb8;
	[tilespmem:$0x1CD80] =	vst v63  }
0x227: {  	s4 =	simm.s32 $0xD  }
0x228: {  	[spmem:s18] =	stream.indirect.scatter.add.f32 [tilespmem:s10], [sflag:$0x18], $0x80, s0, s9, $0xb8;
	[tilespmem:$0x1CD80] =	vst v63  }
0x229: {  	_ =	swait.ge [sflag:s4], $0x4000  }
0x22a: {  	[sflag:s4] =	ssyncset.done $0x0  }
0x22b: {  	s6 =	simm.s32 $0x13;
	[sflag:s4] =	ssyncadd.s32 $0xFFFFC000  }
0x22c: {  	_ =	swait.ge [sflag:s6], $0x4000  }
0x22d: {  	[sflag:s6] =	ssyncset.done $0x0  }
0x22e: {  	s7 =	simm.s32 $0xE;
	[sflag:s6] =	ssyncadd.s32 $0xFFFFC000  }
0x22f: {  	_ =	swait.ge [sflag:s7], $0x4000  }
0x230: {  	[sflag:s7] =	ssyncset.done $0x0  }
0x231: {  	s17 =	simm.s32 $0x14;
	[sflag:s7] =	ssyncadd.s32 $0xFFFFC000  }
0x232: {  	_ =	swait.ge [sflag:s17], $0x4000  }
0x233: {  	[sflag:s17] =	ssyncset.done $0x0  }
0x234: {  	s19 =	simm.s32 $0xF;
	[sflag:s17] =	ssyncadd.s32 $0xFFFFC000  }
0x235: {  	_ =	swait.ge [sflag:s19], $0x4000  }
0x236: {  	[sflag:s19] =	ssyncset.done $0x0  }
0x237: {  	s20 =	simm.s32 $0x15;
	[sflag:s19] =	ssyncadd.s32 $0xFFFFC000  }
0x238: {  	_ =	swait.ge [sflag:s20], $0x4000  }
0x239: {  	[sflag:s20] =	ssyncset.done $0x0  }
0x23a: {  	[sflag:s20] =	ssyncadd.s32 $0xFFFFC000  }
0x23b: {  	_ =	swait.ge [sflag:s26], $0x4000  }
0x23c: {  	[sflag:s26] =	ssyncset.done $0x0  }
0x23d: {  	[sflag:s26] =	ssyncadd.s32 $0xFFFFC000  }
0x23e: {  	_ =	swait.ge [sflag:s22], $0x4000  }
0x23f: {  	[sflag:s22] =	ssyncset.done $0x0  }
0x240: {  	[sflag:s22] =	ssyncadd.s32 $0xFFFFC000  }
0x241: {  	_ =	swait.ge [sflag:s11], $0x4000  }
0x242: {  	[sflag:s11] =	ssyncset.done $0x0  }
0x243: {  	[sflag:s11] =	ssyncadd.s32 $0xFFFFC000  }
0x244: {  	_ =	swait.ge [sflag:s13], $0x4000  }
0x245: {  	[sflag:s13] =	ssyncset.done $0x0  }
0x246: {  	[sflag:s13] =	ssyncadd.s32 $0xFFFFC000  }
0x247: {  	_ =	swait.ge [sflag:s5], $0x4000  }
0x248: {  	[sflag:s5] =	ssyncset.done $0x0  }
0x249: {  	[sflag:s5] =	ssyncadd.s32 $0xFFFFC000  }
0x24a: {  	_ =	swait.ge [sflag:s3], $0x4000  }
0x24b: {  	s19 =	sld [smem:$0x7FC]  }
0x24c: {  	[sflag:s3] =	ssyncset.done $0x0  }
0x24d: {  	[sflag:s3] =	ssyncadd.s32 $0xFFFFC000  }
0x24e: {  	[tilespmem:s8], [sflag:$0x19] =	stream.linear.gather [hbm4b:s19+s24], $0x400, $0x38;
	[tilespmem:$0x1CD80] =	vst v63  }
0x24f: {  	_ =	swait.ge [sflag:s31], $0x400  }
0x250: {  	s30 =	sld [smem:$0x7FD]  }
0x251: {  	[sflag:s31] =	ssyncset.done $0x0  }
0x252: {  	[sflag:s31] =	ssyncadd.s32 $0xFFFFFC00  }
0x253: {  	[tilespmem:s12], [sflag:$0x19] =	stream.linear.gather [hbm4b:s30+s24], $0x8, $0x38;
	[tilespmem:$0x1CD80] =	vst v63  }
0x254: {  	_ =	swait.ge [sflag:s31], $0x8  }
0x255: {  	[sflag:s31] =	ssyncset.done $0x0  }
0x256: {  	[sflag:s31] =	ssyncadd.s32 $0xFFFFFFF8  }
0x257: {  	[spmem:s15] =	stream.indirect.scatter.add.f32 [tilespmem:s8], [sflag:$0x19], $0x80, s12, s14, $0xb8;
	[tilespmem:$0x1CD80] =	vst v63  }
0x258: {  	_ =	swait.ge [sflag:s31], $0x400  }
0x259: {  	s29 =	sld [smem:$0x7FA];
	_ =	sdelay $0x2  }
0x25a: {  	p1 =	sne.s32 s29, $0x1  }
.Ltmp1:
0x25b: {  	[sflag:s31] =	ssyncset.done $0x0;
	(pc) =	sbr.rel @!p1 .LBB2_5-.Ltmp1, $4  }
0x25c: {  	[sflag:s31] =	ssyncadd.s32 $0xFFFFFC00  }
0x25d: {  	[spmem:s18] =	stream.indirect.scatter.add.f32 [tilespmem:s10], [sflag:$0x19], $0x80, s12, s14, $0xb8;
	[tilespmem:$0x1CD80] =	vst v63  }
0x25e: {  	_ =	swait.ge [sflag:s31], $0x400  }
0x25f: {  	s17 =	sadd.s32 $0xFFFFFFFF, s29;
	[sflag:s31] =	ssyncset.done $0x0  }
.LBB2_4:
0x260: {  	[sflag:s31] =	ssyncadd.s32 $0xFFFFFC00;
	s19 =	sadd.s32 $0x80, s19;
	s30 =	sadd.s32 $0x1, s30  }
0x261: {  	[tilespmem:s8], [sflag:$0x19] =	stream.linear.gather [hbm4b:s19+s24], $0x400, $0x38;
	[tilespmem:$0x1CD80] =	vst v63  }
0x262: {  	p1 =	sne.s32 s17, $0x1;
	s17 =	sadd.s32 $0xFFFFFFFF, s17;
	_ =	swait.ge [sflag:s31], $0x400  }
0x263: {  	[sflag:s31] =	ssyncset.done $0x0  }
0x264: {  	[sflag:s31] =	ssyncadd.s32 $0xFFFFFC00  }
0x265: {  	[tilespmem:s12], [sflag:$0x19] =	stream.linear.gather [hbm4b:s30+s24], $0x8, $0x38;
	[tilespmem:$0x1CD80] =	vst v63  }
0x266: {  	_ =	swait.ge [sflag:s31], $0x8  }
0x267: {  	[sflag:s31] =	ssyncset.done $0x0  }
0x268: {  	[sflag:s31] =	ssyncadd.s32 $0xFFFFFFF8  }
0x269: {  	[spmem:s15] =	stream.indirect.scatter.add.f32 [tilespmem:s8], [sflag:$0x19], $0x80, s12, s14, $0xb8;
	[tilespmem:$0x1CD80] =	vst v63  }
0x26a: {  	_ =	swait.ge [sflag:s31], $0x400  }
.Ltmp2:
0x26b: {  	[sflag:s31] =	ssyncset.done $0x0;
	(pc) =	sbr.rel @p1 .LBB2_4-.Ltmp2, $4  }
0x26c: {  	[sflag:s31] =	ssyncadd.s32 $0xFFFFFC00  }
0x26d: {  	[spmem:s18] =	stream.indirect.scatter.add.f32 [tilespmem:s10], [sflag:$0x19], $0x80, s12, s14, $0xb8;
	[tilespmem:$0x1CD80] =	vst v63  }
0x26e: {  	_ =	swait.ge [sflag:s31], $0x400  }
0x26f: {  	[sflag:s31] =	ssyncset.done $0x0  }
.LBB2_5:
0x270: {  	[sflag:s31] =	ssyncadd.s32 $0xFFFFFC00  }
0x271: {  	[bflag:$0x0] =	sbarrier.arrive $0xFFFF  }
0x272: {  	s30 =	sld [smem:$0x7F8];
	_ =	sdelay $0x1  }
0x273: {  	s17 =	sshrl.u32 @!p0 s15, $0x3;
	s19 =	simm.s32 @!p0 $0x1C19  }
0x274: {  	[hbm:s30], [sflag:s19] =	dma.local @!p0 [spmem:s17], $0x400  }
0x275: {  	s17 =	simm.s32 @!p0 $0x19  }
0x276: {  	_ =	swait.ge @!p0 [sflag:s17], $0x400  }
0x277: {  	s20 =	sld [smem:$0x7F9]  }
0x278: {  	[sflag:s17] =	ssyncset.done @!p0 $0x0  }
0x279: {  	s30 =	sshrl.u32 @!p0 s18, $0x3;
	[sflag:s17] =	ssyncadd.s32 @!p0 $0xFFFFFC00  }
0x27a: {  	[hbm:s20], [sflag:s19] =	dma.local @!p0 [spmem:s30], $0x400  }
0x27b: {  	_ =	swait.ge @!p0 [sflag:s17], $0x400  }
0x27c: {  	s0 =	sld [smem:$0x7DF]  }
0x27d: {  	s30 =	sld [smem:$0x7FB];
	_ =	sdelay $0x1  }
0x27e: {  	s0 =	sadd.s32 $0x1, s0  }
0x27f: {  	p1 =	sne.s32 s0, s30  }
.Ltmp3:
0x280: {  	_ = 	snop;
	(pc) =	sbr.rel @p1 .LBB2_1-.Ltmp3, $3  }
0x281: {  	_ =	sdelay $0x1  }
0x282: {  	[sflag:s17] =	ssyncset.done @!p0 $0x0  }
0x283: {  	[sflag:s17] =	ssyncadd.s32 @!p0 $0xFFFFFC00  }
0x284: {  	_ =	sfence.sel $0x180000  }
0x285: {  	[bflag:$0x0] =	sbarrier.arrive $0xFFFF  }
0x286: {  	_ =	strace $0x90000047  }
0x287: {  	[bflag:$0x2] =	sbarrier.arrive $0xFFFF  }
0x288: {  	s0 =	rddreg [dreg:$0x5]  }
0x289: {  	s0 =	sadd.s32 @!p0 $0x100000, s0  }
0x28a: {  	[sflag:s0] =	ssyncadd.tile.s32 @!p0 $0x1;
	_ =	shalt  }
.Lfunc_end2:
_tile_overlayer_lowered:
.L_overlay_start_2:
0x28b: {  	(tag) =	ssettag $0x2  }
0x28c: {  	s0 =	rddreg [dreg:$0x0];
	s2 =	stileid.u32  }
0x28d: {  	s1 =	rddreg [dreg:$0x1];
	p0 =	sne.s32 s2, $0x0  }
0x28e: {  	s3 =	rddreg [dreg:$0x2];
	[bflag:$0x3] =	sbarrier.arrive $0xFFFF;
	s2 =	simm.s32 @!p0 $0x1C19  }
0x28f: {  	[timem:s3], [sflag:s2] =	dma.local @!p0 [hbm:s0], s1  }
0x290: {  	s0 =	simm.s32 @!p0 $0x19  }
0x291: {  	_ =	swait.ge @!p0 [sflag:s0], s1  }
0x292: {  	s1 =	ssub.s32 @!p0 $0x0, s1;
	[sflag:s0] =	ssyncset.done @!p0 $0x0  }
0x293: {  	[sflag:s0] =	ssyncadd.s32 @!p0 s1  }
0x294: {  	[bflag:$0x3] =	sbarrier.arrive $0xFFFF  }
0x295: {  	_ =	shalt  }

</sc_bundles>
